<compile_context>
chip_gen: v7x
topology: tpu7x:2x2x1
jax: 0.10.2.dev20260603
libtpu: 0.0.44.dev20260713+nightly
codegen_flags: <defaults>
</compile_context>

<pallas_src>
import functools

import jax
import jax.numpy as jnp
from jax import lax
from jax.experimental import pallas as pl
from jax.experimental.pallas import tpu as pltpu
from jax.experimental.pallas import tpu_sc as plsc

_BATCH = 16384
_STRIDE0 = 10000
_STRIDE1 = 100
_NC = 1
_NS = 16
_NW = _NC * _NS
_BPW = _BATCH // _NW
_GCHUNK = 128
_NGATHER = _BPW // _GCHUNK
_CWORDS = 3 * _GCHUNK


def _sc_lookup_body(xs_hbm, table_hbm, out_hbm, xs_v, idx_v, out_v, in_sem, g_sem, o_sem):
    wid = lax.axis_index("s") * _NC + lax.axis_index("c")
    base = wid * _BPW

    in_copies = [
        pltpu.async_copy(
            xs_hbm.at[pl.ds((wid * _NGATHER + k) * _CWORDS, _CWORDS)],
            xs_v.at[k],
            in_sem.at[k],
        )
        for k in range(_NGATHER)
    ]

    gathers = []
    for k in range(_NGATHER):
        in_copies[k].wait()
        for c8 in range(_GCHUNK // 16):
            off = c8 * 16
            x0 = xs_v[k, pl.ds(off, 16)]
            x1 = xs_v[k, pl.ds(_GCHUNK + off, 16)]
            x2 = xs_v[k, pl.ds(2 * _GCHUNK + off, 16)]
            idx_v[k, pl.ds(off, 16)] = x0 * _STRIDE0 + x1 * _STRIDE1 + x2
        gathers.append(
            pltpu.async_copy(
                table_hbm.at[idx_v.at[k]],
                out_v.at[pl.ds(k * _GCHUNK, _GCHUNK)],
                g_sem.at[k],
            )
        )

    out_copies = []
    for k in range(_NGATHER):
        gathers[k].wait()
        out_copies.append(
            pltpu.async_copy(
                out_v.at[pl.ds(k * _GCHUNK, _GCHUNK)],
                out_hbm.at[pl.ds(base + k * _GCHUNK, _GCHUNK)],
                o_sem,
            )
        )
    for oc in out_copies:
        oc.wait()


@functools.partial(
    pl.kernel,
    out_type=jax.ShapeDtypeStruct((_BATCH,), jnp.float32),
    mesh=plsc.VectorSubcoreMesh(
        core_axis_name="c", subcore_axis_name="s", num_cores=_NC, num_subcores=_NS
    ),
    scratch_types=[
        pltpu.VMEM((_NGATHER, _CWORDS), jnp.int32),
        pltpu.VMEM((_NGATHER, _GCHUNK), jnp.int32),
        pltpu.VMEM((_BPW,), jnp.float32),
        pltpu.SemaphoreType.DMA((_NGATHER,)),
        pltpu.SemaphoreType.DMA((_NGATHER,)),
        pltpu.SemaphoreType.DMA,
    ],
)
def _sc_lookup(xs_hbm, table_hbm, out_hbm, xs_v, idx_v, out_v, in_sem, g_sem, o_sem):
    _sc_lookup_body(xs_hbm, table_hbm, out_hbm, xs_v, idx_v, out_v, in_sem, g_sem, o_sem)


def kernel(xs, embed_weight):
    xs_r = xs.reshape(_NW, _NGATHER, _GCHUNK, 3).transpose(0, 1, 3, 2).reshape(-1)
    table = embed_weight.reshape(-1)
    return _sc_lookup(xs_r, table)

# --- scband reference (transcript-rebuilt; emitter-appended) ---
"""Pipeline reference for scband-basic-discete-potential-84353157694119 (READ-ONLY COPY).

The authoritative reference and input builder live on the scoring server;
editing this copy changes nothing except your own understanding.
"""

import jax, jax.numpy as jnp
import numpy as np

NVEC = (100, 100, 100)
VOCAB = int(np.prod(NVEC))  # 1_000_000
BATCH = 16384


def setup_inputs(seed: int = 0) -> dict:
    key = jax.random.key(seed)
    k1, k2 = jax.random.split(key)
    # xs: (num_samples, num_vars), each column j in [0, NVEC[j])
    xs = jax.random.randint(k1, (BATCH, len(NVEC)), 0, 100, dtype=jnp.int32)
    # Embedding table: (prod(nvec), 1) logits, like torch.nn.Embedding init (N(0,1))
    embed_weight = jax.random.normal(k2, (VOCAB, 1), dtype=jnp.float32)
    return {"xs": xs, "embed_weight": embed_weight}


def reference(xs, embed_weight):
    # np.ravel_multi_index(xs.T, nvec): row-major strides over NVEC
    # strides = [100*100, 100, 1]
    strides = jnp.array([NVEC[1] * NVEC[2], NVEC[2], 1], dtype=xs.dtype)
    idx = jnp.sum(xs * strides[None, :], axis=1)
    # Embedding lookup -> (num_samples, 1) -> squeeze(-1)
    logits = jnp.take(embed_weight, idx, axis=0).squeeze(-1)
    return logits

if __name__ == "__main__":
    import jax
    _d = setup_inputs()
    print(jax.jit(kernel)(*tuple(_d.values())))

</pallas_src>

<mosaic_0001>
#map = affine_map<(d0, d1) -> (0)>
module attributes {stable_mosaic.version = 14 : i64} {
  func.func @_sc_lookup(%arg0: i32, %arg1: i32, %arg2: memref<49152xi32, #tpu.memory_space<hbm>>, %arg3: memref<1000000xf32, #tpu.memory_space<hbm>>, %arg4: memref<16384xf32, #tpu.memory_space<hbm>>, %arg5: memref<8x384xi32, #tpu.memory_space<vmem>>, %arg6: memref<8x128xi32, #tpu.memory_space<vmem>>, %arg7: memref<1024xf32, #tpu.memory_space<vmem>>, %arg8: memref<8x!tpu.dma_semaphore, #tpu.memory_space<semaphore_mem>>, %arg9: memref<8x!tpu.dma_semaphore, #tpu.memory_space<semaphore_mem>>, %arg10: memref<!tpu.dma_semaphore, #tpu.memory_space<semaphore_mem>>) attributes {dimension_semantics = [#tpu.dimension_semantics<core_parallel>, #tpu.dimension_semantics<subcore_parallel>], iteration_bounds = array<i64: 1, 16>, scalar_prefetch = 0 : i64, scratch_operands = 6 : i64, tpu.core_type = #tpu.core_type<sc_vector_subcore>, window_params = [{transform_indices = #map}, {transform_indices = #map}, {transform_indices = #map}]} {
    %mul3A = arith.constant 1 : i32
    %mul3A_0 = arith.muli %arg1, %mul3A : i32
    %add3A = arith.addi %mul3A_0, %arg0 : i32
    %mul3A_1 = arith.constant 1024 : i32
    %mul3A_2 = arith.muli %add3A, %mul3A_1 : i32
    %mul3A_3 = arith.constant 8 : i32
    %mul3A_4 = arith.muli %add3A, %mul3A_3 : i32
    %add3A_5 = arith.constant 0 : i32
    %add3A_6 = arith.addi %mul3A_4, %add3A_5 : i32
    %mul3A_7 = arith.constant 384 : i32
    %mul3A_8 = arith.muli %add3A_6, %mul3A_7 : i32
    %dma_start3A = arith.constant 0 : i32
    %dma_start3A_9 = arith.constant 0 : i32
    %dma_start3A_10 = arith.constant 0 : i32
    %dma_start3A_11 = tpu.memref_slice %arg5[%dma_start3A, %dma_start3A_10] : memref<8x384xi32, #tpu.memory_space<vmem>> -> memref<1x384xi32, #tpu.memory_space<vmem>>
    %dma_start3A_12 = tpu.memref_squeeze %dma_start3A_11 : memref<1x384xi32, #tpu.memory_space<vmem>> -> memref<384xi32, #tpu.memory_space<vmem>>
    %dma_start3A_13 = tpu.memref_slice %arg2[%mul3A_8] : memref<49152xi32, #tpu.memory_space<hbm>> -> memref<384xi32, #tpu.memory_space<hbm>>
    %dma_start3A_14 = tpu.memref_slice %arg8[%dma_start3A_9] : memref<8x!tpu.dma_semaphore, #tpu.memory_space<semaphore_mem>> -> memref<1x!tpu.dma_semaphore, #tpu.memory_space<semaphore_mem>>
    %dma_start3A_15 = tpu.memref_squeeze %dma_start3A_14 : memref<1x!tpu.dma_semaphore, #tpu.memory_space<semaphore_mem>> -> memref<!tpu.dma_semaphore, #tpu.memory_space<semaphore_mem>>
    %dma_start3A_16 = arith.constant 0 : i32
    %dma_start3A_17 = tpu.memref_slice %arg5[%dma_start3A, %dma_start3A_16] : memref<8x384xi32, #tpu.memory_space<vmem>> -> memref<1x384xi32, #tpu.memory_space<vmem>>
    %dma_start3A_18 = tpu.memref_squeeze %dma_start3A_17 : memref<1x384xi32, #tpu.memory_space<vmem>> -> memref<384xi32, #tpu.memory_space<vmem>>
    %dma_start3A_19 = tpu.memref_slice %arg2[%mul3A_8] : memref<49152xi32, #tpu.memory_space<hbm>> -> memref<384xi32, #tpu.memory_space<hbm>>
    tpu.enqueue_dma source(%dma_start3A_19 : memref<384xi32, #tpu.memory_space<hbm>>) target(%dma_start3A_18 : memref<384xi32, #tpu.memory_space<vmem>>) target_semaphore(%dma_start3A_15 : memref<!tpu.dma_semaphore, #tpu.memory_space<semaphore_mem>>)
    %mul3A_20 = arith.constant 8 : i32
    %mul3A_21 = arith.muli %add3A, %mul3A_20 : i32
    %add3A_22 = arith.constant 1 : i32
    %add3A_23 = arith.addi %mul3A_21, %add3A_22 : i32
    %mul3A_24 = arith.constant 384 : i32
    %mul3A_25 = arith.muli %add3A_23, %mul3A_24 : i32
    %dma_start3A_26 = arith.constant 1 : i32
    %dma_start3A_27 = arith.constant 1 : i32
    %dma_start3A_28 = arith.constant 0 : i32
    %dma_start3A_29 = tpu.memref_slice %arg5[%dma_start3A_26, %dma_start3A_28] : memref<8x384xi32, #tpu.memory_space<vmem>> -> memref<1x384xi32, #tpu.memory_space<vmem>>
    %dma_start3A_30 = tpu.memref_squeeze %dma_start3A_29 : memref<1x384xi32, #tpu.memory_space<vmem>> -> memref<384xi32, #tpu.memory_space<vmem>>
    %dma_start3A_31 = tpu.memref_slice %arg2[%mul3A_25] : memref<49152xi32, #tpu.memory_space<hbm>> -> memref<384xi32, #tpu.memory_space<hbm>>
    %dma_start3A_32 = tpu.memref_slice %arg8[%dma_start3A_27] : memref<8x!tpu.dma_semaphore, #tpu.memory_space<semaphore_mem>> -> memref<1x!tpu.dma_semaphore, #tpu.memory_space<semaphore_mem>>
    %dma_start3A_33 = tpu.memref_squeeze %dma_start3A_32 : memref<1x!tpu.dma_semaphore, #tpu.memory_space<semaphore_mem>> -> memref<!tpu.dma_semaphore, #tpu.memory_space<semaphore_mem>>
    %dma_start3A_34 = arith.constant 0 : i32
    %dma_start3A_35 = tpu.memref_slice %arg5[%dma_start3A_26, %dma_start3A_34] : memref<8x384xi32, #tpu.memory_space<vmem>> -> memref<1x384xi32, #tpu.memory_space<vmem>>
    %dma_start3A_36 = tpu.memref_squeeze %dma_start3A_35 : memref<1x384xi32, #tpu.memory_space<vmem>> -> memref<384xi32, #tpu.memory_space<vmem>>
    %dma_start3A_37 = tpu.memref_slice %arg2[%mul3A_25] : memref<49152xi32, #tpu.memory_space<hbm>> -> memref<384xi32, #tpu.memory_space<hbm>>
    tpu.enqueue_dma source(%dma_start3A_37 : memref<384xi32, #tpu.memory_space<hbm>>) target(%dma_start3A_36 : memref<384xi32, #tpu.memory_space<vmem>>) target_semaphore(%dma_start3A_33 : memref<!tpu.dma_semaphore, #tpu.memory_space<semaphore_mem>>)
    %mul3A_38 = arith.constant 8 : i32
    %mul3A_39 = arith.muli %add3A, %mul3A_38 : i32
    %add3A_40 = arith.constant 2 : i32
    %add3A_41 = arith.addi %mul3A_39, %add3A_40 : i32
    %mul3A_42 = arith.constant 384 : i32
    %mul3A_43 = arith.muli %add3A_41, %mul3A_42 : i32
    %dma_start3A_44 = arith.constant 2 : i32
    %dma_start3A_45 = arith.constant 2 : i32
    %dma_start3A_46 = arith.constant 0 : i32
    %dma_start3A_47 = tpu.memref_slice %arg5[%dma_start3A_44, %dma_start3A_46] : memref<8x384xi32, #tpu.memory_space<vmem>> -> memref<1x384xi32, #tpu.memory_space<vmem>>
    %dma_start3A_48 = tpu.memref_squeeze %dma_start3A_47 : memref<1x384xi32, #tpu.memory_space<vmem>> -> memref<384xi32, #tpu.memory_space<vmem>>
    %dma_start3A_49 = tpu.memref_slice %arg2[%mul3A_43] : memref<49152xi32, #tpu.memory_space<hbm>> -> memref<384xi32, #tpu.memory_space<hbm>>
    %dma_start3A_50 = tpu.memref_slice %arg8[%dma_start3A_45] : memref<8x!tpu.dma_semaphore, #tpu.memory_space<semaphore_mem>> -> memref<1x!tpu.dma_semaphore, #tpu.memory_space<semaphore_mem>>
    %dma_start3A_51 = tpu.memref_squeeze %dma_start3A_50 : memref<1x!tpu.dma_semaphore, #tpu.memory_space<semaphore_mem>> -> memref<!tpu.dma_semaphore, #tpu.memory_space<semaphore_mem>>
    %dma_start3A_52 = arith.constant 0 : i32
    %dma_start3A_53 = tpu.memref_slice %arg5[%dma_start3A_44, %dma_start3A_52] : memref<8x384xi32, #tpu.memory_space<vmem>> -> memref<1x384xi32, #tpu.memory_space<vmem>>
    %dma_start3A_54 = tpu.memref_squeeze %dma_start3A_53 : memref<1x384xi32, #tpu.memory_space<vmem>> -> memref<384xi32, #tpu.memory_space<vmem>>
    %dma_start3A_55 = tpu.memref_slice %arg2[%mul3A_43] : memref<49152xi32, #tpu.memory_space<hbm>> -> memref<384xi32, #tpu.memory_space<hbm>>
    tpu.enqueue_dma source(%dma_start3A_55 : memref<384xi32, #tpu.memory_space<hbm>>) target(%dma_start3A_54 : memref<384xi32, #tpu.memory_space<vmem>>) target_semaphore(%dma_start3A_51 : memref<!tpu.dma_semaphore, #tpu.memory_space<semaphore_mem>>)
    %mul3A_56 = arith.constant 8 : i32
    %mul3A_57 = arith.muli %add3A, %mul3A_56 : i32
    %add3A_58 = arith.constant 3 : i32
    %add3A_59 = arith.addi %mul3A_57, %add3A_58 : i32
    %mul3A_60 = arith.constant 384 : i32
    %mul3A_61 = arith.muli %add3A_59, %mul3A_60 : i32
    %dma_start3A_62 = arith.constant 3 : i32
    %dma_start3A_63 = arith.constant 3 : i32
    %dma_start3A_64 = arith.constant 0 : i32
    %dma_start3A_65 = tpu.memref_slice %arg5[%dma_start3A_62, %dma_start3A_64] : memref<8x384xi32, #tpu.memory_space<vmem>> -> memref<1x384xi32, #tpu.memory_space<vmem>>
    %dma_start3A_66 = tpu.memref_squeeze %dma_start3A_65 : memref<1x384xi32, #tpu.memory_space<vmem>> -> memref<384xi32, #tpu.memory_space<vmem>>
    %dma_start3A_67 = tpu.memref_slice %arg2[%mul3A_61] : memref<49152xi32, #tpu.memory_space<hbm>> -> memref<384xi32, #tpu.memory_space<hbm>>
    %dma_start3A_68 = tpu.memref_slice %arg8[%dma_start3A_63] : memref<8x!tpu.dma_semaphore, #tpu.memory_space<semaphore_mem>> -> memref<1x!tpu.dma_semaphore, #tpu.memory_space<semaphore_mem>>
    %dma_start3A_69 = tpu.memref_squeeze %dma_start3A_68 : memref<1x!tpu.dma_semaphore, #tpu.memory_space<semaphore_mem>> -> memref<!tpu.dma_semaphore, #tpu.memory_space<semaphore_mem>>
    %dma_start3A_70 = arith.constant 0 : i32
    %dma_start3A_71 = tpu.memref_slice %arg5[%dma_start3A_62, %dma_start3A_70] : memref<8x384xi32, #tpu.memory_space<vmem>> -> memref<1x384xi32, #tpu.memory_space<vmem>>
    %dma_start3A_72 = tpu.memref_squeeze %dma_start3A_71 : memref<1x384xi32, #tpu.memory_space<vmem>> -> memref<384xi32, #tpu.memory_space<vmem>>
    %dma_start3A_73 = tpu.memref_slice %arg2[%mul3A_61] : memref<49152xi32, #tpu.memory_space<hbm>> -> memref<384xi32, #tpu.memory_space<hbm>>
    tpu.enqueue_dma source(%dma_start3A_73 : memref<384xi32, #tpu.memory_space<hbm>>) target(%dma_start3A_72 : memref<384xi32, #tpu.memory_space<vmem>>) target_semaphore(%dma_start3A_69 : memref<!tpu.dma_semaphore, #tpu.memory_space<semaphore_mem>>)
    %mul3A_74 = arith.constant 8 : i32
    %mul3A_75 = arith.muli %add3A, %mul3A_74 : i32
    %add3A_76 = arith.constant 4 : i32
    %add3A_77 = arith.addi %mul3A_75, %add3A_76 : i32
    %mul3A_78 = arith.constant 384 : i32
    %mul3A_79 = arith.muli %add3A_77, %mul3A_78 : i32
    %dma_start3A_80 = arith.constant 4 : i32
    %dma_start3A_81 = arith.constant 4 : i32
    %dma_start3A_82 = arith.constant 0 : i32
    %dma_start3A_83 = tpu.memref_slice %arg5[%dma_start3A_80, %dma_start3A_82] : memref<8x384xi32, #tpu.memory_space<vmem>> -> memref<1x384xi32, #tpu.memory_space<vmem>>
    %dma_start3A_84 = tpu.memref_squeeze %dma_start3A_83 : memref<1x384xi32, #tpu.memory_space<vmem>> -> memref<384xi32, #tpu.memory_space<vmem>>
    %dma_start3A_85 = tpu.memref_slice %arg2[%mul3A_79] : memref<49152xi32, #tpu.memory_space<hbm>> -> memref<384xi32, #tpu.memory_space<hbm>>
    %dma_start3A_86 = tpu.memref_slice %arg8[%dma_start3A_81] : memref<8x!tpu.dma_semaphore, #tpu.memory_space<semaphore_mem>> -> memref<1x!tpu.dma_semaphore, #tpu.memory_space<semaphore_mem>>
    %dma_start3A_87 = tpu.memref_squeeze %dma_start3A_86 : memref<1x!tpu.dma_semaphore, #tpu.memory_space<semaphore_mem>> -> memref<!tpu.dma_semaphore, #tpu.memory_space<semaphore_mem>>
    %dma_start3A_88 = arith.constant 0 : i32
    %dma_start3A_89 = tpu.memref_slice %arg5[%dma_start3A_80, %dma_start3A_88] : memref<8x384xi32, #tpu.memory_space<vmem>> -> memref<1x384xi32, #tpu.memory_space<vmem>>
    %dma_start3A_90 = tpu.memref_squeeze %dma_start3A_89 : memref<1x384xi32, #tpu.memory_space<vmem>> -> memref<384xi32, #tpu.memory_space<vmem>>
    %dma_start3A_91 = tpu.memref_slice %arg2[%mul3A_79] : memref<49152xi32, #tpu.memory_space<hbm>> -> memref<384xi32, #tpu.memory_space<hbm>>
    tpu.enqueue_dma source(%dma_start3A_91 : memref<384xi32, #tpu.memory_space<hbm>>) target(%dma_start3A_90 : memref<384xi32, #tpu.memory_space<vmem>>) target_semaphore(%dma_start3A_87 : memref<!tpu.dma_semaphore, #tpu.memory_space<semaphore_mem>>)
    %mul3A_92 = arith.constant 8 : i32
    %mul3A_93 = arith.muli %add3A, %mul3A_92 : i32
    %add3A_94 = arith.constant 5 : i32
    %add3A_95 = arith.addi %mul3A_93, %add3A_94 : i32
    %mul3A_96 = arith.constant 384 : i32
    %mul3A_97 = arith.muli %add3A_95, %mul3A_96 : i32
    %dma_start3A_98 = arith.constant 5 : i32
    %dma_start3A_99 = arith.constant 5 : i32
    %dma_start3A_100 = arith.constant 0 : i32
    %dma_start3A_101 = tpu.memref_slice %arg5[%dma_start3A_98, %dma_start3A_100] : memref<8x384xi32, #tpu.memory_space<vmem>> -> memref<1x384xi32, #tpu.memory_space<vmem>>
    %dma_start3A_102 = tpu.memref_squeeze %dma_start3A_101 : memref<1x384xi32, #tpu.memory_space<vmem>> -> memref<384xi32, #tpu.memory_space<vmem>>
    %dma_start3A_103 = tpu.memref_slice %arg2[%mul3A_97] : memref<49152xi32, #tpu.memory_space<hbm>> -> memref<384xi32, #tpu.memory_space<hbm>>
    %dma_start3A_104 = tpu.memref_slice %arg8[%dma_start3A_99] : memref<8x!tpu.dma_semaphore, #tpu.memory_space<semaphore_mem>> -> memref<1x!tpu.dma_semaphore, #tpu.memory_space<semaphore_mem>>
    %dma_start3A_105 = tpu.memref_squeeze %dma_start3A_104 : memref<1x!tpu.dma_semaphore, #tpu.memory_space<semaphore_mem>> -> memref<!tpu.dma_semaphore, #tpu.memory_space<semaphore_mem>>
    %dma_start3A_106 = arith.constant 0 : i32
    %dma_start3A_107 = tpu.memref_slice %arg5[%dma_start3A_98, %dma_start3A_106] : memref<8x384xi32, #tpu.memory_space<vmem>> -> memref<1x384xi32, #tpu.memory_space<vmem>>
    %dma_start3A_108 = tpu.memref_squeeze %dma_start3A_107 : memref<1x384xi32, #tpu.memory_space<vmem>> -> memref<384xi32, #tpu.memory_space<vmem>>
    %dma_start3A_109 = tpu.memref_slice %arg2[%mul3A_97] : memref<49152xi32, #tpu.memory_space<hbm>> -> memref<384xi32, #tpu.memory_space<hbm>>
    tpu.enqueue_dma source(%dma_start3A_109 : memref<384xi32, #tpu.memory_space<hbm>>) target(%dma_start3A_108 : memref<384xi32, #tpu.memory_space<vmem>>) target_semaphore(%dma_start3A_105 : memref<!tpu.dma_semaphore, #tpu.memory_space<semaphore_mem>>)
    %mul3A_110 = arith.constant 8 : i32
    %mul3A_111 = arith.muli %add3A, %mul3A_110 : i32
    %add3A_112 = arith.constant 6 : i32
    %add3A_113 = arith.addi %mul3A_111, %add3A_112 : i32
    %mul3A_114 = arith.constant 384 : i32
    %mul3A_115 = arith.muli %add3A_113, %mul3A_114 : i32
    %dma_start3A_116 = arith.constant 6 : i32
    %dma_start3A_117 = arith.constant 6 : i32
    %dma_start3A_118 = arith.constant 0 : i32
    %dma_start3A_119 = tpu.memref_slice %arg5[%dma_start3A_116, %dma_start3A_118] : memref<8x384xi32, #tpu.memory_space<vmem>> -> memref<1x384xi32, #tpu.memory_space<vmem>>
    %dma_start3A_120 = tpu.memref_squeeze %dma_start3A_119 : memref<1x384xi32, #tpu.memory_space<vmem>> -> memref<384xi32, #tpu.memory_space<vmem>>
    %dma_start3A_121 = tpu.memref_slice %arg2[%mul3A_115] : memref<49152xi32, #tpu.memory_space<hbm>> -> memref<384xi32, #tpu.memory_space<hbm>>
    %dma_start3A_122 = tpu.memref_slice %arg8[%dma_start3A_117] : memref<8x!tpu.dma_semaphore, #tpu.memory_space<semaphore_mem>> -> memref<1x!tpu.dma_semaphore, #tpu.memory_space<semaphore_mem>>
    %dma_start3A_123 = tpu.memref_squeeze %dma_start3A_122 : memref<1x!tpu.dma_semaphore, #tpu.memory_space<semaphore_mem>> -> memref<!tpu.dma_semaphore, #tpu.memory_space<semaphore_mem>>
    %dma_start3A_124 = arith.constant 0 : i32
    %dma_start3A_125 = tpu.memref_slice %arg5[%dma_start3A_116, %dma_start3A_124] : memref<8x384xi32, #tpu.memory_space<vmem>> -> memref<1x384xi32, #tpu.memory_space<vmem>>
    %dma_start3A_126 = tpu.memref_squeeze %dma_start3A_125 : memref<1x384xi32, #tpu.memory_space<vmem>> -> memref<384xi32, #tpu.memory_space<vmem>>
    %dma_start3A_127 = tpu.memref_slice %arg2[%mul3A_115] : memref<49152xi32, #tpu.memory_space<hbm>> -> memref<384xi32, #tpu.memory_space<hbm>>
    tpu.enqueue_dma source(%dma_start3A_127 : memref<384xi32, #tpu.memory_space<hbm>>) target(%dma_start3A_126 : memref<384xi32, #tpu.memory_space<vmem>>) target_semaphore(%dma_start3A_123 : memref<!tpu.dma_semaphore, #tpu.memory_space<semaphore_mem>>)
    %mul3A_128 = arith.constant 8 : i32
    %mul3A_129 = arith.muli %add3A, %mul3A_128 : i32
    %add3A_130 = arith.constant 7 : i32
    %add3A_131 = arith.addi %mul3A_129, %add3A_130 : i32
    %mul3A_132 = arith.constant 384 : i32
    %mul3A_133 = arith.muli %add3A_131, %mul3A_132 : i32
    %dma_start3A_134 = arith.constant 7 : i32
    %dma_start3A_135 = arith.constant 7 : i32
    %dma_start3A_136 = arith.constant 0 : i32
    %dma_start3A_137 = tpu.memref_slice %arg5[%dma_start3A_134, %dma_start3A_136] : memref<8x384xi32, #tpu.memory_space<vmem>> -> memref<1x384xi32, #tpu.memory_space<vmem>>
    %dma_start3A_138 = tpu.memref_squeeze %dma_start3A_137 : memref<1x384xi32, #tpu.memory_space<vmem>> -> memref<384xi32, #tpu.memory_space<vmem>>
    %dma_start3A_139 = tpu.memref_slice %arg2[%mul3A_133] : memref<49152xi32, #tpu.memory_space<hbm>> -> memref<384xi32, #tpu.memory_space<hbm>>
    %dma_start3A_140 = tpu.memref_slice %arg8[%dma_start3A_135] : memref<8x!tpu.dma_semaphore, #tpu.memory_space<semaphore_mem>> -> memref<1x!tpu.dma_semaphore, #tpu.memory_space<semaphore_mem>>
    %dma_start3A_141 = tpu.memref_squeeze %dma_start3A_140 : memref<1x!tpu.dma_semaphore, #tpu.memory_space<semaphore_mem>> -> memref<!tpu.dma_semaphore, #tpu.memory_space<semaphore_mem>>
    %dma_start3A_142 = arith.constant 0 : i32
    %dma_start3A_143 = tpu.memref_slice %arg5[%dma_start3A_134, %dma_start3A_142] : memref<8x384xi32, #tpu.memory_space<vmem>> -> memref<1x384xi32, #tpu.memory_space<vmem>>
    %dma_start3A_144 = tpu.memref_squeeze %dma_start3A_143 : memref<1x384xi32, #tpu.memory_space<vmem>> -> memref<384xi32, #tpu.memory_space<vmem>>
    %dma_start3A_145 = tpu.memref_slice %arg2[%mul3A_133] : memref<49152xi32, #tpu.memory_space<hbm>> -> memref<384xi32, #tpu.memory_space<hbm>>
    tpu.enqueue_dma source(%dma_start3A_145 : memref<384xi32, #tpu.memory_space<hbm>>) target(%dma_start3A_144 : memref<384xi32, #tpu.memory_space<vmem>>) target_semaphore(%dma_start3A_141 : memref<!tpu.dma_semaphore, #tpu.memory_space<semaphore_mem>>)
    %dma_wait3A = arith.constant 0 : i32
    %dma_wait3A_146 = arith.constant 0 : i32
    %dma_wait3A_147 = arith.constant 0 : i32
    %dma_wait3A_148 = tpu.memref_slice %arg5[%dma_wait3A, %dma_wait3A_147] : memref<8x384xi32, #tpu.memory_space<vmem>> -> memref<1x384xi32, #tpu.memory_space<vmem>>
    %dma_wait3A_149 = tpu.memref_squeeze %dma_wait3A_148 : memref<1x384xi32, #tpu.memory_space<vmem>> -> memref<384xi32, #tpu.memory_space<vmem>>
    %dma_wait3A_150 = tpu.memref_slice %arg2[%mul3A_8] : memref<49152xi32, #tpu.memory_space<hbm>> -> memref<384xi32, #tpu.memory_space<hbm>>
    %dma_wait3A_151 = tpu.memref_slice %arg8[%dma_wait3A_146] : memref<8x!tpu.dma_semaphore, #tpu.memory_space<semaphore_mem>> -> memref<1x!tpu.dma_semaphore, #tpu.memory_space<semaphore_mem>>
    %dma_wait3A_152 = tpu.memref_squeeze %dma_wait3A_151 : memref<1x!tpu.dma_semaphore, #tpu.memory_space<semaphore_mem>> -> memref<!tpu.dma_semaphore, #tpu.memory_space<semaphore_mem>>
    %dma_wait3A_153 = arith.constant 0 : i32
    %dma_wait3A_154 = tpu.memref_slice %arg5[%dma_wait3A, %dma_wait3A_153] : memref<8x384xi32, #tpu.memory_space<vmem>> -> memref<1x384xi32, #tpu.memory_space<vmem>>
    %dma_wait3A_155 = tpu.memref_squeeze %dma_wait3A_154 : memref<1x384xi32, #tpu.memory_space<vmem>> -> memref<384xi32, #tpu.memory_space<vmem>>
    %dma_wait3A_156 = tpu.memref_slice %arg2[%mul3A_8] : memref<49152xi32, #tpu.memory_space<hbm>> -> memref<384xi32, #tpu.memory_space<hbm>>
    tpu.wait_dma2 semaphore(%dma_wait3A_152 : memref<!tpu.dma_semaphore, #tpu.memory_space<semaphore_mem>>) src(%dma_wait3A_156 : memref<384xi32, #tpu.memory_space<hbm>>) dst(%dma_wait3A_155 : memref<384xi32, #tpu.memory_space<vmem>>)
    %get3A = arith.constant 0 : i32
    %get3A_157 = arith.index_cast %get3A : i32 to index
    %get3A_158 = arith.constant 0 : index
    %get3A_159 = tpu.vector_load %arg5[%get3A_157, %get3A_158] {strides = array<i32>} : memref<8x384xi32, #tpu.memory_space<vmem>>, vector<1x16xi32>,
    %get3A_160 = vector.shape_cast %get3A_159 : vector<1x16xi32> to vector<16xi32>
    %get3A_161 = arith.constant 0 : i32
    %get3A_162 = arith.index_cast %get3A_161 : i32 to index
    %get3A_163 = arith.constant 128 : index
    %get3A_164 = tpu.vector_load %arg5[%get3A_162, %get3A_163] {strides = array<i32>} : memref<8x384xi32, #tpu.memory_space<vmem>>, vector<1x16xi32>,
    %get3A_165 = vector.shape_cast %get3A_164 : vector<1x16xi32> to vector<16xi32>
    %get3A_166 = arith.constant 0 : i32
    %get3A_167 = arith.index_cast %get3A_166 : i32 to index
    %get3A_168 = arith.constant 256 : index
    %get3A_169 = tpu.vector_load %arg5[%get3A_167, %get3A_168] {strides = array<i32>} : memref<8x384xi32, #tpu.memory_space<vmem>>, vector<1x16xi32>,
    %get3A_170 = vector.shape_cast %get3A_169 : vector<1x16xi32> to vector<16xi32>
    %mul3A_171 = arith.constant 10000 : i32
    %mul3A_172 = vector.broadcast %mul3A_171 : i32 to vector<16xi32>
    %mul3A_173 = arith.muli %get3A_160, %mul3A_172 : vector<16xi32>
    %mul3A_174 = arith.constant 100 : i32
    %mul3A_175 = vector.broadcast %mul3A_174 : i32 to vector<16xi32>
    %mul3A_176 = arith.muli %get3A_165, %mul3A_175 : vector<16xi32>
    %add3A_177 = arith.addi %mul3A_173, %mul3A_176 : vector<16xi32>
    %add3A_178 = arith.addi %add3A_177, %get3A_170 : vector<16xi32>
    %swap3A = arith.constant 0 : i32
    %swap3A_179 = arith.index_cast %swap3A : i32 to index
    %swap3A_180 = arith.constant 0 : index
    %swap3A_181 = tpu.vector_load %arg6[%swap3A_179, %swap3A_180] {strides = array<i32>} : memref<8x128xi32, #tpu.memory_space<vmem>>, vector<1x16xi32>,
    %swap3A_182 = vector.shape_cast %swap3A_181 : vector<1x16xi32> to vector<16xi32>
    %swap3A_183 = vector.shape_cast %add3A_178 : vector<16xi32> to vector<1x16xi32>
    tpu.vector_store %arg6[%swap3A_179, %swap3A_180], %swap3A_183 {strides = array<i32>} : memref<8x128xi32, #tpu.memory_space<vmem>>, vector<1x16xi32>,
    %get3A_184 = arith.constant 0 : i32
    %get3A_185 = arith.index_cast %get3A_184 : i32 to index
    %get3A_186 = arith.constant 16 : index
    %get3A_187 = tpu.vector_load %arg5[%get3A_185, %get3A_186] {strides = array<i32>} : memref<8x384xi32, #tpu.memory_space<vmem>>, vector<1x16xi32>,
    %get3A_188 = vector.shape_cast %get3A_187 : vector<1x16xi32> to vector<16xi32>
    %get3A_189 = arith.constant 0 : i32
    %get3A_190 = arith.index_cast %get3A_189 : i32 to index
    %get3A_191 = arith.constant 144 : index
    %get3A_192 = tpu.vector_load %arg5[%get3A_190, %get3A_191] {strides = array<i32>} : memref<8x384xi32, #tpu.memory_space<vmem>>, vector<1x16xi32>,
    %get3A_193 = vector.shape_cast %get3A_192 : vector<1x16xi32> to vector<16xi32>
    %get3A_194 = arith.constant 0 : i32
    %get3A_195 = arith.index_cast %get3A_194 : i32 to index
    %get3A_196 = arith.constant 272 : index
    %get3A_197 = tpu.vector_load %arg5[%get3A_195, %get3A_196] {strides = array<i32>} : memref<8x384xi32, #tpu.memory_space<vmem>>, vector<1x16xi32>,
    %get3A_198 = vector.shape_cast %get3A_197 : vector<1x16xi32> to vector<16xi32>
    %mul3A_199 = arith.constant 10000 : i32
    %mul3A_200 = vector.broadcast %mul3A_199 : i32 to vector<16xi32>
    %mul3A_201 = arith.muli %get3A_188, %mul3A_200 : vector<16xi32>
    %mul3A_202 = arith.constant 100 : i32
    %mul3A_203 = vector.broadcast %mul3A_202 : i32 to vector<16xi32>
    %mul3A_204 = arith.muli %get3A_193, %mul3A_203 : vector<16xi32>
    %add3A_205 = arith.addi %mul3A_201, %mul3A_204 : vector<16xi32>
    %add3A_206 = arith.addi %add3A_205, %get3A_198 : vector<16xi32>
    %swap3A_207 = arith.constant 0 : i32
    %swap3A_208 = arith.index_cast %swap3A_207 : i32 to index
    %swap3A_209 = arith.constant 16 : index
    %swap3A_210 = tpu.vector_load %arg6[%swap3A_208, %swap3A_209] {strides = array<i32>} : memref<8x128xi32, #tpu.memory_space<vmem>>, vector<1x16xi32>,
    %swap3A_211 = vector.shape_cast %swap3A_210 : vector<1x16xi32> to vector<16xi32>
    %swap3A_212 = vector.shape_cast %add3A_206 : vector<16xi32> to vector<1x16xi32>
    tpu.vector_store %arg6[%swap3A_208, %swap3A_209], %swap3A_212 {strides = array<i32>} : memref<8x128xi32, #tpu.memory_space<vmem>>, vector<1x16xi32>,
    %get3A_213 = arith.constant 0 : i32
    %get3A_214 = arith.index_cast %get3A_213 : i32 to index
    %get3A_215 = arith.constant 32 : index
    %get3A_216 = tpu.vector_load %arg5[%get3A_214, %get3A_215] {strides = array<i32>} : memref<8x384xi32, #tpu.memory_space<vmem>>, vector<1x16xi32>,
    %get3A_217 = vector.shape_cast %get3A_216 : vector<1x16xi32> to vector<16xi32>
    %get3A_218 = arith.constant 0 : i32
    %get3A_219 = arith.index_cast %get3A_218 : i32 to index
    %get3A_220 = arith.constant 160 : index
    %get3A_221 = tpu.vector_load %arg5[%get3A_219, %get3A_220] {strides = array<i32>} : memref<8x384xi32, #tpu.memory_space<vmem>>, vector<1x16xi32>,
    %get3A_222 = vector.shape_cast %get3A_221 : vector<1x16xi32> to vector<16xi32>
    %get3A_223 = arith.constant 0 : i32
    %get3A_224 = arith.index_cast %get3A_223 : i32 to index
    %get3A_225 = arith.constant 288 : index
    %get3A_226 = tpu.vector_load %arg5[%get3A_224, %get3A_225] {strides = array<i32>} : memref<8x384xi32, #tpu.memory_space<vmem>>, vector<1x16xi32>,
    %get3A_227 = vector.shape_cast %get3A_226 : vector<1x16xi32> to vector<16xi32>
    %mul3A_228 = arith.constant 10000 : i32
    %mul3A_229 = vector.broadcast %mul3A_228 : i32 to vector<16xi32>
    %mul3A_230 = arith.muli %get3A_217, %mul3A_229 : vector<16xi32>
    %mul3A_231 = arith.constant 100 : i32
    %mul3A_232 = vector.broadcast %mul3A_231 : i32 to vector<16xi32>
    %mul3A_233 = arith.muli %get3A_222, %mul3A_232 : vector<16xi32>
    %add3A_234 = arith.addi %mul3A_230, %mul3A_233 : vector<16xi32>
    %add3A_235 = arith.addi %add3A_234, %get3A_227 : vector<16xi32>
    %swap3A_236 = arith.constant 0 : i32
    %swap3A_237 = arith.index_cast %swap3A_236 : i32 to index
    %swap3A_238 = arith.constant 32 : index
    %swap3A_239 = tpu.vector_load %arg6[%swap3A_237, %swap3A_238] {strides = array<i32>} : memref<8x128xi32, #tpu.memory_space<vmem>>, vector<1x16xi32>,
    %swap3A_240 = vector.shape_cast %swap3A_239 : vector<1x16xi32> to vector<16xi32>
    %swap3A_241 = vector.shape_cast %add3A_235 : vector<16xi32> to vector<1x16xi32>
    tpu.vector_store %arg6[%swap3A_237, %swap3A_238], %swap3A_241 {strides = array<i32>} : memref<8x128xi32, #tpu.memory_space<vmem>>, vector<1x16xi32>,
    %get3A_242 = arith.constant 0 : i32
    %get3A_243 = arith.index_cast %get3A_242 : i32 to index
    %get3A_244 = arith.constant 48 : index
    %get3A_245 = tpu.vector_load %arg5[%get3A_243, %get3A_244] {strides = array<i32>} : memref<8x384xi32, #tpu.memory_space<vmem>>, vector<1x16xi32>,
    %get3A_246 = vector.shape_cast %get3A_245 : vector<1x16xi32> to vector<16xi32>
    %get3A_247 = arith.constant 0 : i32
    %get3A_248 = arith.index_cast %get3A_247 : i32 to index
    %get3A_249 = arith.constant 176 : index
    %get3A_250 = tpu.vector_load %arg5[%get3A_248, %get3A_249] {strides = array<i32>} : memref<8x384xi32, #tpu.memory_space<vmem>>, vector<1x16xi32>,
    %get3A_251 = vector.shape_cast %get3A_250 : vector<1x16xi32> to vector<16xi32>
    %get3A_252 = arith.constant 0 : i32
    %get3A_253 = arith.index_cast %get3A_252 : i32 to index
    %get3A_254 = arith.constant 304 : index
    %get3A_255 = tpu.vector_load %arg5[%get3A_253, %get3A_254] {strides = array<i32>} : memref<8x384xi32, #tpu.memory_space<vmem>>, vector<1x16xi32>,
    %get3A_256 = vector.shape_cast %get3A_255 : vector<1x16xi32> to vector<16xi32>
    %mul3A_257 = arith.constant 10000 : i32
    %mul3A_258 = vector.broadcast %mul3A_257 : i32 to vector<16xi32>
    %mul3A_259 = arith.muli %get3A_246, %mul3A_258 : vector<16xi32>
    %mul3A_260 = arith.constant 100 : i32
    %mul3A_261 = vector.broadcast %mul3A_260 : i32 to vector<16xi32>
    %mul3A_262 = arith.muli %get3A_251, %mul3A_261 : vector<16xi32>
    %add3A_263 = arith.addi %mul3A_259, %mul3A_262 : vector<16xi32>
    %add3A_264 = arith.addi %add3A_263, %get3A_256 : vector<16xi32>
    %swap3A_265 = arith.constant 0 : i32
    %swap3A_266 = arith.index_cast %swap3A_265 : i32 to index
    %swap3A_267 = arith.constant 48 : index
    %swap3A_268 = tpu.vector_load %arg6[%swap3A_266, %swap3A_267] {strides = array<i32>} : memref<8x128xi32, #tpu.memory_space<vmem>>, vector<1x16xi32>,
    %swap3A_269 = vector.shape_cast %swap3A_268 : vector<1x16xi32> to vector<16xi32>
    %swap3A_270 = vector.shape_cast %add3A_264 : vector<16xi32> to vector<1x16xi32>
    tpu.vector_store %arg6[%swap3A_266, %swap3A_267], %swap3A_270 {strides = array<i32>} : memref<8x128xi32, #tpu.memory_space<vmem>>, vector<1x16xi32>,
    %get3A_271 = arith.constant 0 : i32
    %get3A_272 = arith.index_cast %get3A_271 : i32 to index
    %get3A_273 = arith.constant 64 : index
    %get3A_274 = tpu.vector_load %arg5[%get3A_272, %get3A_273] {strides = array<i32>} : memref<8x384xi32, #tpu.memory_space<vmem>>, vector<1x16xi32>,
    %get3A_275 = vector.shape_cast %get3A_274 : vector<1x16xi32> to vector<16xi32>
    %get3A_276 = arith.constant 0 : i32
    %get3A_277 = arith.index_cast %get3A_276 : i32 to index
    %get3A_278 = arith.constant 192 : index
    %get3A_279 = tpu.vector_load %arg5[%get3A_277, %get3A_278] {strides = array<i32>} : memref<8x384xi32, #tpu.memory_space<vmem>>, vector<1x16xi32>,
    %get3A_280 = vector.shape_cast %get3A_279 : vector<1x16xi32> to vector<16xi32>
    %get3A_281 = arith.constant 0 : i32
    %get3A_282 = arith.index_cast %get3A_281 : i32 to index
    %get3A_283 = arith.constant 320 : index
    %get3A_284 = tpu.vector_load %arg5[%get3A_282, %get3A_283] {strides = array<i32>} : memref<8x384xi32, #tpu.memory_space<vmem>>, vector<1x16xi32>,
    %get3A_285 = vector.shape_cast %get3A_284 : vector<1x16xi32> to vector<16xi32>
    %mul3A_286 = arith.constant 10000 : i32
    %mul3A_287 = vector.broadcast %mul3A_286 : i32 to vector<16xi32>
    %mul3A_288 = arith.muli %get3A_275, %mul3A_287 : vector<16xi32>
    %mul3A_289 = arith.constant 100 : i32
    %mul3A_290 = vector.broadcast %mul3A_289 : i32 to vector<16xi32>
    %mul3A_291 = arith.muli %get3A_280, %mul3A_290 : vector<16xi32>
    %add3A_292 = arith.addi %mul3A_288, %mul3A_291 : vector<16xi32>
    %add3A_293 = arith.addi %add3A_292, %get3A_285 : vector<16xi32>
    %swap3A_294 = arith.constant 0 : i32
    %swap3A_295 = arith.index_cast %swap3A_294 : i32 to index
    %swap3A_296 = arith.constant 64 : index
    %swap3A_297 = tpu.vector_load %arg6[%swap3A_295, %swap3A_296] {strides = array<i32>} : memref<8x128xi32, #tpu.memory_space<vmem>>, vector<1x16xi32>,
    %swap3A_298 = vector.shape_cast %swap3A_297 : vector<1x16xi32> to vector<16xi32>
    %swap3A_299 = vector.shape_cast %add3A_293 : vector<16xi32> to vector<1x16xi32>
    tpu.vector_store %arg6[%swap3A_295, %swap3A_296], %swap3A_299 {strides = array<i32>} : memref<8x128xi32, #tpu.memory_space<vmem>>, vector<1x16xi32>,
    %get3A_300 = arith.constant 0 : i32
    %get3A_301 = arith.index_cast %get3A_300 : i32 to index
    %get3A_302 = arith.constant 80 : index
    %get3A_303 = tpu.vector_load %arg5[%get3A_301, %get3A_302] {strides = array<i32>} : memref<8x384xi32, #tpu.memory_space<vmem>>, vector<1x16xi32>,
    %get3A_304 = vector.shape_cast %get3A_303 : vector<1x16xi32> to vector<16xi32>
    %get3A_305 = arith.constant 0 : i32
    %get3A_306 = arith.index_cast %get3A_305 : i32 to index
    %get3A_307 = arith.constant 208 : index
    %get3A_308 = tpu.vector_load %arg5[%get3A_306, %get3A_307] {strides = array<i32>} : memref<8x384xi32, #tpu.memory_space<vmem>>, vector<1x16xi32>,
    %get3A_309 = vector.shape_cast %get3A_308 : vector<1x16xi32> to vector<16xi32>
    %get3A_310 = arith.constant 0 : i32
    %get3A_311 = arith.index_cast %get3A_310 : i32 to index
    %get3A_312 = arith.constant 336 : index
    %get3A_313 = tpu.vector_load %arg5[%get3A_311, %get3A_312] {strides = array<i32>} : memref<8x384xi32, #tpu.memory_space<vmem>>, vector<1x16xi32>,
    %get3A_314 = vector.shape_cast %get3A_313 : vector<1x16xi32> to vector<16xi32>
    %mul3A_315 = arith.constant 10000 : i32
    %mul3A_316 = vector.broadcast %mul3A_315 : i32 to vector<16xi32>
    %mul3A_317 = arith.muli %get3A_304, %mul3A_316 : vector<16xi32>
    %mul3A_318 = arith.constant 100 : i32
    %mul3A_319 = vector.broadcast %mul3A_318 : i32 to vector<16xi32>
    %mul3A_320 = arith.muli %get3A_309, %mul3A_319 : vector<16xi32>
    %add3A_321 = arith.addi %mul3A_317, %mul3A_320 : vector<16xi32>
    %add3A_322 = arith.addi %add3A_321, %get3A_314 : vector<16xi32>
    %swap3A_323 = arith.constant 0 : i32
    %swap3A_324 = arith.index_cast %swap3A_323 : i32 to index
    %swap3A_325 = arith.constant 80 : index
    %swap3A_326 = tpu.vector_load %arg6[%swap3A_324, %swap3A_325] {strides = array<i32>} : memref<8x128xi32, #tpu.memory_space<vmem>>, vector<1x16xi32>,
    %swap3A_327 = vector.shape_cast %swap3A_326 : vector<1x16xi32> to vector<16xi32>
    %swap3A_328 = vector.shape_cast %add3A_322 : vector<16xi32> to vector<1x16xi32>
    tpu.vector_store %arg6[%swap3A_324, %swap3A_325], %swap3A_328 {strides = array<i32>} : memref<8x128xi32, #tpu.memory_space<vmem>>, vector<1x16xi32>,
    %get3A_329 = arith.constant 0 : i32
    %get3A_330 = arith.index_cast %get3A_329 : i32 to index
    %get3A_331 = arith.constant 96 : index
    %get3A_332 = tpu.vector_load %arg5[%get3A_330, %get3A_331] {strides = array<i32>} : memref<8x384xi32, #tpu.memory_space<vmem>>, vector<1x16xi32>,
    %get3A_333 = vector.shape_cast %get3A_332 : vector<1x16xi32> to vector<16xi32>
    %get3A_334 = arith.constant 0 : i32
    %get3A_335 = arith.index_cast %get3A_334 : i32 to index
    %get3A_336 = arith.constant 224 : index
    %get3A_337 = tpu.vector_load %arg5[%get3A_335, %get3A_336] {strides = array<i32>} : memref<8x384xi32, #tpu.memory_space<vmem>>, vector<1x16xi32>,
    %get3A_338 = vector.shape_cast %get3A_337 : vector<1x16xi32> to vector<16xi32>
    %get3A_339 = arith.constant 0 : i32
    %get3A_340 = arith.index_cast %get3A_339 : i32 to index
    %get3A_341 = arith.constant 352 : index
    %get3A_342 = tpu.vector_load %arg5[%get3A_340, %get3A_341] {strides = array<i32>} : memref<8x384xi32, #tpu.memory_space<vmem>>, vector<1x16xi32>,
    %get3A_343 = vector.shape_cast %get3A_342 : vector<1x16xi32> to vector<16xi32>
    %mul3A_344 = arith.constant 10000 : i32
    %mul3A_345 = vector.broadcast %mul3A_344 : i32 to vector<16xi32>
    %mul3A_346 = arith.muli %get3A_333, %mul3A_345 : vector<16xi32>
    %mul3A_347 = arith.constant 100 : i32
    %mul3A_348 = vector.broadcast %mul3A_347 : i32 to vector<16xi32>
    %mul3A_349 = arith.muli %get3A_338, %mul3A_348 : vector<16xi32>
    %add3A_350 = arith.addi %mul3A_346, %mul3A_349 : vector<16xi32>
    %add3A_351 = arith.addi %add3A_350, %get3A_343 : vector<16xi32>
    %swap3A_352 = arith.constant 0 : i32
    %swap3A_353 = arith.index_cast %swap3A_352 : i32 to index
    %swap3A_354 = arith.constant 96 : index
    %swap3A_355 = tpu.vector_load %arg6[%swap3A_353, %swap3A_354] {strides = array<i32>} : memref<8x128xi32, #tpu.memory_space<vmem>>, vector<1x16xi32>,
    %swap3A_356 = vector.shape_cast %swap3A_355 : vector<1x16xi32> to vector<16xi32>
    %swap3A_357 = vector.shape_cast %add3A_351 : vector<16xi32> to vector<1x16xi32>
    tpu.vector_store %arg6[%swap3A_353, %swap3A_354], %swap3A_357 {strides = array<i32>} : memref<8x128xi32, #tpu.memory_space<vmem>>, vector<1x16xi32>,
    %get3A_358 = arith.constant 0 : i32
    %get3A_359 = arith.index_cast %get3A_358 : i32 to index
    %get3A_360 = arith.constant 112 : index
    %get3A_361 = tpu.vector_load %arg5[%get3A_359, %get3A_360] {strides = array<i32>} : memref<8x384xi32, #tpu.memory_space<vmem>>, vector<1x16xi32>,
    %get3A_362 = vector.shape_cast %get3A_361 : vector<1x16xi32> to vector<16xi32>
    %get3A_363 = arith.constant 0 : i32
    %get3A_364 = arith.index_cast %get3A_363 : i32 to index
    %get3A_365 = arith.constant 240 : index
    %get3A_366 = tpu.vector_load %arg5[%get3A_364, %get3A_365] {strides = array<i32>} : memref<8x384xi32, #tpu.memory_space<vmem>>, vector<1x16xi32>,
    %get3A_367 = vector.shape_cast %get3A_366 : vector<1x16xi32> to vector<16xi32>
    %get3A_368 = arith.constant 0 : i32
    %get3A_369 = arith.index_cast %get3A_368 : i32 to index
    %get3A_370 = arith.constant 368 : index
    %get3A_371 = tpu.vector_load %arg5[%get3A_369, %get3A_370] {strides = array<i32>} : memref<8x384xi32, #tpu.memory_space<vmem>>, vector<1x16xi32>,
    %get3A_372 = vector.shape_cast %get3A_371 : vector<1x16xi32> to vector<16xi32>
    %mul3A_373 = arith.constant 10000 : i32
    %mul3A_374 = vector.broadcast %mul3A_373 : i32 to vector<16xi32>
    %mul3A_375 = arith.muli %get3A_362, %mul3A_374 : vector<16xi32>
    %mul3A_376 = arith.constant 100 : i32
    %mul3A_377 = vector.broadcast %mul3A_376 : i32 to vector<16xi32>
    %mul3A_378 = arith.muli %get3A_367, %mul3A_377 : vector<16xi32>
    %add3A_379 = arith.addi %mul3A_375, %mul3A_378 : vector<16xi32>
    %add3A_380 = arith.addi %add3A_379, %get3A_372 : vector<16xi32>
    %swap3A_381 = arith.constant 0 : i32
    %swap3A_382 = arith.index_cast %swap3A_381 : i32 to index
    %swap3A_383 = arith.constant 112 : index
    %swap3A_384 = tpu.vector_load %arg6[%swap3A_382, %swap3A_383] {strides = array<i32>} : memref<8x128xi32, #tpu.memory_space<vmem>>, vector<1x16xi32>,
    %swap3A_385 = vector.shape_cast %swap3A_384 : vector<1x16xi32> to vector<16xi32>
    %swap3A_386 = vector.shape_cast %add3A_380 : vector<16xi32> to vector<1x16xi32>
    tpu.vector_store %arg6[%swap3A_382, %swap3A_383], %swap3A_386 {strides = array<i32>} : memref<8x128xi32, #tpu.memory_space<vmem>>, vector<1x16xi32>,
    %dma_start3A_387 = arith.constant 0 : i32
    %dma_start3A_388 = arith.constant 0 : i32
    %dma_start3A_389 = arith.constant 0 : i32
    %dma_start3A_390 = tpu.memref_slice %arg7[%dma_start3A_389] : memref<1024xf32, #tpu.memory_space<vmem>> -> memref<128xf32, #tpu.memory_space<vmem>>
    %dma_start3A_391 = arith.constant 0 : i32
    %dma_start3A_392 = tpu.memref_slice %arg6[%dma_start3A_387, %dma_start3A_391] : memref<8x128xi32, #tpu.memory_space<vmem>> -> memref<1x128xi32, #tpu.memory_space<vmem>>
    %dma_start3A_393 = tpu.memref_squeeze %dma_start3A_392 : memref<1x128xi32, #tpu.memory_space<vmem>> -> memref<128xi32, #tpu.memory_space<vmem>>
    %dma_start3A_394 = arith.constant 0 : i32
    %dma_start3A_395 = tpu.memref_slice %arg3[%dma_start3A_394] : memref<1000000xf32, #tpu.memory_space<hbm>> -> memref<1000000xf32, #tpu.memory_space<hbm>>
    %dma_start3A_396 = tpu.memref_slice %arg9[%dma_start3A_388] : memref<8x!tpu.dma_semaphore, #tpu.memory_space<semaphore_mem>> -> memref<1x!tpu.dma_semaphore, #tpu.memory_space<semaphore_mem>>
    %dma_start3A_397 = tpu.memref_squeeze %dma_start3A_396 : memref<1x!tpu.dma_semaphore, #tpu.memory_space<semaphore_mem>> -> memref<!tpu.dma_semaphore, #tpu.memory_space<semaphore_mem>>
    tpu.enqueue_indirect_dma source(%dma_start3A_395 : memref<1000000xf32, #tpu.memory_space<hbm>>) target(%dma_start3A_390 : memref<128xf32, #tpu.memory_space<vmem>>) offsets(%dma_start3A_393 : memref<128xi32, #tpu.memory_space<vmem>>) semaphore(%dma_start3A_397 : memref<!tpu.dma_semaphore, #tpu.memory_space<semaphore_mem>>)
    %dma_wait3A_398 = arith.constant 1 : i32
    %dma_wait3A_399 = arith.constant 1 : i32
    %dma_wait3A_400 = arith.constant 0 : i32
    %dma_wait3A_401 = tpu.memref_slice %arg5[%dma_wait3A_398, %dma_wait3A_400] : memref<8x384xi32, #tpu.memory_space<vmem>> -> memref<1x384xi32, #tpu.memory_space<vmem>>
    %dma_wait3A_402 = tpu.memref_squeeze %dma_wait3A_401 : memref<1x384xi32, #tpu.memory_space<vmem>> -> memref<384xi32, #tpu.memory_space<vmem>>
    %dma_wait3A_403 = tpu.memref_slice %arg2[%mul3A_25] : memref<49152xi32, #tpu.memory_space<hbm>> -> memref<384xi32, #tpu.memory_space<hbm>>
    %dma_wait3A_404 = tpu.memref_slice %arg8[%dma_wait3A_399] : memref<8x!tpu.dma_semaphore, #tpu.memory_space<semaphore_mem>> -> memref<1x!tpu.dma_semaphore, #tpu.memory_space<semaphore_mem>>
    %dma_wait3A_405 = tpu.memref_squeeze %dma_wait3A_404 : memref<1x!tpu.dma_semaphore, #tpu.memory_space<semaphore_mem>> -> memref<!tpu.dma_semaphore, #tpu.memory_space<semaphore_mem>>
    %dma_wait3A_406 = arith.constant 0 : i32
    %dma_wait3A_407 = tpu.memref_slice %arg5[%dma_wait3A_398, %dma_wait3A_406] : memref<8x384xi32, #tpu.memory_space<vmem>> -> memref<1x384xi32, #tpu.memory_space<vmem>>
    %dma_wait3A_408 = tpu.memref_squeeze %dma_wait3A_407 : memref<1x384xi32, #tpu.memory_space<vmem>> -> memref<384xi32, #tpu.memory_space<vmem>>
    %dma_wait3A_409 = tpu.memref_slice %arg2[%mul3A_25] : memref<49152xi32, #tpu.memory_space<hbm>> -> memref<384xi32, #tpu.memory_space<hbm>>
    tpu.wait_dma2 semaphore(%dma_wait3A_405 : memref<!tpu.dma_semaphore, #tpu.memory_space<semaphore_mem>>) src(%dma_wait3A_409 : memref<384xi32, #tpu.memory_space<hbm>>) dst(%dma_wait3A_408 : memref<384xi32, #tpu.memory_space<vmem>>)
    %get3A_410 = arith.constant 1 : i32
    %get3A_411 = arith.index_cast %get3A_410 : i32 to index
    %get3A_412 = arith.constant 0 : index
    %get3A_413 = tpu.vector_load %arg5[%get3A_411, %get3A_412] {strides = array<i32>} : memref<8x384xi32, #tpu.memory_space<vmem>>, vector<1x16xi32>,
    %get3A_414 = vector.shape_cast %get3A_413 : vector<1x16xi32> to vector<16xi32>
    %get3A_415 = arith.constant 1 : i32
    %get3A_416 = arith.index_cast %get3A_415 : i32 to index
    %get3A_417 = arith.constant 128 : index
    %get3A_418 = tpu.vector_load %arg5[%get3A_416, %get3A_417] {strides = array<i32>} : memref<8x384xi32, #tpu.memory_space<vmem>>, vector<1x16xi32>,
    %get3A_419 = vector.shape_cast %get3A_418 : vector<1x16xi32> to vector<16xi32>
    %get3A_420 = arith.constant 1 : i32
    %get3A_421 = arith.index_cast %get3A_420 : i32 to index
    %get3A_422 = arith.constant 256 : index
    %get3A_423 = tpu.vector_load %arg5[%get3A_421, %get3A_422] {strides = array<i32>} : memref<8x384xi32, #tpu.memory_space<vmem>>, vector<1x16xi32>,
    %get3A_424 = vector.shape_cast %get3A_423 : vector<1x16xi32> to vector<16xi32>
    %mul3A_425 = arith.constant 10000 : i32
    %mul3A_426 = vector.broadcast %mul3A_425 : i32 to vector<16xi32>
    %mul3A_427 = arith.muli %get3A_414, %mul3A_426 : vector<16xi32>
    %mul3A_428 = arith.constant 100 : i32
    %mul3A_429 = vector.broadcast %mul3A_428 : i32 to vector<16xi32>
    %mul3A_430 = arith.muli %get3A_419, %mul3A_429 : vector<16xi32>
    %add3A_431 = arith.addi %mul3A_427, %mul3A_430 : vector<16xi32>
    %add3A_432 = arith.addi %add3A_431, %get3A_424 : vector<16xi32>
    %swap3A_433 = arith.constant 1 : i32
    %swap3A_434 = arith.index_cast %swap3A_433 : i32 to index
    %swap3A_435 = arith.constant 0 : index
    %swap3A_436 = tpu.vector_load %arg6[%swap3A_434, %swap3A_435] {strides = array<i32>} : memref<8x128xi32, #tpu.memory_space<vmem>>, vector<1x16xi32>,
    %swap3A_437 = vector.shape_cast %swap3A_436 : vector<1x16xi32> to vector<16xi32>
    %swap3A_438 = vector.shape_cast %add3A_432 : vector<16xi32> to vector<1x16xi32>
    tpu.vector_store %arg6[%swap3A_434, %swap3A_435], %swap3A_438 {strides = array<i32>} : memref<8x128xi32, #tpu.memory_space<vmem>>, vector<1x16xi32>,
    %get3A_439 = arith.constant 1 : i32
    %get3A_440 = arith.index_cast %get3A_439 : i32 to index
    %get3A_441 = arith.constant 16 : index
    %get3A_442 = tpu.vector_load %arg5[%get3A_440, %get3A_441] {strides = array<i32>} : memref<8x384xi32, #tpu.memory_space<vmem>>, vector<1x16xi32>,
    %get3A_443 = vector.shape_cast %get3A_442 : vector<1x16xi32> to vector<16xi32>
    %get3A_444 = arith.constant 1 : i32
    %get3A_445 = arith.index_cast %get3A_444 : i32 to index
    %get3A_446 = arith.constant 144 : index
    %get3A_447 = tpu.vector_load %arg5[%get3A_445, %get3A_446] {strides = array<i32>} : memref<8x384xi32, #tpu.memory_space<vmem>>, vector<1x16xi32>,
    %get3A_448 = vector.shape_cast %get3A_447 : vector<1x16xi32> to vector<16xi32>
    %get3A_449 = arith.constant 1 : i32
    %get3A_450 = arith.index_cast %get3A_449 : i32 to index
    %get3A_451 = arith.constant 272 : index
    %get3A_452 = tpu.vector_load %arg5[%get3A_450, %get3A_451] {strides = array<i32>} : memref<8x384xi32, #tpu.memory_space<vmem>>, vector<1x16xi32>,
    %get3A_453 = vector.shape_cast %get3A_452 : vector<1x16xi32> to vector<16xi32>
    %mul3A_454 = arith.constant 10000 : i32
    %mul3A_455 = vector.broadcast %mul3A_454 : i32 to vector<16xi32>
    %mul3A_456 = arith.muli %get3A_443, %mul3A_455 : vector<16xi32>
    %mul3A_457 = arith.constant 100 : i32
    %mul3A_458 = vector.broadcast %mul3A_457 : i32 to vector<16xi32>
    %mul3A_459 = arith.muli %get3A_448, %mul3A_458 : vector<16xi32>
    %add3A_460 = arith.addi %mul3A_456, %mul3A_459 : vector<16xi32>
    %add3A_461 = arith.addi %add3A_460, %get3A_453 : vector<16xi32>
    %swap3A_462 = arith.constant 1 : i32
    %swap3A_463 = arith.index_cast %swap3A_462 : i32 to index
    %swap3A_464 = arith.constant 16 : index
    %swap3A_465 = tpu.vector_load %arg6[%swap3A_463, %swap3A_464] {strides = array<i32>} : memref<8x128xi32, #tpu.memory_space<vmem>>, vector<1x16xi32>,
    %swap3A_466 = vector.shape_cast %swap3A_465 : vector<1x16xi32> to vector<16xi32>
    %swap3A_467 = vector.shape_cast %add3A_461 : vector<16xi32> to vector<1x16xi32>
    tpu.vector_store %arg6[%swap3A_463, %swap3A_464], %swap3A_467 {strides = array<i32>} : memref<8x128xi32, #tpu.memory_space<vmem>>, vector<1x16xi32>,
    %get3A_468 = arith.constant 1 : i32
    %get3A_469 = arith.index_cast %get3A_468 : i32 to index
    %get3A_470 = arith.constant 32 : index
    %get3A_471 = tpu.vector_load %arg5[%get3A_469, %get3A_470] {strides = array<i32>} : memref<8x384xi32, #tpu.memory_space<vmem>>, vector<1x16xi32>,
    %get3A_472 = vector.shape_cast %get3A_471 : vector<1x16xi32> to vector<16xi32>
    %get3A_473 = arith.constant 1 : i32
    %get3A_474 = arith.index_cast %get3A_473 : i32 to index
    %get3A_475 = arith.constant 160 : index
    %get3A_476 = tpu.vector_load %arg5[%get3A_474, %get3A_475] {strides = array<i32>} : memref<8x384xi32, #tpu.memory_space<vmem>>, vector<1x16xi32>,
    %get3A_477 = vector.shape_cast %get3A_476 : vector<1x16xi32> to vector<16xi32>
    %get3A_478 = arith.constant 1 : i32
    %get3A_479 = arith.index_cast %get3A_478 : i32 to index
    %get3A_480 = arith.constant 288 : index
    %get3A_481 = tpu.vector_load %arg5[%get3A_479, %get3A_480] {strides = array<i32>} : memref<8x384xi32, #tpu.memory_space<vmem>>, vector<1x16xi32>,
    %get3A_482 = vector.shape_cast %get3A_481 : vector<1x16xi32> to vector<16xi32>
    %mul3A_483 = arith.constant 10000 : i32
    %mul3A_484 = vector.broadcast %mul3A_483 : i32 to vector<16xi32>
    %mul3A_485 = arith.muli %get3A_472, %mul3A_484 : vector<16xi32>
    %mul3A_486 = arith.constant 100 : i32
    %mul3A_487 = vector.broadcast %mul3A_486 : i32 to vector<16xi32>
    %mul3A_488 = arith.muli %get3A_477, %mul3A_487 : vector<16xi32>
    %add3A_489 = arith.addi %mul3A_485, %mul3A_488 : vector<16xi32>
    %add3A_490 = arith.addi %add3A_489, %get3A_482 : vector<16xi32>
    %swap3A_491 = arith.constant 1 : i32
    %swap3A_492 = arith.index_cast %swap3A_491 : i32 to index
    %swap3A_493 = arith.constant 32 : index
    %swap3A_494 = tpu.vector_load %arg6[%swap3A_492, %swap3A_493] {strides = array<i32>} : memref<8x128xi32, #tpu.memory_space<vmem>>, vector<1x16xi32>,
    %swap3A_495 = vector.shape_cast %swap3A_494 : vector<1x16xi32> to vector<16xi32>
    %swap3A_496 = vector.shape_cast %add3A_490 : vector<16xi32> to vector<1x16xi32>
    tpu.vector_store %arg6[%swap3A_492, %swap3A_493], %swap3A_496 {strides = array<i32>} : memref<8x128xi32, #tpu.memory_space<vmem>>, vector<1x16xi32>,
    %get3A_497 = arith.constant 1 : i32
    %get3A_498 = arith.index_cast %get3A_497 : i32 to index
    %get3A_499 = arith.constant 48 : index
    %get3A_500 = tpu.vector_load %arg5[%get3A_498, %get3A_499] {strides = array<i32>} : memref<8x384xi32, #tpu.memory_space<vmem>>, vector<1x16xi32>,
    %get3A_501 = vector.shape_cast %get3A_500 : vector<1x16xi32> to vector<16xi32>
    %get3A_502 = arith.constant 1 : i32
    %get3A_503 = arith.index_cast %get3A_502 : i32 to index
    %get3A_504 = arith.constant 176 : index
    %get3A_505 = tpu.vector_load %arg5[%get3A_503, %get3A_504] {strides = array<i32>} : memref<8x384xi32, #tpu.memory_space<vmem>>, vector<1x16xi32>,
    %get3A_506 = vector.shape_cast %get3A_505 : vector<1x16xi32> to vector<16xi32>
    %get3A_507 = arith.constant 1 : i32
    %get3A_508 = arith.index_cast %get3A_507 : i32 to index
    %get3A_509 = arith.constant 304 : index
    %get3A_510 = tpu.vector_load %arg5[%get3A_508, %get3A_509] {strides = array<i32>} : memref<8x384xi32, #tpu.memory_space<vmem>>, vector<1x16xi32>,
    %get3A_511 = vector.shape_cast %get3A_510 : vector<1x16xi32> to vector<16xi32>
    %mul3A_512 = arith.constant 10000 : i32
    %mul3A_513 = vector.broadcast %mul3A_512 : i32 to vector<16xi32>
    %mul3A_514 = arith.muli %get3A_501, %mul3A_513 : vector<16xi32>
    %mul3A_515 = arith.constant 100 : i32
    %mul3A_516 = vector.broadcast %mul3A_515 : i32 to vector<16xi32>
    %mul3A_517 = arith.muli %get3A_506, %mul3A_516 : vector<16xi32>
    %add3A_518 = arith.addi %mul3A_514, %mul3A_517 : vector<16xi32>
    %add3A_519 = arith.addi %add3A_518, %get3A_511 : vector<16xi32>
    %swap3A_520 = arith.constant 1 : i32
    %swap3A_521 = arith.index_cast %swap3A_520 : i32 to index
    %swap3A_522 = arith.constant 48 : index
    %swap3A_523 = tpu.vector_load %arg6[%swap3A_521, %swap3A_522] {strides = array<i32>} : memref<8x128xi32, #tpu.memory_space<vmem>>, vector<1x16xi32>,
    %swap3A_524 = vector.shape_cast %swap3A_523 : vector<1x16xi32> to vector<16xi32>
    %swap3A_525 = vector.shape_cast %add3A_519 : vector<16xi32> to vector<1x16xi32>
    tpu.vector_store %arg6[%swap3A_521, %swap3A_522], %swap3A_525 {strides = array<i32>} : memref<8x128xi32, #tpu.memory_space<vmem>>, vector<1x16xi32>,
    %get3A_526 = arith.constant 1 : i32
    %get3A_527 = arith.index_cast %get3A_526 : i32 to index
    %get3A_528 = arith.constant 64 : index
    %get3A_529 = tpu.vector_load %arg5[%get3A_527, %get3A_528] {strides = array<i32>} : memref<8x384xi32, #tpu.memory_space<vmem>>, vector<1x16xi32>,
    %get3A_530 = vector.shape_cast %get3A_529 : vector<1x16xi32> to vector<16xi32>
    %get3A_531 = arith.constant 1 : i32
    %get3A_532 = arith.index_cast %get3A_531 : i32 to index
    %get3A_533 = arith.constant 192 : index
    %get3A_534 = tpu.vector_load %arg5[%get3A_532, %get3A_533] {strides = array<i32>} : memref<8x384xi32, #tpu.memory_space<vmem>>, vector<1x16xi32>,
    %get3A_535 = vector.shape_cast %get3A_534 : vector<1x16xi32> to vector<16xi32>
    %get3A_536 = arith.constant 1 : i32
    %get3A_537 = arith.index_cast %get3A_536 : i32 to index
    %get3A_538 = arith.constant 320 : index
    %get3A_539 = tpu.vector_load %arg5[%get3A_537, %get3A_538] {strides = array<i32>} : memref<8x384xi32, #tpu.memory_space<vmem>>, vector<1x16xi32>,
    %get3A_540 = vector.shape_cast %get3A_539 : vector<1x16xi32> to vector<16xi32>
    %mul3A_541 = arith.constant 10000 : i32
    %mul3A_542 = vector.broadcast %mul3A_541 : i32 to vector<16xi32>
    %mul3A_543 = arith.muli %get3A_530, %mul3A_542 : vector<16xi32>
    %mul3A_544 = arith.constant 100 : i32
    %mul3A_545 = vector.broadcast %mul3A_544 : i32 to vector<16xi32>
    %mul3A_546 = arith.muli %get3A_535, %mul3A_545 : vector<16xi32>
    %add3A_547 = arith.addi %mul3A_543, %mul3A_546 : vector<16xi32>
    %add3A_548 = arith.addi %add3A_547, %get3A_540 : vector<16xi32>
    %swap3A_549 = arith.constant 1 : i32
    %swap3A_550 = arith.index_cast %swap3A_549 : i32 to index
    %swap3A_551 = arith.constant 64 : index
    %swap3A_552 = tpu.vector_load %arg6[%swap3A_550, %swap3A_551] {strides = array<i32>} : memref<8x128xi32, #tpu.memory_space<vmem>>, vector<1x16xi32>,
    %swap3A_553 = vector.shape_cast %swap3A_552 : vector<1x16xi32> to vector<16xi32>
    %swap3A_554 = vector.shape_cast %add3A_548 : vector<16xi32> to vector<1x16xi32>
    tpu.vector_store %arg6[%swap3A_550, %swap3A_551], %swap3A_554 {strides = array<i32>} : memref<8x128xi32, #tpu.memory_space<vmem>>, vector<1x16xi32>,
    %get3A_555 = arith.constant 1 : i32
    %get3A_556 = arith.index_cast %get3A_555 : i32 to index
    %get3A_557 = arith.constant 80 : index
    %get3A_558 = tpu.vector_load %arg5[%get3A_556, %get3A_557] {strides = array<i32>} : memref<8x384xi32, #tpu.memory_space<vmem>>, vector<1x16xi32>,
    %get3A_559 = vector.shape_cast %get3A_558 : vector<1x16xi32> to vector<16xi32>
    %get3A_560 = arith.constant 1 : i32
    %get3A_561 = arith.index_cast %get3A_560 : i32 to index
    %get3A_562 = arith.constant 208 : index
    %get3A_563 = tpu.vector_load %arg5[%get3A_561, %get3A_562] {strides = array<i32>} : memref<8x384xi32, #tpu.memory_space<vmem>>, vector<1x16xi32>,
    %get3A_564 = vector.shape_cast %get3A_563 : vector<1x16xi32> to vector<16xi32>
    %get3A_565 = arith.constant 1 : i32
    %get3A_566 = arith.index_cast %get3A_565 : i32 to index
    %get3A_567 = arith.constant 336 : index
    %get3A_568 = tpu.vector_load %arg5[%get3A_566, %get3A_567] {strides = array<i32>} : memref<8x384xi32, #tpu.memory_space<vmem>>, vector<1x16xi32>,
    %get3A_569 = vector.shape_cast %get3A_568 : vector<1x16xi32> to vector<16xi32>
    %mul3A_570 = arith.constant 10000 : i32
    %mul3A_571 = vector.broadcast %mul3A_570 : i32 to vector<16xi32>
    %mul3A_572 = arith.muli %get3A_559, %mul3A_571 : vector<16xi32>
    %mul3A_573 = arith.constant 100 : i32
    %mul3A_574 = vector.broadcast %mul3A_573 : i32 to vector<16xi32>
    %mul3A_575 = arith.muli %get3A_564, %mul3A_574 : vector<16xi32>
    %add3A_576 = arith.addi %mul3A_572, %mul3A_575 : vector<16xi32>
    %add3A_577 = arith.addi %add3A_576, %get3A_569 : vector<16xi32>
    %swap3A_578 = arith.constant 1 : i32
    %swap3A_579 = arith.index_cast %swap3A_578 : i32 to index
    %swap3A_580 = arith.constant 80 : index
    %swap3A_581 = tpu.vector_load %arg6[%swap3A_579, %swap3A_580] {strides = array<i32>} : memref<8x128xi32, #tpu.memory_space<vmem>>, vector<1x16xi32>,
    %swap3A_582 = vector.shape_cast %swap3A_581 : vector<1x16xi32> to vector<16xi32>
    %swap3A_583 = vector.shape_cast %add3A_577 : vector<16xi32> to vector<1x16xi32>
    tpu.vector_store %arg6[%swap3A_579, %swap3A_580], %swap3A_583 {strides = array<i32>} : memref<8x128xi32, #tpu.memory_space<vmem>>, vector<1x16xi32>,
    %get3A_584 = arith.constant 1 : i32
    %get3A_585 = arith.index_cast %get3A_584 : i32 to index
    %get3A_586 = arith.constant 96 : index
    %get3A_587 = tpu.vector_load %arg5[%get3A_585, %get3A_586] {strides = array<i32>} : memref<8x384xi32, #tpu.memory_space<vmem>>, vector<1x16xi32>,
    %get3A_588 = vector.shape_cast %get3A_587 : vector<1x16xi32> to vector<16xi32>
    %get3A_589 = arith.constant 1 : i32
    %get3A_590 = arith.index_cast %get3A_589 : i32 to index
    %get3A_591 = arith.constant 224 : index
    %get3A_592 = tpu.vector_load %arg5[%get3A_590, %get3A_591] {strides = array<i32>} : memref<8x384xi32, #tpu.memory_space<vmem>>, vector<1x16xi32>,
    %get3A_593 = vector.shape_cast %get3A_592 : vector<1x16xi32> to vector<16xi32>
    %get3A_594 = arith.constant 1 : i32
    %get3A_595 = arith.index_cast %get3A_594 : i32 to index
    %get3A_596 = arith.constant 352 : index
    %get3A_597 = tpu.vector_load %arg5[%get3A_595, %get3A_596] {strides = array<i32>} : memref<8x384xi32, #tpu.memory_space<vmem>>, vector<1x16xi32>,
    %get3A_598 = vector.shape_cast %get3A_597 : vector<1x16xi32> to vector<16xi32>
    %mul3A_599 = arith.constant 10000 : i32
    %mul3A_600 = vector.broadcast %mul3A_599 : i32 to vector<16xi32>
    %mul3A_601 = arith.muli %get3A_588, %mul3A_600 : vector<16xi32>
    %mul3A_602 = arith.constant 100 : i32
    %mul3A_603 = vector.broadcast %mul3A_602 : i32 to vector<16xi32>
    %mul3A_604 = arith.muli %get3A_593, %mul3A_603 : vector<16xi32>
    %add3A_605 = arith.addi %mul3A_601, %mul3A_604 : vector<16xi32>
    %add3A_606 = arith.addi %add3A_605, %get3A_598 : vector<16xi32>
    %swap3A_607 = arith.constant 1 : i32
    %swap3A_608 = arith.index_cast %swap3A_607 : i32 to index
    %swap3A_609 = arith.constant 96 : index
    %swap3A_610 = tpu.vector_load %arg6[%swap3A_608, %swap3A_609] {strides = array<i32>} : memref<8x128xi32, #tpu.memory_space<vmem>>, vector<1x16xi32>,
    %swap3A_611 = vector.shape_cast %swap3A_610 : vector<1x16xi32> to vector<16xi32>
    %swap3A_612 = vector.shape_cast %add3A_606 : vector<16xi32> to vector<1x16xi32>
    tpu.vector_store %arg6[%swap3A_608, %swap3A_609], %swap3A_612 {strides = array<i32>} : memref<8x128xi32, #tpu.memory_space<vmem>>, vector<1x16xi32>,
    %get3A_613 = arith.constant 1 : i32
    %get3A_614 = arith.index_cast %get3A_613 : i32 to index
    %get3A_615 = arith.constant 112 : index
    %get3A_616 = tpu.vector_load %arg5[%get3A_614, %get3A_615] {strides = array<i32>} : memref<8x384xi32, #tpu.memory_space<vmem>>, vector<1x16xi32>,
    %get3A_617 = vector.shape_cast %get3A_616 : vector<1x16xi32> to vector<16xi32>
    %get3A_618 = arith.constant 1 : i32
    %get3A_619 = arith.index_cast %get3A_618 : i32 to index
    %get3A_620 = arith.constant 240 : index
    %get3A_621 = tpu.vector_load %arg5[%get3A_619, %get3A_620] {strides = array<i32>} : memref<8x384xi32, #tpu.memory_space<vmem>>, vector<1x16xi32>,
    %get3A_622 = vector.shape_cast %get3A_621 : vector<1x16xi32> to vector<16xi32>
    %get3A_623 = arith.constant 1 : i32
    %get3A_624 = arith.index_cast %get3A_623 : i32 to index
    %get3A_625 = arith.constant 368 : index
    %get3A_626 = tpu.vector_load %arg5[%get3A_624, %get3A_625] {strides = array<i32>} : memref<8x384xi32, #tpu.memory_space<vmem>>, vector<1x16xi32>,
    %get3A_627 = vector.shape_cast %get3A_626 : vector<1x16xi32> to vector<16xi32>
    %mul3A_628 = arith.constant 10000 : i32
    %mul3A_629 = vector.broadcast %mul3A_628 : i32 to vector<16xi32>
    %mul3A_630 = arith.muli %get3A_617, %mul3A_629 : vector<16xi32>
    %mul3A_631 = arith.constant 100 : i32
    %mul3A_632 = vector.broadcast %mul3A_631 : i32 to vector<16xi32>
    %mul3A_633 = arith.muli %get3A_622, %mul3A_632 : vector<16xi32>
    %add3A_634 = arith.addi %mul3A_630, %mul3A_633 : vector<16xi32>
    %add3A_635 = arith.addi %add3A_634, %get3A_627 : vector<16xi32>
    %swap3A_636 = arith.constant 1 : i32
    %swap3A_637 = arith.index_cast %swap3A_636 : i32 to index
    %swap3A_638 = arith.constant 112 : index
    %swap3A_639 = tpu.vector_load %arg6[%swap3A_637, %swap3A_638] {strides = array<i32>} : memref<8x128xi32, #tpu.memory_space<vmem>>, vector<1x16xi32>,
    %swap3A_640 = vector.shape_cast %swap3A_639 : vector<1x16xi32> to vector<16xi32>
    %swap3A_641 = vector.shape_cast %add3A_635 : vector<16xi32> to vector<1x16xi32>
    tpu.vector_store %arg6[%swap3A_637, %swap3A_638], %swap3A_641 {strides = array<i32>} : memref<8x128xi32, #tpu.memory_space<vmem>>, vector<1x16xi32>,
    %dma_start3A_642 = arith.constant 1 : i32
    %dma_start3A_643 = arith.constant 1 : i32
    %dma_start3A_644 = arith.constant 128 : i32
    %dma_start3A_645 = tpu.memref_slice %arg7[%dma_start3A_644] : memref<1024xf32, #tpu.memory_space<vmem>> -> memref<128xf32, #tpu.memory_space<vmem>>
    %dma_start3A_646 = arith.constant 0 : i32
    %dma_start3A_647 = tpu.memref_slice %arg6[%dma_start3A_642, %dma_start3A_646] : memref<8x128xi32, #tpu.memory_space<vmem>> -> memref<1x128xi32, #tpu.memory_space<vmem>>
    %dma_start3A_648 = tpu.memref_squeeze %dma_start3A_647 : memref<1x128xi32, #tpu.memory_space<vmem>> -> memref<128xi32, #tpu.memory_space<vmem>>
    %dma_start3A_649 = arith.constant 0 : i32
    %dma_start3A_650 = tpu.memref_slice %arg3[%dma_start3A_649] : memref<1000000xf32, #tpu.memory_space<hbm>> -> memref<1000000xf32, #tpu.memory_space<hbm>>
    %dma_start3A_651 = tpu.memref_slice %arg9[%dma_start3A_643] : memref<8x!tpu.dma_semaphore, #tpu.memory_space<semaphore_mem>> -> memref<1x!tpu.dma_semaphore, #tpu.memory_space<semaphore_mem>>
    %dma_start3A_652 = tpu.memref_squeeze %dma_start3A_651 : memref<1x!tpu.dma_semaphore, #tpu.memory_space<semaphore_mem>> -> memref<!tpu.dma_semaphore, #tpu.memory_space<semaphore_mem>>
    tpu.enqueue_indirect_dma source(%dma_start3A_650 : memref<1000000xf32, #tpu.memory_space<hbm>>) target(%dma_start3A_645 : memref<128xf32, #tpu.memory_space<vmem>>) offsets(%dma_start3A_648 : memref<128xi32, #tpu.memory_space<vmem>>) semaphore(%dma_start3A_652 : memref<!tpu.dma_semaphore, #tpu.memory_space<semaphore_mem>>)
    %dma_wait3A_653 = arith.constant 2 : i32
    %dma_wait3A_654 = arith.constant 2 : i32
    %dma_wait3A_655 = arith.constant 0 : i32
    %dma_wait3A_656 = tpu.memref_slice %arg5[%dma_wait3A_653, %dma_wait3A_655] : memref<8x384xi32, #tpu.memory_space<vmem>> -> memref<1x384xi32, #tpu.memory_space<vmem>>
    %dma_wait3A_657 = tpu.memref_squeeze %dma_wait3A_656 : memref<1x384xi32, #tpu.memory_space<vmem>> -> memref<384xi32, #tpu.memory_space<vmem>>
    %dma_wait3A_658 = tpu.memref_slice %arg2[%mul3A_43] : memref<49152xi32, #tpu.memory_space<hbm>> -> memref<384xi32, #tpu.memory_space<hbm>>
    %dma_wait3A_659 = tpu.memref_slice %arg8[%dma_wait3A_654] : memref<8x!tpu.dma_semaphore, #tpu.memory_space<semaphore_mem>> -> memref<1x!tpu.dma_semaphore, #tpu.memory_space<semaphore_mem>>
    %dma_wait3A_660 = tpu.memref_squeeze %dma_wait3A_659 : memref<1x!tpu.dma_semaphore, #tpu.memory_space<semaphore_mem>> -> memref<!tpu.dma_semaphore, #tpu.memory_space<semaphore_mem>>
    %dma_wait3A_661 = arith.constant 0 : i32
    %dma_wait3A_662 = tpu.memref_slice %arg5[%dma_wait3A_653, %dma_wait3A_661] : memref<8x384xi32, #tpu.memory_space<vmem>> -> memref<1x384xi32, #tpu.memory_space<vmem>>
    %dma_wait3A_663 = tpu.memref_squeeze %dma_wait3A_662 : memref<1x384xi32, #tpu.memory_space<vmem>> -> memref<384xi32, #tpu.memory_space<vmem>>
    %dma_wait3A_664 = tpu.memref_slice %arg2[%mul3A_43] : memref<49152xi32, #tpu.memory_space<hbm>> -> memref<384xi32, #tpu.memory_space<hbm>>
    tpu.wait_dma2 semaphore(%dma_wait3A_660 : memref<!tpu.dma_semaphore, #tpu.memory_space<semaphore_mem>>) src(%dma_wait3A_664 : memref<384xi32, #tpu.memory_space<hbm>>) dst(%dma_wait3A_663 : memref<384xi32, #tpu.memory_space<vmem>>)
    %get3A_665 = arith.constant 2 : i32
    %get3A_666 = arith.index_cast %get3A_665 : i32 to index
    %get3A_667 = arith.constant 0 : index
    %get3A_668 = tpu.vector_load %arg5[%get3A_666, %get3A_667] {strides = array<i32>} : memref<8x384xi32, #tpu.memory_space<vmem>>, vector<1x16xi32>,
    %get3A_669 = vector.shape_cast %get3A_668 : vector<1x16xi32> to vector<16xi32>
    %get3A_670 = arith.constant 2 : i32
    %get3A_671 = arith.index_cast %get3A_670 : i32 to index
    %get3A_672 = arith.constant 128 : index
    %get3A_673 = tpu.vector_load %arg5[%get3A_671, %get3A_672] {strides = array<i32>} : memref<8x384xi32, #tpu.memory_space<vmem>>, vector<1x16xi32>,
    %get3A_674 = vector.shape_cast %get3A_673 : vector<1x16xi32> to vector<16xi32>
    %get3A_675 = arith.constant 2 : i32
    %get3A_676 = arith.index_cast %get3A_675 : i32 to index
    %get3A_677 = arith.constant 256 : index
    %get3A_678 = tpu.vector_load %arg5[%get3A_676, %get3A_677] {strides = array<i32>} : memref<8x384xi32, #tpu.memory_space<vmem>>, vector<1x16xi32>,
    %get3A_679 = vector.shape_cast %get3A_678 : vector<1x16xi32> to vector<16xi32>
    %mul3A_680 = arith.constant 10000 : i32
    %mul3A_681 = vector.broadcast %mul3A_680 : i32 to vector<16xi32>
    %mul3A_682 = arith.muli %get3A_669, %mul3A_681 : vector<16xi32>
    %mul3A_683 = arith.constant 100 : i32
    %mul3A_684 = vector.broadcast %mul3A_683 : i32 to vector<16xi32>
    %mul3A_685 = arith.muli %get3A_674, %mul3A_684 : vector<16xi32>
    %add3A_686 = arith.addi %mul3A_682, %mul3A_685 : vector<16xi32>
    %add3A_687 = arith.addi %add3A_686, %get3A_679 : vector<16xi32>
    %swap3A_688 = arith.constant 2 : i32
    %swap3A_689 = arith.index_cast %swap3A_688 : i32 to index
    %swap3A_690 = arith.constant 0 : index
    %swap3A_691 = tpu.vector_load %arg6[%swap3A_689, %swap3A_690] {strides = array<i32>} : memref<8x128xi32, #tpu.memory_space<vmem>>, vector<1x16xi32>,
    %swap3A_692 = vector.shape_cast %swap3A_691 : vector<1x16xi32> to vector<16xi32>
    %swap3A_693 = vector.shape_cast %add3A_687 : vector<16xi32> to vector<1x16xi32>
    tpu.vector_store %arg6[%swap3A_689, %swap3A_690], %swap3A_693 {strides = array<i32>} : memref<8x128xi32, #tpu.memory_space<vmem>>, vector<1x16xi32>,
    %get3A_694 = arith.constant 2 : i32
    %get3A_695 = arith.index_cast %get3A_694 : i32 to index
    %get3A_696 = arith.constant 16 : index
    %get3A_697 = tpu.vector_load %arg5[%get3A_695, %get3A_696] {strides = array<i32>} : memref<8x384xi32, #tpu.memory_space<vmem>>, vector<1x16xi32>,
    %get3A_698 = vector.shape_cast %get3A_697 : vector<1x16xi32> to vector<16xi32>
    %get3A_699 = arith.constant 2 : i32
    %get3A_700 = arith.index_cast %get3A_699 : i32 to index
    %get3A_701 = arith.constant 144 : index
    %get3A_702 = tpu.vector_load %arg5[%get3A_700, %get3A_701] {strides = array<i32>} : memref<8x384xi32, #tpu.memory_space<vmem>>, vector<1x16xi32>,
    %get3A_703 = vector.shape_cast %get3A_702 : vector<1x16xi32> to vector<16xi32>
    %get3A_704 = arith.constant 2 : i32
    %get3A_705 = arith.index_cast %get3A_704 : i32 to index
    %get3A_706 = arith.constant 272 : index
    %get3A_707 = tpu.vector_load %arg5[%get3A_705, %get3A_706] {strides = array<i32>} : memref<8x384xi32, #tpu.memory_space<vmem>>, vector<1x16xi32>,
    %get3A_708 = vector.shape_cast %get3A_707 : vector<1x16xi32> to vector<16xi32>
    %mul3A_709 = arith.constant 10000 : i32
    %mul3A_710 = vector.broadcast %mul3A_709 : i32 to vector<16xi32>
    %mul3A_711 = arith.muli %get3A_698, %mul3A_710 : vector<16xi32>
    %mul3A_712 = arith.constant 100 : i32
    %mul3A_713 = vector.broadcast %mul3A_712 : i32 to vector<16xi32>
    %mul3A_714 = arith.muli %get3A_703, %mul3A_713 : vector<16xi32>
    %add3A_715 = arith.addi %mul3A_711, %mul3A_714 : vector<16xi32>
    %add3A_716 = arith.addi %add3A_715, %get3A_708 : vector<16xi32>
    %swap3A_717 = arith.constant 2 : i32
    %swap3A_718 = arith.index_cast %swap3A_717 : i32 to index
    %swap3A_719 = arith.constant 16 : index
    %swap3A_720 = tpu.vector_load %arg6[%swap3A_718, %swap3A_719] {strides = array<i32>} : memref<8x128xi32, #tpu.memory_space<vmem>>, vector<1x16xi32>,
    %swap3A_721 = vector.shape_cast %swap3A_720 : vector<1x16xi32> to vector<16xi32>
    %swap3A_722 = vector.shape_cast %add3A_716 : vector<16xi32> to vector<1x16xi32>
    tpu.vector_store %arg6[%swap3A_718, %swap3A_719], %swap3A_722 {strides = array<i32>} : memref<8x128xi32, #tpu.memory_space<vmem>>, vector<1x16xi32>,
    %get3A_723 = arith.constant 2 : i32
    %get3A_724 = arith.index_cast %get3A_723 : i32 to index
    %get3A_725 = arith.constant 32 : index
    %get3A_726 = tpu.vector_load %arg5[%get3A_724, %get3A_725] {strides = array<i32>} : memref<8x384xi32, #tpu.memory_space<vmem>>, vector<1x16xi32>,
    %get3A_727 = vector.shape_cast %get3A_726 : vector<1x16xi32> to vector<16xi32>
    %get3A_728 = arith.constant 2 : i32
    %get3A_729 = arith.index_cast %get3A_728 : i32 to index
    %get3A_730 = arith.constant 160 : index
    %get3A_731 = tpu.vector_load %arg5[%get3A_729, %get3A_730] {strides = array<i32>} : memref<8x384xi32, #tpu.memory_space<vmem>>, vector<1x16xi32>,
    %get3A_732 = vector.shape_cast %get3A_731 : vector<1x16xi32> to vector<16xi32>
    %get3A_733 = arith.constant 2 : i32
    %get3A_734 = arith.index_cast %get3A_733 : i32 to index
    %get3A_735 = arith.constant 288 : index
    %get3A_736 = tpu.vector_load %arg5[%get3A_734, %get3A_735] {strides = array<i32>} : memref<8x384xi32, #tpu.memory_space<vmem>>, vector<1x16xi32>,
    %get3A_737 = vector.shape_cast %get3A_736 : vector<1x16xi32> to vector<16xi32>
    %mul3A_738 = arith.constant 10000 : i32
    %mul3A_739 = vector.broadcast %mul3A_738 : i32 to vector<16xi32>
    %mul3A_740 = arith.muli %get3A_727, %mul3A_739 : vector<16xi32>
    %mul3A_741 = arith.constant 100 : i32
    %mul3A_742 = vector.broadcast %mul3A_741 : i32 to vector<16xi32>
    %mul3A_743 = arith.muli %get3A_732, %mul3A_742 : vector<16xi32>
    %add3A_744 = arith.addi %mul3A_740, %mul3A_743 : vector<16xi32>
    %add3A_745 = arith.addi %add3A_744, %get3A_737 : vector<16xi32>
    %swap3A_746 = arith.constant 2 : i32
    %swap3A_747 = arith.index_cast %swap3A_746 : i32 to index
    %swap3A_748 = arith.constant 32 : index
    %swap3A_749 = tpu.vector_load %arg6[%swap3A_747, %swap3A_748] {strides = array<i32>} : memref<8x128xi32, #tpu.memory_space<vmem>>, vector<1x16xi32>,
    %swap3A_750 = vector.shape_cast %swap3A_749 : vector<1x16xi32> to vector<16xi32>
    %swap3A_751 = vector.shape_cast %add3A_745 : vector<16xi32> to vector<1x16xi32>
    tpu.vector_store %arg6[%swap3A_747, %swap3A_748], %swap3A_751 {strides = array<i32>} : memref<8x128xi32, #tpu.memory_space<vmem>>, vector<1x16xi32>,
    %get3A_752 = arith.constant 2 : i32
    %get3A_753 = arith.index_cast %get3A_752 : i32 to index
    %get3A_754 = arith.constant 48 : index
    %get3A_755 = tpu.vector_load %arg5[%get3A_753, %get3A_754] {strides = array<i32>} : memref<8x384xi32, #tpu.memory_space<vmem>>, vector<1x16xi32>,
    %get3A_756 = vector.shape_cast %get3A_755 : vector<1x16xi32> to vector<16xi32>
    %get3A_757 = arith.constant 2 : i32
    %get3A_758 = arith.index_cast %get3A_757 : i32 to index
    %get3A_759 = arith.constant 176 : index
    %get3A_760 = tpu.vector_load %arg5[%get3A_758, %get3A_759] {strides = array<i32>} : memref<8x384xi32, #tpu.memory_space<vmem>>, vector<1x16xi32>,
    %get3A_761 = vector.shape_cast %get3A_760 : vector<1x16xi32> to vector<16xi32>
    %get3A_762 = arith.constant 2 : i32
    %get3A_763 = arith.index_cast %get3A_762 : i32 to index
    %get3A_764 = arith.constant 304 : index
    %get3A_765 = tpu.vector_load %arg5[%get3A_763, %get3A_764] {strides = array<i32>} : memref<8x384xi32, #tpu.memory_space<vmem>>, vector<1x16xi32>,
    %get3A_766 = vector.shape_cast %get3A_765 : vector<1x16xi32> to vector<16xi32>
    %mul3A_767 = arith.constant 10000 : i32
    %mul3A_768 = vector.broadcast %mul3A_767 : i32 to vector<16xi32>
    %mul3A_769 = arith.muli %get3A_756, %mul3A_768 : vector<16xi32>
    %mul3A_770 = arith.constant 100 : i32
    %mul3A_771 = vector.broadcast %mul3A_770 : i32 to vector<16xi32>
    %mul3A_772 = arith.muli %get3A_761, %mul3A_771 : vector<16xi32>
    %add3A_773 = arith.addi %mul3A_769, %mul3A_772 : vector<16xi32>
    %add3A_774 = arith.addi %add3A_773, %get3A_766 : vector<16xi32>
    %swap3A_775 = arith.constant 2 : i32
    %swap3A_776 = arith.index_cast %swap3A_775 : i32 to index
    %swap3A_777 = arith.constant 48 : index
    %swap3A_778 = tpu.vector_load %arg6[%swap3A_776, %swap3A_777] {strides = array<i32>} : memref<8x128xi32, #tpu.memory_space<vmem>>, vector<1x16xi32>,
    %swap3A_779 = vector.shape_cast %swap3A_778 : vector<1x16xi32> to vector<16xi32>
    %swap3A_780 = vector.shape_cast %add3A_774 : vector<16xi32> to vector<1x16xi32>
    tpu.vector_store %arg6[%swap3A_776, %swap3A_777], %swap3A_780 {strides = array<i32>} : memref<8x128xi32, #tpu.memory_space<vmem>>, vector<1x16xi32>,
    %get3A_781 = arith.constant 2 : i32
    %get3A_782 = arith.index_cast %get3A_781 : i32 to index
    %get3A_783 = arith.constant 64 : index
    %get3A_784 = tpu.vector_load %arg5[%get3A_782, %get3A_783] {strides = array<i32>} : memref<8x384xi32, #tpu.memory_space<vmem>>, vector<1x16xi32>,
    %get3A_785 = vector.shape_cast %get3A_784 : vector<1x16xi32> to vector<16xi32>
    %get3A_786 = arith.constant 2 : i32
    %get3A_787 = arith.index_cast %get3A_786 : i32 to index
    %get3A_788 = arith.constant 192 : index
    %get3A_789 = tpu.vector_load %arg5[%get3A_787, %get3A_788] {strides = array<i32>} : memref<8x384xi32, #tpu.memory_space<vmem>>, vector<1x16xi32>,
    %get3A_790 = vector.shape_cast %get3A_789 : vector<1x16xi32> to vector<16xi32>
    %get3A_791 = arith.constant 2 : i32
    %get3A_792 = arith.index_cast %get3A_791 : i32 to index
    %get3A_793 = arith.constant 320 : index
    %get3A_794 = tpu.vector_load %arg5[%get3A_792, %get3A_793] {strides = array<i32>} : memref<8x384xi32, #tpu.memory_space<vmem>>, vector<1x16xi32>,
    %get3A_795 = vector.shape_cast %get3A_794 : vector<1x16xi32> to vector<16xi32>
    %mul3A_796 = arith.constant 10000 : i32
    %mul3A_797 = vector.broadcast %mul3A_796 : i32 to vector<16xi32>
    %mul3A_798 = arith.muli %get3A_785, %mul3A_797 : vector<16xi32>
    %mul3A_799 = arith.constant 100 : i32
    %mul3A_800 = vector.broadcast %mul3A_799 : i32 to vector<16xi32>
    %mul3A_801 = arith.muli %get3A_790, %mul3A_800 : vector<16xi32>
    %add3A_802 = arith.addi %mul3A_798, %mul3A_801 : vector<16xi32>
    %add3A_803 = arith.addi %add3A_802, %get3A_795 : vector<16xi32>
    %swap3A_804 = arith.constant 2 : i32
    %swap3A_805 = arith.index_cast %swap3A_804 : i32 to index
    %swap3A_806 = arith.constant 64 : index
    %swap3A_807 = tpu.vector_load %arg6[%swap3A_805, %swap3A_806] {strides = array<i32>} : memref<8x128xi32, #tpu.memory_space<vmem>>, vector<1x16xi32>,
    %swap3A_808 = vector.shape_cast %swap3A_807 : vector<1x16xi32> to vector<16xi32>
    %swap3A_809 = vector.shape_cast %add3A_803 : vector<16xi32> to vector<1x16xi32>
    tpu.vector_store %arg6[%swap3A_805, %swap3A_806], %swap3A_809 {strides = array<i32>} : memref<8x128xi32, #tpu.memory_space<vmem>>, vector<1x16xi32>,
    %get3A_810 = arith.constant 2 : i32
    %get3A_811 = arith.index_cast %get3A_810 : i32 to index
    %get3A_812 = arith.constant 80 : index
    %get3A_813 = tpu.vector_load %arg5[%get3A_811, %get3A_812] {strides = array<i32>} : memref<8x384xi32, #tpu.memory_space<vmem>>, vector<1x16xi32>,
    %get3A_814 = vector.shape_cast %get3A_813 : vector<1x16xi32> to vector<16xi32>
    %get3A_815 = arith.constant 2 : i32
    %get3A_816 = arith.index_cast %get3A_815 : i32 to index
    %get3A_817 = arith.constant 208 : index
    %get3A_818 = tpu.vector_load %arg5[%get3A_816, %get3A_817] {strides = array<i32>} : memref<8x384xi32, #tpu.memory_space<vmem>>, vector<1x16xi32>,
    %get3A_819 = vector.shape_cast %get3A_818 : vector<1x16xi32> to vector<16xi32>
    %get3A_820 = arith.constant 2 : i32
    %get3A_821 = arith.index_cast %get3A_820 : i32 to index
    %get3A_822 = arith.constant 336 : index
    %get3A_823 = tpu.vector_load %arg5[%get3A_821, %get3A_822] {strides = array<i32>} : memref<8x384xi32, #tpu.memory_space<vmem>>, vector<1x16xi32>,
    %get3A_824 = vector.shape_cast %get3A_823 : vector<1x16xi32> to vector<16xi32>
    %mul3A_825 = arith.constant 10000 : i32
    %mul3A_826 = vector.broadcast %mul3A_825 : i32 to vector<16xi32>
    %mul3A_827 = arith.muli %get3A_814, %mul3A_826 : vector<16xi32>
    %mul3A_828 = arith.constant 100 : i32
    %mul3A_829 = vector.broadcast %mul3A_828 : i32 to vector<16xi32>
    %mul3A_830 = arith.muli %get3A_819, %mul3A_829 : vector<16xi32>
    %add3A_831 = arith.addi %mul3A_827, %mul3A_830 : vector<16xi32>
    %add3A_832 = arith.addi %add3A_831, %get3A_824 : vector<16xi32>
    %swap3A_833 = arith.constant 2 : i32
    %swap3A_834 = arith.index_cast %swap3A_833 : i32 to index
    %swap3A_835 = arith.constant 80 : index
    %swap3A_836 = tpu.vector_load %arg6[%swap3A_834, %swap3A_835] {strides = array<i32>} : memref<8x128xi32, #tpu.memory_space<vmem>>, vector<1x16xi32>,
    %swap3A_837 = vector.shape_cast %swap3A_836 : vector<1x16xi32> to vector<16xi32>
    %swap3A_838 = vector.shape_cast %add3A_832 : vector<16xi32> to vector<1x16xi32>
    tpu.vector_store %arg6[%swap3A_834, %swap3A_835], %swap3A_838 {strides = array<i32>} : memref<8x128xi32, #tpu.memory_space<vmem>>, vector<1x16xi32>,
    %get3A_839 = arith.constant 2 : i32
    %get3A_840 = arith.index_cast %get3A_839 : i32 to index
    %get3A_841 = arith.constant 96 : index
    %get3A_842 = tpu.vector_load %arg5[%get3A_840, %get3A_841] {strides = array<i32>} : memref<8x384xi32, #tpu.memory_space<vmem>>, vector<1x16xi32>,
    %get3A_843 = vector.shape_cast %get3A_842 : vector<1x16xi32> to vector<16xi32>
    %get3A_844 = arith.constant 2 : i32
    %get3A_845 = arith.index_cast %get3A_844 : i32 to index
    %get3A_846 = arith.constant 224 : index
    %get3A_847 = tpu.vector_load %arg5[%get3A_845, %get3A_846] {strides = array<i32>} : memref<8x384xi32, #tpu.memory_space<vmem>>, vector<1x16xi32>,
    %get3A_848 = vector.shape_cast %get3A_847 : vector<1x16xi32> to vector<16xi32>
    %get3A_849 = arith.constant 2 : i32
    %get3A_850 = arith.index_cast %get3A_849 : i32 to index
    %get3A_851 = arith.constant 352 : index
    %get3A_852 = tpu.vector_load %arg5[%get3A_850, %get3A_851] {strides = array<i32>} : memref<8x384xi32, #tpu.memory_space<vmem>>, vector<1x16xi32>,
    %get3A_853 = vector.shape_cast %get3A_852 : vector<1x16xi32> to vector<16xi32>
    %mul3A_854 = arith.constant 10000 : i32
    %mul3A_855 = vector.broadcast %mul3A_854 : i32 to vector<16xi32>
    %mul3A_856 = arith.muli %get3A_843, %mul3A_855 : vector<16xi32>
    %mul3A_857 = arith.constant 100 : i32
    %mul3A_858 = vector.broadcast %mul3A_857 : i32 to vector<16xi32>
    %mul3A_859 = arith.muli %get3A_848, %mul3A_858 : vector<16xi32>
    %add3A_860 = arith.addi %mul3A_856, %mul3A_859 : vector<16xi32>
    %add3A_861 = arith.addi %add3A_860, %get3A_853 : vector<16xi32>
    %swap3A_862 = arith.constant 2 : i32
    %swap3A_863 = arith.index_cast %swap3A_862 : i32 to index
    %swap3A_864 = arith.constant 96 : index
    %swap3A_865 = tpu.vector_load %arg6[%swap3A_863, %swap3A_864] {strides = array<i32>} : memref<8x128xi32, #tpu.memory_space<vmem>>, vector<1x16xi32>,
    %swap3A_866 = vector.shape_cast %swap3A_865 : vector<1x16xi32> to vector<16xi32>
    %swap3A_867 = vector.shape_cast %add3A_861 : vector<16xi32> to vector<1x16xi32>
    tpu.vector_store %arg6[%swap3A_863, %swap3A_864], %swap3A_867 {strides = array<i32>} : memref<8x128xi32, #tpu.memory_space<vmem>>, vector<1x16xi32>,
    %get3A_868 = arith.constant 2 : i32
    %get3A_869 = arith.index_cast %get3A_868 : i32 to index
    %get3A_870 = arith.constant 112 : index
    %get3A_871 = tpu.vector_load %arg5[%get3A_869, %get3A_870] {strides = array<i32>} : memref<8x384xi32, #tpu.memory_space<vmem>>, vector<1x16xi32>,
    %get3A_872 = vector.shape_cast %get3A_871 : vector<1x16xi32> to vector<16xi32>
    %get3A_873 = arith.constant 2 : i32
    %get3A_874 = arith.index_cast %get3A_873 : i32 to index
    %get3A_875 = arith.constant 240 : index
    %get3A_876 = tpu.vector_load %arg5[%get3A_874, %get3A_875] {strides = array<i32>} : memref<8x384xi32, #tpu.memory_space<vmem>>, vector<1x16xi32>,
    %get3A_877 = vector.shape_cast %get3A_876 : vector<1x16xi32> to vector<16xi32>
    %get3A_878 = arith.constant 2 : i32
    %get3A_879 = arith.index_cast %get3A_878 : i32 to index
    %get3A_880 = arith.constant 368 : index
    %get3A_881 = tpu.vector_load %arg5[%get3A_879, %get3A_880] {strides = array<i32>} : memref<8x384xi32, #tpu.memory_space<vmem>>, vector<1x16xi32>,
    %get3A_882 = vector.shape_cast %get3A_881 : vector<1x16xi32> to vector<16xi32>
    %mul3A_883 = arith.constant 10000 : i32
    %mul3A_884 = vector.broadcast %mul3A_883 : i32 to vector<16xi32>
    %mul3A_885 = arith.muli %get3A_872, %mul3A_884 : vector<16xi32>
    %mul3A_886 = arith.constant 100 : i32
    %mul3A_887 = vector.broadcast %mul3A_886 : i32 to vector<16xi32>
    %mul3A_888 = arith.muli %get3A_877, %mul3A_887 : vector<16xi32>
    %add3A_889 = arith.addi %mul3A_885, %mul3A_888 : vector<16xi32>
    %add3A_890 = arith.addi %add3A_889, %get3A_882 : vector<16xi32>
    %swap3A_891 = arith.constant 2 : i32
    %swap3A_892 = arith.index_cast %swap3A_891 : i32 to index
    %swap3A_893 = arith.constant 112 : index
    %swap3A_894 = tpu.vector_load %arg6[%swap3A_892, %swap3A_893] {strides = array<i32>} : memref<8x128xi32, #tpu.memory_space<vmem>>, vector<1x16xi32>,
    %swap3A_895 = vector.shape_cast %swap3A_894 : vector<1x16xi32> to vector<16xi32>
    %swap3A_896 = vector.shape_cast %add3A_890 : vector<16xi32> to vector<1x16xi32>
    tpu.vector_store %arg6[%swap3A_892, %swap3A_893], %swap3A_896 {strides = array<i32>} : memref<8x128xi32, #tpu.memory_space<vmem>>, vector<1x16xi32>,
    %dma_start3A_897 = arith.constant 2 : i32
    %dma_start3A_898 = arith.constant 2 : i32
    %dma_start3A_899 = arith.constant 256 : i32
    %dma_start3A_900 = tpu.memref_slice %arg7[%dma_start3A_899] : memref<1024xf32, #tpu.memory_space<vmem>> -> memref<128xf32, #tpu.memory_space<vmem>>
    %dma_start3A_901 = arith.constant 0 : i32
    %dma_start3A_902 = tpu.memref_slice %arg6[%dma_start3A_897, %dma_start3A_901] : memref<8x128xi32, #tpu.memory_space<vmem>> -> memref<1x128xi32, #tpu.memory_space<vmem>>
    %dma_start3A_903 = tpu.memref_squeeze %dma_start3A_902 : memref<1x128xi32, #tpu.memory_space<vmem>> -> memref<128xi32, #tpu.memory_space<vmem>>
    %dma_start3A_904 = arith.constant 0 : i32
    %dma_start3A_905 = tpu.memref_slice %arg3[%dma_start3A_904] : memref<1000000xf32, #tpu.memory_space<hbm>> -> memref<1000000xf32, #tpu.memory_space<hbm>>
    %dma_start3A_906 = tpu.memref_slice %arg9[%dma_start3A_898] : memref<8x!tpu.dma_semaphore, #tpu.memory_space<semaphore_mem>> -> memref<1x!tpu.dma_semaphore, #tpu.memory_space<semaphore_mem>>
    %dma_start3A_907 = tpu.memref_squeeze %dma_start3A_906 : memref<1x!tpu.dma_semaphore, #tpu.memory_space<semaphore_mem>> -> memref<!tpu.dma_semaphore, #tpu.memory_space<semaphore_mem>>
    tpu.enqueue_indirect_dma source(%dma_start3A_905 : memref<1000000xf32, #tpu.memory_space<hbm>>) target(%dma_start3A_900 : memref<128xf32, #tpu.memory_space<vmem>>) offsets(%dma_start3A_903 : memref<128xi32, #tpu.memory_space<vmem>>) semaphore(%dma_start3A_907 : memref<!tpu.dma_semaphore, #tpu.memory_space<semaphore_mem>>)
    %dma_wait3A_908 = arith.constant 3 : i32
    %dma_wait3A_909 = arith.constant 3 : i32
    %dma_wait3A_910 = arith.constant 0 : i32
    %dma_wait3A_911 = tpu.memref_slice %arg5[%dma_wait3A_908, %dma_wait3A_910] : memref<8x384xi32, #tpu.memory_space<vmem>> -> memref<1x384xi32, #tpu.memory_space<vmem>>
    %dma_wait3A_912 = tpu.memref_squeeze %dma_wait3A_911 : memref<1x384xi32, #tpu.memory_space<vmem>> -> memref<384xi32, #tpu.memory_space<vmem>>
    %dma_wait3A_913 = tpu.memref_slice %arg2[%mul3A_61] : memref<49152xi32, #tpu.memory_space<hbm>> -> memref<384xi32, #tpu.memory_space<hbm>>
    %dma_wait3A_914 = tpu.memref_slice %arg8[%dma_wait3A_909] : memref<8x!tpu.dma_semaphore, #tpu.memory_space<semaphore_mem>> -> memref<1x!tpu.dma_semaphore, #tpu.memory_space<semaphore_mem>>
    %dma_wait3A_915 = tpu.memref_squeeze %dma_wait3A_914 : memref<1x!tpu.dma_semaphore, #tpu.memory_space<semaphore_mem>> -> memref<!tpu.dma_semaphore, #tpu.memory_space<semaphore_mem>>
    %dma_wait3A_916 = arith.constant 0 : i32
    %dma_wait3A_917 = tpu.memref_slice %arg5[%dma_wait3A_908, %dma_wait3A_916] : memref<8x384xi32, #tpu.memory_space<vmem>> -> memref<1x384xi32, #tpu.memory_space<vmem>>
    %dma_wait3A_918 = tpu.memref_squeeze %dma_wait3A_917 : memref<1x384xi32, #tpu.memory_space<vmem>> -> memref<384xi32, #tpu.memory_space<vmem>>
    %dma_wait3A_919 = tpu.memref_slice %arg2[%mul3A_61] : memref<49152xi32, #tpu.memory_space<hbm>> -> memref<384xi32, #tpu.memory_space<hbm>>
    tpu.wait_dma2 semaphore(%dma_wait3A_915 : memref<!tpu.dma_semaphore, #tpu.memory_space<semaphore_mem>>) src(%dma_wait3A_919 : memref<384xi32, #tpu.memory_space<hbm>>) dst(%dma_wait3A_918 : memref<384xi32, #tpu.memory_space<vmem>>)
    %get3A_920 = arith.constant 3 : i32
    %get3A_921 = arith.index_cast %get3A_920 : i32 to index
    %get3A_922 = arith.constant 0 : index
    %get3A_923 = tpu.vector_load %arg5[%get3A_921, %get3A_922] {strides = array<i32>} : memref<8x384xi32, #tpu.memory_space<vmem>>, vector<1x16xi32>,
    %get3A_924 = vector.shape_cast %get3A_923 : vector<1x16xi32> to vector<16xi32>
    %get3A_925 = arith.constant 3 : i32
    %get3A_926 = arith.index_cast %get3A_925 : i32 to index
    %get3A_927 = arith.constant 128 : index
    %get3A_928 = tpu.vector_load %arg5[%get3A_926, %get3A_927] {strides = array<i32>} : memref<8x384xi32, #tpu.memory_space<vmem>>, vector<1x16xi32>,
    %get3A_929 = vector.shape_cast %get3A_928 : vector<1x16xi32> to vector<16xi32>
    %get3A_930 = arith.constant 3 : i32
    %get3A_931 = arith.index_cast %get3A_930 : i32 to index
    %get3A_932 = arith.constant 256 : index
    %get3A_933 = tpu.vector_load %arg5[%get3A_931, %get3A_932] {strides = array<i32>} : memref<8x384xi32, #tpu.memory_space<vmem>>, vector<1x16xi32>,
    %get3A_934 = vector.shape_cast %get3A_933 : vector<1x16xi32> to vector<16xi32>
    %mul3A_935 = arith.constant 10000 : i32
    %mul3A_936 = vector.broadcast %mul3A_935 : i32 to vector<16xi32>
    %mul3A_937 = arith.muli %get3A_924, %mul3A_936 : vector<16xi32>
    %mul3A_938 = arith.constant 100 : i32
    %mul3A_939 = vector.broadcast %mul3A_938 : i32 to vector<16xi32>
    %mul3A_940 = arith.muli %get3A_929, %mul3A_939 : vector<16xi32>
    %add3A_941 = arith.addi %mul3A_937, %mul3A_940 : vector<16xi32>
    %add3A_942 = arith.addi %add3A_941, %get3A_934 : vector<16xi32>
    %swap3A_943 = arith.constant 3 : i32
    %swap3A_944 = arith.index_cast %swap3A_943 : i32 to index
    %swap3A_945 = arith.constant 0 : index
    %swap3A_946 = tpu.vector_load %arg6[%swap3A_944, %swap3A_945] {strides = array<i32>} : memref<8x128xi32, #tpu.memory_space<vmem>>, vector<1x16xi32>,
    %swap3A_947 = vector.shape_cast %swap3A_946 : vector<1x16xi32> to vector<16xi32>
    %swap3A_948 = vector.shape_cast %add3A_942 : vector<16xi32> to vector<1x16xi32>
    tpu.vector_store %arg6[%swap3A_944, %swap3A_945], %swap3A_948 {strides = array<i32>} : memref<8x128xi32, #tpu.memory_space<vmem>>, vector<1x16xi32>,
    %get3A_949 = arith.constant 3 : i32
    %get3A_950 = arith.index_cast %get3A_949 : i32 to index
    %get3A_951 = arith.constant 16 : index
    %get3A_952 = tpu.vector_load %arg5[%get3A_950, %get3A_951] {strides = array<i32>} : memref<8x384xi32, #tpu.memory_space<vmem>>, vector<1x16xi32>,
    %get3A_953 = vector.shape_cast %get3A_952 : vector<1x16xi32> to vector<16xi32>
    %get3A_954 = arith.constant 3 : i32
    %get3A_955 = arith.index_cast %get3A_954 : i32 to index
    %get3A_956 = arith.constant 144 : index
    %get3A_957 = tpu.vector_load %arg5[%get3A_955, %get3A_956] {strides = array<i32>} : memref<8x384xi32, #tpu.memory_space<vmem>>, vector<1x16xi32>,
    %get3A_958 = vector.shape_cast %get3A_957 : vector<1x16xi32> to vector<16xi32>
    %get3A_959 = arith.constant 3 : i32
    %get3A_960 = arith.index_cast %get3A_959 : i32 to index
    %get3A_961 = arith.constant 272 : index
    %get3A_962 = tpu.vector_load %arg5[%get3A_960, %get3A_961] {strides = array<i32>} : memref<8x384xi32, #tpu.memory_space<vmem>>, vector<1x16xi32>,
    %get3A_963 = vector.shape_cast %get3A_962 : vector<1x16xi32> to vector<16xi32>
    %mul3A_964 = arith.constant 10000 : i32
    %mul3A_965 = vector.broadcast %mul3A_964 : i32 to vector<16xi32>
    %mul3A_966 = arith.muli %get3A_953, %mul3A_965 : vector<16xi32>
    %mul3A_967 = arith.constant 100 : i32
    %mul3A_968 = vector.broadcast %mul3A_967 : i32 to vector<16xi32>
    %mul3A_969 = arith.muli %get3A_958, %mul3A_968 : vector<16xi32>
    %add3A_970 = arith.addi %mul3A_966, %mul3A_969 : vector<16xi32>
    %add3A_971 = arith.addi %add3A_970, %get3A_963 : vector<16xi32>
    %swap3A_972 = arith.constant 3 : i32
    %swap3A_973 = arith.index_cast %swap3A_972 : i32 to index
    %swap3A_974 = arith.constant 16 : index
    %swap3A_975 = tpu.vector_load %arg6[%swap3A_973, %swap3A_974] {strides = array<i32>} : memref<8x128xi32, #tpu.memory_space<vmem>>, vector<1x16xi32>,
    %swap3A_976 = vector.shape_cast %swap3A_975 : vector<1x16xi32> to vector<16xi32>
    %swap3A_977 = vector.shape_cast %add3A_971 : vector<16xi32> to vector<1x16xi32>
    tpu.vector_store %arg6[%swap3A_973, %swap3A_974], %swap3A_977 {strides = array<i32>} : memref<8x128xi32, #tpu.memory_space<vmem>>, vector<1x16xi32>,
    %get3A_978 = arith.constant 3 : i32
    %get3A_979 = arith.index_cast %get3A_978 : i32 to index
    %get3A_980 = arith.constant 32 : index
    %get3A_981 = tpu.vector_load %arg5[%get3A_979, %get3A_980] {strides = array<i32>} : memref<8x384xi32, #tpu.memory_space<vmem>>, vector<1x16xi32>,
    %get3A_982 = vector.shape_cast %get3A_981 : vector<1x16xi32> to vector<16xi32>
    %get3A_983 = arith.constant 3 : i32
    %get3A_984 = arith.index_cast %get3A_983 : i32 to index
    %get3A_985 = arith.constant 160 : index
    %get3A_986 = tpu.vector_load %arg5[%get3A_984, %get3A_985] {strides = array<i32>} : memref<8x384xi32, #tpu.memory_space<vmem>>, vector<1x16xi32>,
    %get3A_987 = vector.shape_cast %get3A_986 : vector<1x16xi32> to vector<16xi32>
    %get3A_988 = arith.constant 3 : i32
    %get3A_989 = arith.index_cast %get3A_988 : i32 to index
    %get3A_990 = arith.constant 288 : index
    %get3A_991 = tpu.vector_load %arg5[%get3A_989, %get3A_990] {strides = array<i32>} : memref<8x384xi32, #tpu.memory_space<vmem>>, vector<1x16xi32>,
    %get3A_992 = vector.shape_cast %get3A_991 : vector<1x16xi32> to vector<16xi32>
    %mul3A_993 = arith.constant 10000 : i32
    %mul3A_994 = vector.broadcast %mul3A_993 : i32 to vector<16xi32>
    %mul3A_995 = arith.muli %get3A_982, %mul3A_994 : vector<16xi32>
    %mul3A_996 = arith.constant 100 : i32
    %mul3A_997 = vector.broadcast %mul3A_996 : i32 to vector<16xi32>
    %mul3A_998 = arith.muli %get3A_987, %mul3A_997 : vector<16xi32>
    %add3A_999 = arith.addi %mul3A_995, %mul3A_998 : vector<16xi32>
    %add3A_1000 = arith.addi %add3A_999, %get3A_992 : vector<16xi32>
    %swap3A_1001 = arith.constant 3 : i32
    %swap3A_1002 = arith.index_cast %swap3A_1001 : i32 to index
    %swap3A_1003 = arith.constant 32 : index
    %swap3A_1004 = tpu.vector_load %arg6[%swap3A_1002, %swap3A_1003] {strides = array<i32>} : memref<8x128xi32, #tpu.memory_space<vmem>>, vector<1x16xi32>,
    %swap3A_1005 = vector.shape_cast %swap3A_1004 : vector<1x16xi32> to vector<16xi32>
    %swap3A_1006 = vector.shape_cast %add3A_1000 : vector<16xi32> to vector<1x16xi32>
    tpu.vector_store %arg6[%swap3A_1002, %swap3A_1003], %swap3A_1006 {strides = array<i32>} : memref<8x128xi32, #tpu.memory_space<vmem>>, vector<1x16xi32>,
    %get3A_1007 = arith.constant 3 : i32
    %get3A_1008 = arith.index_cast %get3A_1007 : i32 to index
    %get3A_1009 = arith.constant 48 : index
    %get3A_1010 = tpu.vector_load %arg5[%get3A_1008, %get3A_1009] {strides = array<i32>} : memref<8x384xi32, #tpu.memory_space<vmem>>, vector<1x16xi32>,
    %get3A_1011 = vector.shape_cast %get3A_1010 : vector<1x16xi32> to vector<16xi32>
    %get3A_1012 = arith.constant 3 : i32
    %get3A_1013 = arith.index_cast %get3A_1012 : i32 to index
    %get3A_1014 = arith.constant 176 : index
    %get3A_1015 = tpu.vector_load %arg5[%get3A_1013, %get3A_1014] {strides = array<i32>} : memref<8x384xi32, #tpu.memory_space<vmem>>, vector<1x16xi32>,
    %get3A_1016 = vector.shape_cast %get3A_1015 : vector<1x16xi32> to vector<16xi32>
    %get3A_1017 = arith.constant 3 : i32
    %get3A_1018 = arith.index_cast %get3A_1017 : i32 to index
    %get3A_1019 = arith.constant 304 : index
    %get3A_1020 = tpu.vector_load %arg5[%get3A_1018, %get3A_1019] {strides = array<i32>} : memref<8x384xi32, #tpu.memory_space<vmem>>, vector<1x16xi32>,
    %get3A_1021 = vector.shape_cast %get3A_1020 : vector<1x16xi32> to vector<16xi32>
    %mul3A_1022 = arith.constant 10000 : i32
    %mul3A_1023 = vector.broadcast %mul3A_1022 : i32 to vector<16xi32>
    %mul3A_1024 = arith.muli %get3A_1011, %mul3A_1023 : vector<16xi32>
    %mul3A_1025 = arith.constant 100 : i32
    %mul3A_1026 = vector.broadcast %mul3A_1025 : i32 to vector<16xi32>
    %mul3A_1027 = arith.muli %get3A_1016, %mul3A_1026 : vector<16xi32>
    %add3A_1028 = arith.addi %mul3A_1024, %mul3A_1027 : vector<16xi32>
    %add3A_1029 = arith.addi %add3A_1028, %get3A_1021 : vector<16xi32>
    %swap3A_1030 = arith.constant 3 : i32
    %swap3A_1031 = arith.index_cast %swap3A_1030 : i32 to index
    %swap3A_1032 = arith.constant 48 : index
    %swap3A_1033 = tpu.vector_load %arg6[%swap3A_1031, %swap3A_1032] {strides = array<i32>} : memref<8x128xi32, #tpu.memory_space<vmem>>, vector<1x16xi32>,
    %swap3A_1034 = vector.shape_cast %swap3A_1033 : vector<1x16xi32> to vector<16xi32>
    %swap3A_1035 = vector.shape_cast %add3A_1029 : vector<16xi32> to vector<1x16xi32>
    tpu.vector_store %arg6[%swap3A_1031, %swap3A_1032], %swap3A_1035 {strides = array<i32>} : memref<8x128xi32, #tpu.memory_space<vmem>>, vector<1x16xi32>,
    %get3A_1036 = arith.constant 3 : i32
    %get3A_1037 = arith.index_cast %get3A_1036 : i32 to index
    %get3A_1038 = arith.constant 64 : index
    %get3A_1039 = tpu.vector_load %arg5[%get3A_1037, %get3A_1038] {strides = array<i32>} : memref<8x384xi32, #tpu.memory_space<vmem>>, vector<1x16xi32>,
    %get3A_1040 = vector.shape_cast %get3A_1039 : vector<1x16xi32> to vector<16xi32>
    %get3A_1041 = arith.constant 3 : i32
    %get3A_1042 = arith.index_cast %get3A_1041 : i32 to index
    %get3A_1043 = arith.constant 192 : index
    %get3A_1044 = tpu.vector_load %arg5[%get3A_1042, %get3A_1043] {strides = array<i32>} : memref<8x384xi32, #tpu.memory_space<vmem>>, vector<1x16xi32>,
    %get3A_1045 = vector.shape_cast %get3A_1044 : vector<1x16xi32> to vector<16xi32>
    %get3A_1046 = arith.constant 3 : i32
    %get3A_1047 = arith.index_cast %get3A_1046 : i32 to index
    %get3A_1048 = arith.constant 320 : index
    %get3A_1049 = tpu.vector_load %arg5[%get3A_1047, %get3A_1048] {strides = array<i32>} : memref<8x384xi32, #tpu.memory_space<vmem>>, vector<1x16xi32>,
    %get3A_1050 = vector.shape_cast %get3A_1049 : vector<1x16xi32> to vector<16xi32>
    %mul3A_1051 = arith.constant 10000 : i32
    %mul3A_1052 = vector.broadcast %mul3A_1051 : i32 to vector<16xi32>
    %mul3A_1053 = arith.muli %get3A_1040, %mul3A_1052 : vector<16xi32>
    %mul3A_1054 = arith.constant 100 : i32
    %mul3A_1055 = vector.broadcast %mul3A_1054 : i32 to vector<16xi32>
    %mul3A_1056 = arith.muli %get3A_1045, %mul3A_1055 : vector<16xi32>
    %add3A_1057 = arith.addi %mul3A_1053, %mul3A_1056 : vector<16xi32>
    %add3A_1058 = arith.addi %add3A_1057, %get3A_1050 : vector<16xi32>
    %swap3A_1059 = arith.constant 3 : i32
    %swap3A_1060 = arith.index_cast %swap3A_1059 : i32 to index
    %swap3A_1061 = arith.constant 64 : index
    %swap3A_1062 = tpu.vector_load %arg6[%swap3A_1060, %swap3A_1061] {strides = array<i32>} : memref<8x128xi32, #tpu.memory_space<vmem>>, vector<1x16xi32>,
    %swap3A_1063 = vector.shape_cast %swap3A_1062 : vector<1x16xi32> to vector<16xi32>
    %swap3A_1064 = vector.shape_cast %add3A_1058 : vector<16xi32> to vector<1x16xi32>
    tpu.vector_store %arg6[%swap3A_1060, %swap3A_1061], %swap3A_1064 {strides = array<i32>} : memref<8x128xi32, #tpu.memory_space<vmem>>, vector<1x16xi32>,
    %get3A_1065 = arith.constant 3 : i32
    %get3A_1066 = arith.index_cast %get3A_1065 : i32 to index
    %get3A_1067 = arith.constant 80 : index
    %get3A_1068 = tpu.vector_load %arg5[%get3A_1066, %get3A_1067] {strides = array<i32>} : memref<8x384xi32, #tpu.memory_space<vmem>>, vector<1x16xi32>,
    %get3A_1069 = vector.shape_cast %get3A_1068 : vector<1x16xi32> to vector<16xi32>
    %get3A_1070 = arith.constant 3 : i32
    %get3A_1071 = arith.index_cast %get3A_1070 : i32 to index
    %get3A_1072 = arith.constant 208 : index
    %get3A_1073 = tpu.vector_load %arg5[%get3A_1071, %get3A_1072] {strides = array<i32>} : memref<8x384xi32, #tpu.memory_space<vmem>>, vector<1x16xi32>,
    %get3A_1074 = vector.shape_cast %get3A_1073 : vector<1x16xi32> to vector<16xi32>
    %get3A_1075 = arith.constant 3 : i32
    %get3A_1076 = arith.index_cast %get3A_1075 : i32 to index
    %get3A_1077 = arith.constant 336 : index
    %get3A_1078 = tpu.vector_load %arg5[%get3A_1076, %get3A_1077] {strides = array<i32>} : memref<8x384xi32, #tpu.memory_space<vmem>>, vector<1x16xi32>,
    %get3A_1079 = vector.shape_cast %get3A_1078 : vector<1x16xi32> to vector<16xi32>
    %mul3A_1080 = arith.constant 10000 : i32
    %mul3A_1081 = vector.broadcast %mul3A_1080 : i32 to vector<16xi32>
    %mul3A_1082 = arith.muli %get3A_1069, %mul3A_1081 : vector<16xi32>
    %mul3A_1083 = arith.constant 100 : i32
    %mul3A_1084 = vector.broadcast %mul3A_1083 : i32 to vector<16xi32>
    %mul3A_1085 = arith.muli %get3A_1074, %mul3A_1084 : vector<16xi32>
    %add3A_1086 = arith.addi %mul3A_1082, %mul3A_1085 : vector<16xi32>
    %add3A_1087 = arith.addi %add3A_1086, %get3A_1079 : vector<16xi32>
    %swap3A_1088 = arith.constant 3 : i32
    %swap3A_1089 = arith.index_cast %swap3A_1088 : i32 to index
    %swap3A_1090 = arith.constant 80 : index
    %swap3A_1091 = tpu.vector_load %arg6[%swap3A_1089, %swap3A_1090] {strides = array<i32>} : memref<8x128xi32, #tpu.memory_space<vmem>>, vector<1x16xi32>,
    %swap3A_1092 = vector.shape_cast %swap3A_1091 : vector<1x16xi32> to vector<16xi32>
    %swap3A_1093 = vector.shape_cast %add3A_1087 : vector<16xi32> to vector<1x16xi32>
    tpu.vector_store %arg6[%swap3A_1089, %swap3A_1090], %swap3A_1093 {strides = array<i32>} : memref<8x128xi32, #tpu.memory_space<vmem>>, vector<1x16xi32>,
    %get3A_1094 = arith.constant 3 : i32
    %get3A_1095 = arith.index_cast %get3A_1094 : i32 to index
    %get3A_1096 = arith.constant 96 : index
    %get3A_1097 = tpu.vector_load %arg5[%get3A_1095, %get3A_1096] {strides = array<i32>} : memref<8x384xi32, #tpu.memory_space<vmem>>, vector<1x16xi32>,
    %get3A_1098 = vector.shape_cast %get3A_1097 : vector<1x16xi32> to vector<16xi32>
    %get3A_1099 = arith.constant 3 : i32
    %get3A_1100 = arith.index_cast %get3A_1099 : i32 to index
    %get3A_1101 = arith.constant 224 : index
    %get3A_1102 = tpu.vector_load %arg5[%get3A_1100, %get3A_1101] {strides = array<i32>} : memref<8x384xi32, #tpu.memory_space<vmem>>, vector<1x16xi32>,
    %get3A_1103 = vector.shape_cast %get3A_1102 : vector<1x16xi32> to vector<16xi32>
    %get3A_1104 = arith.constant 3 : i32
    %get3A_1105 = arith.index_cast %get3A_1104 : i32 to index
    %get3A_1106 = arith.constant 352 : index
    %get3A_1107 = tpu.vector_load %arg5[%get3A_1105, %get3A_1106] {strides = array<i32>} : memref<8x384xi32, #tpu.memory_space<vmem>>, vector<1x16xi32>,
    %get3A_1108 = vector.shape_cast %get3A_1107 : vector<1x16xi32> to vector<16xi32>
    %mul3A_1109 = arith.constant 10000 : i32
    %mul3A_1110 = vector.broadcast %mul3A_1109 : i32 to vector<16xi32>
    %mul3A_1111 = arith.muli %get3A_1098, %mul3A_1110 : vector<16xi32>
    %mul3A_1112 = arith.constant 100 : i32
    %mul3A_1113 = vector.broadcast %mul3A_1112 : i32 to vector<16xi32>
    %mul3A_1114 = arith.muli %get3A_1103, %mul3A_1113 : vector<16xi32>
    %add3A_1115 = arith.addi %mul3A_1111, %mul3A_1114 : vector<16xi32>
    %add3A_1116 = arith.addi %add3A_1115, %get3A_1108 : vector<16xi32>
    %swap3A_1117 = arith.constant 3 : i32
    %swap3A_1118 = arith.index_cast %swap3A_1117 : i32 to index
    %swap3A_1119 = arith.constant 96 : index
    %swap3A_1120 = tpu.vector_load %arg6[%swap3A_1118, %swap3A_1119] {strides = array<i32>} : memref<8x128xi32, #tpu.memory_space<vmem>>, vector<1x16xi32>,
    %swap3A_1121 = vector.shape_cast %swap3A_1120 : vector<1x16xi32> to vector<16xi32>
    %swap3A_1122 = vector.shape_cast %add3A_1116 : vector<16xi32> to vector<1x16xi32>
    tpu.vector_store %arg6[%swap3A_1118, %swap3A_1119], %swap3A_1122 {strides = array<i32>} : memref<8x128xi32, #tpu.memory_space<vmem>>, vector<1x16xi32>,
    %get3A_1123 = arith.constant 3 : i32
    %get3A_1124 = arith.index_cast %get3A_1123 : i32 to index
    %get3A_1125 = arith.constant 112 : index
    %get3A_1126 = tpu.vector_load %arg5[%get3A_1124, %get3A_1125] {strides = array<i32>} : memref<8x384xi32, #tpu.memory_space<vmem>>, vector<1x16xi32>,
    %get3A_1127 = vector.shape_cast %get3A_1126 : vector<1x16xi32> to vector<16xi32>
    %get3A_1128 = arith.constant 3 : i32
    %get3A_1129 = arith.index_cast %get3A_1128 : i32 to index
    %get3A_1130 = arith.constant 240 : index
    %get3A_1131 = tpu.vector_load %arg5[%get3A_1129, %get3A_1130] {strides = array<i32>} : memref<8x384xi32, #tpu.memory_space<vmem>>, vector<1x16xi32>,
    %get3A_1132 = vector.shape_cast %get3A_1131 : vector<1x16xi32> to vector<16xi32>
    %get3A_1133 = arith.constant 3 : i32
    %get3A_1134 = arith.index_cast %get3A_1133 : i32 to index
    %get3A_1135 = arith.constant 368 : index
    %get3A_1136 = tpu.vector_load %arg5[%get3A_1134, %get3A_1135] {strides = array<i32>} : memref<8x384xi32, #tpu.memory_space<vmem>>, vector<1x16xi32>,
    %get3A_1137 = vector.shape_cast %get3A_1136 : vector<1x16xi32> to vector<16xi32>
    %mul3A_1138 = arith.constant 10000 : i32
    %mul3A_1139 = vector.broadcast %mul3A_1138 : i32 to vector<16xi32>
    %mul3A_1140 = arith.muli %get3A_1127, %mul3A_1139 : vector<16xi32>
    %mul3A_1141 = arith.constant 100 : i32
    %mul3A_1142 = vector.broadcast %mul3A_1141 : i32 to vector<16xi32>
    %mul3A_1143 = arith.muli %get3A_1132, %mul3A_1142 : vector<16xi32>
    %add3A_1144 = arith.addi %mul3A_1140, %mul3A_1143 : vector<16xi32>
    %add3A_1145 = arith.addi %add3A_1144, %get3A_1137 : vector<16xi32>
    %swap3A_1146 = arith.constant 3 : i32
    %swap3A_1147 = arith.index_cast %swap3A_1146 : i32 to index
    %swap3A_1148 = arith.constant 112 : index
    %swap3A_1149 = tpu.vector_load %arg6[%swap3A_1147, %swap3A_1148] {strides = array<i32>} : memref<8x128xi32, #tpu.memory_space<vmem>>, vector<1x16xi32>,
    %swap3A_1150 = vector.shape_cast %swap3A_1149 : vector<1x16xi32> to vector<16xi32>
    %swap3A_1151 = vector.shape_cast %add3A_1145 : vector<16xi32> to vector<1x16xi32>
    tpu.vector_store %arg6[%swap3A_1147, %swap3A_1148], %swap3A_1151 {strides = array<i32>} : memref<8x128xi32, #tpu.memory_space<vmem>>, vector<1x16xi32>,
    %dma_start3A_1152 = arith.constant 3 : i32
    %dma_start3A_1153 = arith.constant 3 : i32
    %dma_start3A_1154 = arith.constant 384 : i32
    %dma_start3A_1155 = tpu.memref_slice %arg7[%dma_start3A_1154] : memref<1024xf32, #tpu.memory_space<vmem>> -> memref<128xf32, #tpu.memory_space<vmem>>
    %dma_start3A_1156 = arith.constant 0 : i32
    %dma_start3A_1157 = tpu.memref_slice %arg6[%dma_start3A_1152, %dma_start3A_1156] : memref<8x128xi32, #tpu.memory_space<vmem>> -> memref<1x128xi32, #tpu.memory_space<vmem>>
    %dma_start3A_1158 = tpu.memref_squeeze %dma_start3A_1157 : memref<1x128xi32, #tpu.memory_space<vmem>> -> memref<128xi32, #tpu.memory_space<vmem>>
    %dma_start3A_1159 = arith.constant 0 : i32
    %dma_start3A_1160 = tpu.memref_slice %arg3[%dma_start3A_1159] : memref<1000000xf32, #tpu.memory_space<hbm>> -> memref<1000000xf32, #tpu.memory_space<hbm>>
    %dma_start3A_1161 = tpu.memref_slice %arg9[%dma_start3A_1153] : memref<8x!tpu.dma_semaphore, #tpu.memory_space<semaphore_mem>> -> memref<1x!tpu.dma_semaphore, #tpu.memory_space<semaphore_mem>>
    %dma_start3A_1162 = tpu.memref_squeeze %dma_start3A_1161 : memref<1x!tpu.dma_semaphore, #tpu.memory_space<semaphore_mem>> -> memref<!tpu.dma_semaphore, #tpu.memory_space<semaphore_mem>>
    tpu.enqueue_indirect_dma source(%dma_start3A_1160 : memref<1000000xf32, #tpu.memory_space<hbm>>) target(%dma_start3A_1155 : memref<128xf32, #tpu.memory_space<vmem>>) offsets(%dma_start3A_1158 : memref<128xi32, #tpu.memory_space<vmem>>) semaphore(%dma_start3A_1162 : memref<!tpu.dma_semaphore, #tpu.memory_space<semaphore_mem>>)
    %dma_wait3A_1163 = arith.constant 4 : i32
    %dma_wait3A_1164 = arith.constant 4 : i32
    %dma_wait3A_1165 = arith.constant 0 : i32
    %dma_wait3A_1166 = tpu.memref_slice %arg5[%dma_wait3A_1163, %dma_wait3A_1165] : memref<8x384xi32, #tpu.memory_space<vmem>> -> memref<1x384xi32, #tpu.memory_space<vmem>>
    %dma_wait3A_1167 = tpu.memref_squeeze %dma_wait3A_1166 : memref<1x384xi32, #tpu.memory_space<vmem>> -> memref<384xi32, #tpu.memory_space<vmem>>
    %dma_wait3A_1168 = tpu.memref_slice %arg2[%mul3A_79] : memref<49152xi32, #tpu.memory_space<hbm>> -> memref<384xi32, #tpu.memory_space<hbm>>
    %dma_wait3A_1169 = tpu.memref_slice %arg8[%dma_wait3A_1164] : memref<8x!tpu.dma_semaphore, #tpu.memory_space<semaphore_mem>> -> memref<1x!tpu.dma_semaphore, #tpu.memory_space<semaphore_mem>>
    %dma_wait3A_1170 = tpu.memref_squeeze %dma_wait3A_1169 : memref<1x!tpu.dma_semaphore, #tpu.memory_space<semaphore_mem>> -> memref<!tpu.dma_semaphore, #tpu.memory_space<semaphore_mem>>
    %dma_wait3A_1171 = arith.constant 0 : i32
    %dma_wait3A_1172 = tpu.memref_slice %arg5[%dma_wait3A_1163, %dma_wait3A_1171] : memref<8x384xi32, #tpu.memory_space<vmem>> -> memref<1x384xi32, #tpu.memory_space<vmem>>
    %dma_wait3A_1173 = tpu.memref_squeeze %dma_wait3A_1172 : memref<1x384xi32, #tpu.memory_space<vmem>> -> memref<384xi32, #tpu.memory_space<vmem>>
    %dma_wait3A_1174 = tpu.memref_slice %arg2[%mul3A_79] : memref<49152xi32, #tpu.memory_space<hbm>> -> memref<384xi32, #tpu.memory_space<hbm>>
    tpu.wait_dma2 semaphore(%dma_wait3A_1170 : memref<!tpu.dma_semaphore, #tpu.memory_space<semaphore_mem>>) src(%dma_wait3A_1174 : memref<384xi32, #tpu.memory_space<hbm>>) dst(%dma_wait3A_1173 : memref<384xi32, #tpu.memory_space<vmem>>)
    %get3A_1175 = arith.constant 4 : i32
    %get3A_1176 = arith.index_cast %get3A_1175 : i32 to index
    %get3A_1177 = arith.constant 0 : index
    %get3A_1178 = tpu.vector_load %arg5[%get3A_1176, %get3A_1177] {strides = array<i32>} : memref<8x384xi32, #tpu.memory_space<vmem>>, vector<1x16xi32>,
    %get3A_1179 = vector.shape_cast %get3A_1178 : vector<1x16xi32> to vector<16xi32>
    %get3A_1180 = arith.constant 4 : i32
    %get3A_1181 = arith.index_cast %get3A_1180 : i32 to index
    %get3A_1182 = arith.constant 128 : index
    %get3A_1183 = tpu.vector_load %arg5[%get3A_1181, %get3A_1182] {strides = array<i32>} : memref<8x384xi32, #tpu.memory_space<vmem>>, vector<1x16xi32>,
    %get3A_1184 = vector.shape_cast %get3A_1183 : vector<1x16xi32> to vector<16xi32>
    %get3A_1185 = arith.constant 4 : i32
    %get3A_1186 = arith.index_cast %get3A_1185 : i32 to index
    %get3A_1187 = arith.constant 256 : index
    %get3A_1188 = tpu.vector_load %arg5[%get3A_1186, %get3A_1187] {strides = array<i32>} : memref<8x384xi32, #tpu.memory_space<vmem>>, vector<1x16xi32>,
    %get3A_1189 = vector.shape_cast %get3A_1188 : vector<1x16xi32> to vector<16xi32>
    %mul3A_1190 = arith.constant 10000 : i32
    %mul3A_1191 = vector.broadcast %mul3A_1190 : i32 to vector<16xi32>
    %mul3A_1192 = arith.muli %get3A_1179, %mul3A_1191 : vector<16xi32>
    %mul3A_1193 = arith.constant 100 : i32
    %mul3A_1194 = vector.broadcast %mul3A_1193 : i32 to vector<16xi32>
    %mul3A_1195 = arith.muli %get3A_1184, %mul3A_1194 : vector<16xi32>
    %add3A_1196 = arith.addi %mul3A_1192, %mul3A_1195 : vector<16xi32>
    %add3A_1197 = arith.addi %add3A_1196, %get3A_1189 : vector<16xi32>
    %swap3A_1198 = arith.constant 4 : i32
    %swap3A_1199 = arith.index_cast %swap3A_1198 : i32 to index
    %swap3A_1200 = arith.constant 0 : index
    %swap3A_1201 = tpu.vector_load %arg6[%swap3A_1199, %swap3A_1200] {strides = array<i32>} : memref<8x128xi32, #tpu.memory_space<vmem>>, vector<1x16xi32>,
    %swap3A_1202 = vector.shape_cast %swap3A_1201 : vector<1x16xi32> to vector<16xi32>
    %swap3A_1203 = vector.shape_cast %add3A_1197 : vector<16xi32> to vector<1x16xi32>
    tpu.vector_store %arg6[%swap3A_1199, %swap3A_1200], %swap3A_1203 {strides = array<i32>} : memref<8x128xi32, #tpu.memory_space<vmem>>, vector<1x16xi32>,
    %get3A_1204 = arith.constant 4 : i32
    %get3A_1205 = arith.index_cast %get3A_1204 : i32 to index
    %get3A_1206 = arith.constant 16 : index
    %get3A_1207 = tpu.vector_load %arg5[%get3A_1205, %get3A_1206] {strides = array<i32>} : memref<8x384xi32, #tpu.memory_space<vmem>>, vector<1x16xi32>,
    %get3A_1208 = vector.shape_cast %get3A_1207 : vector<1x16xi32> to vector<16xi32>
    %get3A_1209 = arith.constant 4 : i32
    %get3A_1210 = arith.index_cast %get3A_1209 : i32 to index
    %get3A_1211 = arith.constant 144 : index
    %get3A_1212 = tpu.vector_load %arg5[%get3A_1210, %get3A_1211] {strides = array<i32>} : memref<8x384xi32, #tpu.memory_space<vmem>>, vector<1x16xi32>,
    %get3A_1213 = vector.shape_cast %get3A_1212 : vector<1x16xi32> to vector<16xi32>
    %get3A_1214 = arith.constant 4 : i32
    %get3A_1215 = arith.index_cast %get3A_1214 : i32 to index
    %get3A_1216 = arith.constant 272 : index
    %get3A_1217 = tpu.vector_load %arg5[%get3A_1215, %get3A_1216] {strides = array<i32>} : memref<8x384xi32, #tpu.memory_space<vmem>>, vector<1x16xi32>,
    %get3A_1218 = vector.shape_cast %get3A_1217 : vector<1x16xi32> to vector<16xi32>
    %mul3A_1219 = arith.constant 10000 : i32
    %mul3A_1220 = vector.broadcast %mul3A_1219 : i32 to vector<16xi32>
    %mul3A_1221 = arith.muli %get3A_1208, %mul3A_1220 : vector<16xi32>
    %mul3A_1222 = arith.constant 100 : i32
    %mul3A_1223 = vector.broadcast %mul3A_1222 : i32 to vector<16xi32>
    %mul3A_1224 = arith.muli %get3A_1213, %mul3A_1223 : vector<16xi32>
    %add3A_1225 = arith.addi %mul3A_1221, %mul3A_1224 : vector<16xi32>
    %add3A_1226 = arith.addi %add3A_1225, %get3A_1218 : vector<16xi32>
    %swap3A_1227 = arith.constant 4 : i32
    %swap3A_1228 = arith.index_cast %swap3A_1227 : i32 to index
    %swap3A_1229 = arith.constant 16 : index
    %swap3A_1230 = tpu.vector_load %arg6[%swap3A_1228, %swap3A_1229] {strides = array<i32>} : memref<8x128xi32, #tpu.memory_space<vmem>>, vector<1x16xi32>,
    %swap3A_1231 = vector.shape_cast %swap3A_1230 : vector<1x16xi32> to vector<16xi32>
    %swap3A_1232 = vector.shape_cast %add3A_1226 : vector<16xi32> to vector<1x16xi32>
    tpu.vector_store %arg6[%swap3A_1228, %swap3A_1229], %swap3A_1232 {strides = array<i32>} : memref<8x128xi32, #tpu.memory_space<vmem>>, vector<1x16xi32>,
    %get3A_1233 = arith.constant 4 : i32
    %get3A_1234 = arith.index_cast %get3A_1233 : i32 to index
    %get3A_1235 = arith.constant 32 : index
    %get3A_1236 = tpu.vector_load %arg5[%get3A_1234, %get3A_1235] {strides = array<i32>} : memref<8x384xi32, #tpu.memory_space<vmem>>, vector<1x16xi32>,
    %get3A_1237 = vector.shape_cast %get3A_1236 : vector<1x16xi32> to vector<16xi32>
    %get3A_1238 = arith.constant 4 : i32
    %get3A_1239 = arith.index_cast %get3A_1238 : i32 to index
    %get3A_1240 = arith.constant 160 : index
    %get3A_1241 = tpu.vector_load %arg5[%get3A_1239, %get3A_1240] {strides = array<i32>} : memref<8x384xi32, #tpu.memory_space<vmem>>, vector<1x16xi32>,
    %get3A_1242 = vector.shape_cast %get3A_1241 : vector<1x16xi32> to vector<16xi32>
    %get3A_1243 = arith.constant 4 : i32
    %get3A_1244 = arith.index_cast %get3A_1243 : i32 to index
    %get3A_1245 = arith.constant 288 : index
    %get3A_1246 = tpu.vector_load %arg5[%get3A_1244, %get3A_1245] {strides = array<i32>} : memref<8x384xi32, #tpu.memory_space<vmem>>, vector<1x16xi32>,
    %get3A_1247 = vector.shape_cast %get3A_1246 : vector<1x16xi32> to vector<16xi32>
    %mul3A_1248 = arith.constant 10000 : i32
    %mul3A_1249 = vector.broadcast %mul3A_1248 : i32 to vector<16xi32>
    %mul3A_1250 = arith.muli %get3A_1237, %mul3A_1249 : vector<16xi32>
    %mul3A_1251 = arith.constant 100 : i32
    %mul3A_1252 = vector.broadcast %mul3A_1251 : i32 to vector<16xi32>
    %mul3A_1253 = arith.muli %get3A_1242, %mul3A_1252 : vector<16xi32>
    %add3A_1254 = arith.addi %mul3A_1250, %mul3A_1253 : vector<16xi32>
    %add3A_1255 = arith.addi %add3A_1254, %get3A_1247 : vector<16xi32>
    %swap3A_1256 = arith.constant 4 : i32
    %swap3A_1257 = arith.index_cast %swap3A_1256 : i32 to index
    %swap3A_1258 = arith.constant 32 : index
    %swap3A_1259 = tpu.vector_load %arg6[%swap3A_1257, %swap3A_1258] {strides = array<i32>} : memref<8x128xi32, #tpu.memory_space<vmem>>, vector<1x16xi32>,
    %swap3A_1260 = vector.shape_cast %swap3A_1259 : vector<1x16xi32> to vector<16xi32>
    %swap3A_1261 = vector.shape_cast %add3A_1255 : vector<16xi32> to vector<1x16xi32>
    tpu.vector_store %arg6[%swap3A_1257, %swap3A_1258], %swap3A_1261 {strides = array<i32>} : memref<8x128xi32, #tpu.memory_space<vmem>>, vector<1x16xi32>,
    %get3A_1262 = arith.constant 4 : i32
    %get3A_1263 = arith.index_cast %get3A_1262 : i32 to index
    %get3A_1264 = arith.constant 48 : index
    %get3A_1265 = tpu.vector_load %arg5[%get3A_1263, %get3A_1264] {strides = array<i32>} : memref<8x384xi32, #tpu.memory_space<vmem>>, vector<1x16xi32>,
    %get3A_1266 = vector.shape_cast %get3A_1265 : vector<1x16xi32> to vector<16xi32>
    %get3A_1267 = arith.constant 4 : i32
    %get3A_1268 = arith.index_cast %get3A_1267 : i32 to index
    %get3A_1269 = arith.constant 176 : index
    %get3A_1270 = tpu.vector_load %arg5[%get3A_1268, %get3A_1269] {strides = array<i32>} : memref<8x384xi32, #tpu.memory_space<vmem>>, vector<1x16xi32>,
    %get3A_1271 = vector.shape_cast %get3A_1270 : vector<1x16xi32> to vector<16xi32>
    %get3A_1272 = arith.constant 4 : i32
    %get3A_1273 = arith.index_cast %get3A_1272 : i32 to index
    %get3A_1274 = arith.constant 304 : index
    %get3A_1275 = tpu.vector_load %arg5[%get3A_1273, %get3A_1274] {strides = array<i32>} : memref<8x384xi32, #tpu.memory_space<vmem>>, vector<1x16xi32>,
    %get3A_1276 = vector.shape_cast %get3A_1275 : vector<1x16xi32> to vector<16xi32>
    %mul3A_1277 = arith.constant 10000 : i32
    %mul3A_1278 = vector.broadcast %mul3A_1277 : i32 to vector<16xi32>
    %mul3A_1279 = arith.muli %get3A_1266, %mul3A_1278 : vector<16xi32>
    %mul3A_1280 = arith.constant 100 : i32
    %mul3A_1281 = vector.broadcast %mul3A_1280 : i32 to vector<16xi32>
    %mul3A_1282 = arith.muli %get3A_1271, %mul3A_1281 : vector<16xi32>
    %add3A_1283 = arith.addi %mul3A_1279, %mul3A_1282 : vector<16xi32>
    %add3A_1284 = arith.addi %add3A_1283, %get3A_1276 : vector<16xi32>
    %swap3A_1285 = arith.constant 4 : i32
    %swap3A_1286 = arith.index_cast %swap3A_1285 : i32 to index
    %swap3A_1287 = arith.constant 48 : index
    %swap3A_1288 = tpu.vector_load %arg6[%swap3A_1286, %swap3A_1287] {strides = array<i32>} : memref<8x128xi32, #tpu.memory_space<vmem>>, vector<1x16xi32>,
    %swap3A_1289 = vector.shape_cast %swap3A_1288 : vector<1x16xi32> to vector<16xi32>
    %swap3A_1290 = vector.shape_cast %add3A_1284 : vector<16xi32> to vector<1x16xi32>
    tpu.vector_store %arg6[%swap3A_1286, %swap3A_1287], %swap3A_1290 {strides = array<i32>} : memref<8x128xi32, #tpu.memory_space<vmem>>, vector<1x16xi32>,
    %get3A_1291 = arith.constant 4 : i32
    %get3A_1292 = arith.index_cast %get3A_1291 : i32 to index
    %get3A_1293 = arith.constant 64 : index
    %get3A_1294 = tpu.vector_load %arg5[%get3A_1292, %get3A_1293] {strides = array<i32>} : memref<8x384xi32, #tpu.memory_space<vmem>>, vector<1x16xi32>,
    %get3A_1295 = vector.shape_cast %get3A_1294 : vector<1x16xi32> to vector<16xi32>
    %get3A_1296 = arith.constant 4 : i32
    %get3A_1297 = arith.index_cast %get3A_1296 : i32 to index
    %get3A_1298 = arith.constant 192 : index
    %get3A_1299 = tpu.vector_load %arg5[%get3A_1297, %get3A_1298] {strides = array<i32>} : memref<8x384xi32, #tpu.memory_space<vmem>>, vector<1x16xi32>,
    %get3A_1300 = vector.shape_cast %get3A_1299 : vector<1x16xi32> to vector<16xi32>
    %get3A_1301 = arith.constant 4 : i32
    %get3A_1302 = arith.index_cast %get3A_1301 : i32 to index
    %get3A_1303 = arith.constant 320 : index
    %get3A_1304 = tpu.vector_load %arg5[%get3A_1302, %get3A_1303] {strides = array<i32>} : memref<8x384xi32, #tpu.memory_space<vmem>>, vector<1x16xi32>,
    %get3A_1305 = vector.shape_cast %get3A_1304 : vector<1x16xi32> to vector<16xi32>
    %mul3A_1306 = arith.constant 10000 : i32
    %mul3A_1307 = vector.broadcast %mul3A_1306 : i32 to vector<16xi32>
    %mul3A_1308 = arith.muli %get3A_1295, %mul3A_1307 : vector<16xi32>
    %mul3A_1309 = arith.constant 100 : i32
    %mul3A_1310 = vector.broadcast %mul3A_1309 : i32 to vector<16xi32>
    %mul3A_1311 = arith.muli %get3A_1300, %mul3A_1310 : vector<16xi32>
    %add3A_1312 = arith.addi %mul3A_1308, %mul3A_1311 : vector<16xi32>
    %add3A_1313 = arith.addi %add3A_1312, %get3A_1305 : vector<16xi32>
    %swap3A_1314 = arith.constant 4 : i32
    %swap3A_1315 = arith.index_cast %swap3A_1314 : i32 to index
    %swap3A_1316 = arith.constant 64 : index
    %swap3A_1317 = tpu.vector_load %arg6[%swap3A_1315, %swap3A_1316] {strides = array<i32>} : memref<8x128xi32, #tpu.memory_space<vmem>>, vector<1x16xi32>,
    %swap3A_1318 = vector.shape_cast %swap3A_1317 : vector<1x16xi32> to vector<16xi32>
    %swap3A_1319 = vector.shape_cast %add3A_1313 : vector<16xi32> to vector<1x16xi32>
    tpu.vector_store %arg6[%swap3A_1315, %swap3A_1316], %swap3A_1319 {strides = array<i32>} : memref<8x128xi32, #tpu.memory_space<vmem>>, vector<1x16xi32>,
    %get3A_1320 = arith.constant 4 : i32
    %get3A_1321 = arith.index_cast %get3A_1320 : i32 to index
    %get3A_1322 = arith.constant 80 : index
    %get3A_1323 = tpu.vector_load %arg5[%get3A_1321, %get3A_1322] {strides = array<i32>} : memref<8x384xi32, #tpu.memory_space<vmem>>, vector<1x16xi32>,
    %get3A_1324 = vector.shape_cast %get3A_1323 : vector<1x16xi32> to vector<16xi32>
    %get3A_1325 = arith.constant 4 : i32
    %get3A_1326 = arith.index_cast %get3A_1325 : i32 to index
    %get3A_1327 = arith.constant 208 : index
    %get3A_1328 = tpu.vector_load %arg5[%get3A_1326, %get3A_1327] {strides = array<i32>} : memref<8x384xi32, #tpu.memory_space<vmem>>, vector<1x16xi32>,
    %get3A_1329 = vector.shape_cast %get3A_1328 : vector<1x16xi32> to vector<16xi32>
    %get3A_1330 = arith.constant 4 : i32
    %get3A_1331 = arith.index_cast %get3A_1330 : i32 to index
    %get3A_1332 = arith.constant 336 : index
    %get3A_1333 = tpu.vector_load %arg5[%get3A_1331, %get3A_1332] {strides = array<i32>} : memref<8x384xi32, #tpu.memory_space<vmem>>, vector<1x16xi32>,
    %get3A_1334 = vector.shape_cast %get3A_1333 : vector<1x16xi32> to vector<16xi32>
    %mul3A_1335 = arith.constant 10000 : i32
    %mul3A_1336 = vector.broadcast %mul3A_1335 : i32 to vector<16xi32>
    %mul3A_1337 = arith.muli %get3A_1324, %mul3A_1336 : vector<16xi32>
    %mul3A_1338 = arith.constant 100 : i32
    %mul3A_1339 = vector.broadcast %mul3A_1338 : i32 to vector<16xi32>
    %mul3A_1340 = arith.muli %get3A_1329, %mul3A_1339 : vector<16xi32>
    %add3A_1341 = arith.addi %mul3A_1337, %mul3A_1340 : vector<16xi32>
    %add3A_1342 = arith.addi %add3A_1341, %get3A_1334 : vector<16xi32>
    %swap3A_1343 = arith.constant 4 : i32
    %swap3A_1344 = arith.index_cast %swap3A_1343 : i32 to index
    %swap3A_1345 = arith.constant 80 : index
    %swap3A_1346 = tpu.vector_load %arg6[%swap3A_1344, %swap3A_1345] {strides = array<i32>} : memref<8x128xi32, #tpu.memory_space<vmem>>, vector<1x16xi32>,
    %swap3A_1347 = vector.shape_cast %swap3A_1346 : vector<1x16xi32> to vector<16xi32>
    %swap3A_1348 = vector.shape_cast %add3A_1342 : vector<16xi32> to vector<1x16xi32>
    tpu.vector_store %arg6[%swap3A_1344, %swap3A_1345], %swap3A_1348 {strides = array<i32>} : memref<8x128xi32, #tpu.memory_space<vmem>>, vector<1x16xi32>,
    %get3A_1349 = arith.constant 4 : i32
    %get3A_1350 = arith.index_cast %get3A_1349 : i32 to index
    %get3A_1351 = arith.constant 96 : index
    %get3A_1352 = tpu.vector_load %arg5[%get3A_1350, %get3A_1351] {strides = array<i32>} : memref<8x384xi32, #tpu.memory_space<vmem>>, vector<1x16xi32>,
    %get3A_1353 = vector.shape_cast %get3A_1352 : vector<1x16xi32> to vector<16xi32>
    %get3A_1354 = arith.constant 4 : i32
    %get3A_1355 = arith.index_cast %get3A_1354 : i32 to index
    %get3A_1356 = arith.constant 224 : index
    %get3A_1357 = tpu.vector_load %arg5[%get3A_1355, %get3A_1356] {strides = array<i32>} : memref<8x384xi32, #tpu.memory_space<vmem>>, vector<1x16xi32>,
    %get3A_1358 = vector.shape_cast %get3A_1357 : vector<1x16xi32> to vector<16xi32>
    %get3A_1359 = arith.constant 4 : i32
    %get3A_1360 = arith.index_cast %get3A_1359 : i32 to index
    %get3A_1361 = arith.constant 352 : index
    %get3A_1362 = tpu.vector_load %arg5[%get3A_1360, %get3A_1361] {strides = array<i32>} : memref<8x384xi32, #tpu.memory_space<vmem>>, vector<1x16xi32>,
    %get3A_1363 = vector.shape_cast %get3A_1362 : vector<1x16xi32> to vector<16xi32>
    %mul3A_1364 = arith.constant 10000 : i32
    %mul3A_1365 = vector.broadcast %mul3A_1364 : i32 to vector<16xi32>
    %mul3A_1366 = arith.muli %get3A_1353, %mul3A_1365 : vector<16xi32>
    %mul3A_1367 = arith.constant 100 : i32
    %mul3A_1368 = vector.broadcast %mul3A_1367 : i32 to vector<16xi32>
    %mul3A_1369 = arith.muli %get3A_1358, %mul3A_1368 : vector<16xi32>
    %add3A_1370 = arith.addi %mul3A_1366, %mul3A_1369 : vector<16xi32>
    %add3A_1371 = arith.addi %add3A_1370, %get3A_1363 : vector<16xi32>
    %swap3A_1372 = arith.constant 4 : i32
    %swap3A_1373 = arith.index_cast %swap3A_1372 : i32 to index
    %swap3A_1374 = arith.constant 96 : index
    %swap3A_1375 = tpu.vector_load %arg6[%swap3A_1373, %swap3A_1374] {strides = array<i32>} : memref<8x128xi32, #tpu.memory_space<vmem>>, vector<1x16xi32>,
    %swap3A_1376 = vector.shape_cast %swap3A_1375 : vector<1x16xi32> to vector<16xi32>
    %swap3A_1377 = vector.shape_cast %add3A_1371 : vector<16xi32> to vector<1x16xi32>
    tpu.vector_store %arg6[%swap3A_1373, %swap3A_1374], %swap3A_1377 {strides = array<i32>} : memref<8x128xi32, #tpu.memory_space<vmem>>, vector<1x16xi32>,
    %get3A_1378 = arith.constant 4 : i32
    %get3A_1379 = arith.index_cast %get3A_1378 : i32 to index
    %get3A_1380 = arith.constant 112 : index
    %get3A_1381 = tpu.vector_load %arg5[%get3A_1379, %get3A_1380] {strides = array<i32>} : memref<8x384xi32, #tpu.memory_space<vmem>>, vector<1x16xi32>,
    %get3A_1382 = vector.shape_cast %get3A_1381 : vector<1x16xi32> to vector<16xi32>
    %get3A_1383 = arith.constant 4 : i32
    %get3A_1384 = arith.index_cast %get3A_1383 : i32 to index
    %get3A_1385 = arith.constant 240 : index
    %get3A_1386 = tpu.vector_load %arg5[%get3A_1384, %get3A_1385] {strides = array<i32>} : memref<8x384xi32, #tpu.memory_space<vmem>>, vector<1x16xi32>,
    %get3A_1387 = vector.shape_cast %get3A_1386 : vector<1x16xi32> to vector<16xi32>
    %get3A_1388 = arith.constant 4 : i32
    %get3A_1389 = arith.index_cast %get3A_1388 : i32 to index
    %get3A_1390 = arith.constant 368 : index
    %get3A_1391 = tpu.vector_load %arg5[%get3A_1389, %get3A_1390] {strides = array<i32>} : memref<8x384xi32, #tpu.memory_space<vmem>>, vector<1x16xi32>,
    %get3A_1392 = vector.shape_cast %get3A_1391 : vector<1x16xi32> to vector<16xi32>
    %mul3A_1393 = arith.constant 10000 : i32
    %mul3A_1394 = vector.broadcast %mul3A_1393 : i32 to vector<16xi32>
    %mul3A_1395 = arith.muli %get3A_1382, %mul3A_1394 : vector<16xi32>
    %mul3A_1396 = arith.constant 100 : i32
    %mul3A_1397 = vector.broadcast %mul3A_1396 : i32 to vector<16xi32>
    %mul3A_1398 = arith.muli %get3A_1387, %mul3A_1397 : vector<16xi32>
    %add3A_1399 = arith.addi %mul3A_1395, %mul3A_1398 : vector<16xi32>
    %add3A_1400 = arith.addi %add3A_1399, %get3A_1392 : vector<16xi32>
    %swap3A_1401 = arith.constant 4 : i32
    %swap3A_1402 = arith.index_cast %swap3A_1401 : i32 to index
    %swap3A_1403 = arith.constant 112 : index
    %swap3A_1404 = tpu.vector_load %arg6[%swap3A_1402, %swap3A_1403] {strides = array<i32>} : memref<8x128xi32, #tpu.memory_space<vmem>>, vector<1x16xi32>,
    %swap3A_1405 = vector.shape_cast %swap3A_1404 : vector<1x16xi32> to vector<16xi32>
    %swap3A_1406 = vector.shape_cast %add3A_1400 : vector<16xi32> to vector<1x16xi32>
    tpu.vector_store %arg6[%swap3A_1402, %swap3A_1403], %swap3A_1406 {strides = array<i32>} : memref<8x128xi32, #tpu.memory_space<vmem>>, vector<1x16xi32>,
    %dma_start3A_1407 = arith.constant 4 : i32
    %dma_start3A_1408 = arith.constant 4 : i32
    %dma_start3A_1409 = arith.constant 512 : i32
    %dma_start3A_1410 = tpu.memref_slice %arg7[%dma_start3A_1409] : memref<1024xf32, #tpu.memory_space<vmem>> -> memref<128xf32, #tpu.memory_space<vmem>>
    %dma_start3A_1411 = arith.constant 0 : i32
    %dma_start3A_1412 = tpu.memref_slice %arg6[%dma_start3A_1407, %dma_start3A_1411] : memref<8x128xi32, #tpu.memory_space<vmem>> -> memref<1x128xi32, #tpu.memory_space<vmem>>
    %dma_start3A_1413 = tpu.memref_squeeze %dma_start3A_1412 : memref<1x128xi32, #tpu.memory_space<vmem>> -> memref<128xi32, #tpu.memory_space<vmem>>
    %dma_start3A_1414 = arith.constant 0 : i32
    %dma_start3A_1415 = tpu.memref_slice %arg3[%dma_start3A_1414] : memref<1000000xf32, #tpu.memory_space<hbm>> -> memref<1000000xf32, #tpu.memory_space<hbm>>
    %dma_start3A_1416 = tpu.memref_slice %arg9[%dma_start3A_1408] : memref<8x!tpu.dma_semaphore, #tpu.memory_space<semaphore_mem>> -> memref<1x!tpu.dma_semaphore, #tpu.memory_space<semaphore_mem>>
    %dma_start3A_1417 = tpu.memref_squeeze %dma_start3A_1416 : memref<1x!tpu.dma_semaphore, #tpu.memory_space<semaphore_mem>> -> memref<!tpu.dma_semaphore, #tpu.memory_space<semaphore_mem>>
    tpu.enqueue_indirect_dma source(%dma_start3A_1415 : memref<1000000xf32, #tpu.memory_space<hbm>>) target(%dma_start3A_1410 : memref<128xf32, #tpu.memory_space<vmem>>) offsets(%dma_start3A_1413 : memref<128xi32, #tpu.memory_space<vmem>>) semaphore(%dma_start3A_1417 : memref<!tpu.dma_semaphore, #tpu.memory_space<semaphore_mem>>)
    %dma_wait3A_1418 = arith.constant 5 : i32
    %dma_wait3A_1419 = arith.constant 5 : i32
    %dma_wait3A_1420 = arith.constant 0 : i32
    %dma_wait3A_1421 = tpu.memref_slice %arg5[%dma_wait3A_1418, %dma_wait3A_1420] : memref<8x384xi32, #tpu.memory_space<vmem>> -> memref<1x384xi32, #tpu.memory_space<vmem>>
    %dma_wait3A_1422 = tpu.memref_squeeze %dma_wait3A_1421 : memref<1x384xi32, #tpu.memory_space<vmem>> -> memref<384xi32, #tpu.memory_space<vmem>>
    %dma_wait3A_1423 = tpu.memref_slice %arg2[%mul3A_97] : memref<49152xi32, #tpu.memory_space<hbm>> -> memref<384xi32, #tpu.memory_space<hbm>>
    %dma_wait3A_1424 = tpu.memref_slice %arg8[%dma_wait3A_1419] : memref<8x!tpu.dma_semaphore, #tpu.memory_space<semaphore_mem>> -> memref<1x!tpu.dma_semaphore, #tpu.memory_space<semaphore_mem>>
    %dma_wait3A_1425 = tpu.memref_squeeze %dma_wait3A_1424 : memref<1x!tpu.dma_semaphore, #tpu.memory_space<semaphore_mem>> -> memref<!tpu.dma_semaphore, #tpu.memory_space<semaphore_mem>>
    %dma_wait3A_1426 = arith.constant 0 : i32
    %dma_wait3A_1427 = tpu.memref_slice %arg5[%dma_wait3A_1418, %dma_wait3A_1426] : memref<8x384xi32, #tpu.memory_space<vmem>> -> memref<1x384xi32, #tpu.memory_space<vmem>>
    %dma_wait3A_1428 = tpu.memref_squeeze %dma_wait3A_1427 : memref<1x384xi32, #tpu.memory_space<vmem>> -> memref<384xi32, #tpu.memory_space<vmem>>
    %dma_wait3A_1429 = tpu.memref_slice %arg2[%mul3A_97] : memref<49152xi32, #tpu.memory_space<hbm>> -> memref<384xi32, #tpu.memory_space<hbm>>
    tpu.wait_dma2 semaphore(%dma_wait3A_1425 : memref<!tpu.dma_semaphore, #tpu.memory_space<semaphore_mem>>) src(%dma_wait3A_1429 : memref<384xi32, #tpu.memory_space<hbm>>) dst(%dma_wait3A_1428 : memref<384xi32, #tpu.memory_space<vmem>>)
    %get3A_1430 = arith.constant 5 : i32
    %get3A_1431 = arith.index_cast %get3A_1430 : i32 to index
    %get3A_1432 = arith.constant 0 : index
    %get3A_1433 = tpu.vector_load %arg5[%get3A_1431, %get3A_1432] {strides = array<i32>} : memref<8x384xi32, #tpu.memory_space<vmem>>, vector<1x16xi32>,
    %get3A_1434 = vector.shape_cast %get3A_1433 : vector<1x16xi32> to vector<16xi32>
    %get3A_1435 = arith.constant 5 : i32
    %get3A_1436 = arith.index_cast %get3A_1435 : i32 to index
    %get3A_1437 = arith.constant 128 : index
    %get3A_1438 = tpu.vector_load %arg5[%get3A_1436, %get3A_1437] {strides = array<i32>} : memref<8x384xi32, #tpu.memory_space<vmem>>, vector<1x16xi32>,
    %get3A_1439 = vector.shape_cast %get3A_1438 : vector<1x16xi32> to vector<16xi32>
    %get3A_1440 = arith.constant 5 : i32
    %get3A_1441 = arith.index_cast %get3A_1440 : i32 to index
    %get3A_1442 = arith.constant 256 : index
    %get3A_1443 = tpu.vector_load %arg5[%get3A_1441, %get3A_1442] {strides = array<i32>} : memref<8x384xi32, #tpu.memory_space<vmem>>, vector<1x16xi32>,
    %get3A_1444 = vector.shape_cast %get3A_1443 : vector<1x16xi32> to vector<16xi32>
    %mul3A_1445 = arith.constant 10000 : i32
    %mul3A_1446 = vector.broadcast %mul3A_1445 : i32 to vector<16xi32>
    %mul3A_1447 = arith.muli %get3A_1434, %mul3A_1446 : vector<16xi32>
    %mul3A_1448 = arith.constant 100 : i32
    %mul3A_1449 = vector.broadcast %mul3A_1448 : i32 to vector<16xi32>
    %mul3A_1450 = arith.muli %get3A_1439, %mul3A_1449 : vector<16xi32>
    %add3A_1451 = arith.addi %mul3A_1447, %mul3A_1450 : vector<16xi32>
    %add3A_1452 = arith.addi %add3A_1451, %get3A_1444 : vector<16xi32>
    %swap3A_1453 = arith.constant 5 : i32
    %swap3A_1454 = arith.index_cast %swap3A_1453 : i32 to index
    %swap3A_1455 = arith.constant 0 : index
    %swap3A_1456 = tpu.vector_load %arg6[%swap3A_1454, %swap3A_1455] {strides = array<i32>} : memref<8x128xi32, #tpu.memory_space<vmem>>, vector<1x16xi32>,
    %swap3A_1457 = vector.shape_cast %swap3A_1456 : vector<1x16xi32> to vector<16xi32>
    %swap3A_1458 = vector.shape_cast %add3A_1452 : vector<16xi32> to vector<1x16xi32>
    tpu.vector_store %arg6[%swap3A_1454, %swap3A_1455], %swap3A_1458 {strides = array<i32>} : memref<8x128xi32, #tpu.memory_space<vmem>>, vector<1x16xi32>,
    %get3A_1459 = arith.constant 5 : i32
    %get3A_1460 = arith.index_cast %get3A_1459 : i32 to index
    %get3A_1461 = arith.constant 16 : index
    %get3A_1462 = tpu.vector_load %arg5[%get3A_1460, %get3A_1461] {strides = array<i32>} : memref<8x384xi32, #tpu.memory_space<vmem>>, vector<1x16xi32>,
    %get3A_1463 = vector.shape_cast %get3A_1462 : vector<1x16xi32> to vector<16xi32>
    %get3A_1464 = arith.constant 5 : i32
    %get3A_1465 = arith.index_cast %get3A_1464 : i32 to index
    %get3A_1466 = arith.constant 144 : index
    %get3A_1467 = tpu.vector_load %arg5[%get3A_1465, %get3A_1466] {strides = array<i32>} : memref<8x384xi32, #tpu.memory_space<vmem>>, vector<1x16xi32>,
    %get3A_1468 = vector.shape_cast %get3A_1467 : vector<1x16xi32> to vector<16xi32>
    %get3A_1469 = arith.constant 5 : i32
    %get3A_1470 = arith.index_cast %get3A_1469 : i32 to index
    %get3A_1471 = arith.constant 272 : index
    %get3A_1472 = tpu.vector_load %arg5[%get3A_1470, %get3A_1471] {strides = array<i32>} : memref<8x384xi32, #tpu.memory_space<vmem>>, vector<1x16xi32>,
    %get3A_1473 = vector.shape_cast %get3A_1472 : vector<1x16xi32> to vector<16xi32>
    %mul3A_1474 = arith.constant 10000 : i32
    %mul3A_1475 = vector.broadcast %mul3A_1474 : i32 to vector<16xi32>
    %mul3A_1476 = arith.muli %get3A_1463, %mul3A_1475 : vector<16xi32>
    %mul3A_1477 = arith.constant 100 : i32
    %mul3A_1478 = vector.broadcast %mul3A_1477 : i32 to vector<16xi32>
    %mul3A_1479 = arith.muli %get3A_1468, %mul3A_1478 : vector<16xi32>
    %add3A_1480 = arith.addi %mul3A_1476, %mul3A_1479 : vector<16xi32>
    %add3A_1481 = arith.addi %add3A_1480, %get3A_1473 : vector<16xi32>
    %swap3A_1482 = arith.constant 5 : i32
    %swap3A_1483 = arith.index_cast %swap3A_1482 : i32 to index
    %swap3A_1484 = arith.constant 16 : index
    %swap3A_1485 = tpu.vector_load %arg6[%swap3A_1483, %swap3A_1484] {strides = array<i32>} : memref<8x128xi32, #tpu.memory_space<vmem>>, vector<1x16xi32>,
    %swap3A_1486 = vector.shape_cast %swap3A_1485 : vector<1x16xi32> to vector<16xi32>
    %swap3A_1487 = vector.shape_cast %add3A_1481 : vector<16xi32> to vector<1x16xi32>
    tpu.vector_store %arg6[%swap3A_1483, %swap3A_1484], %swap3A_1487 {strides = array<i32>} : memref<8x128xi32, #tpu.memory_space<vmem>>, vector<1x16xi32>,
    %get3A_1488 = arith.constant 5 : i32
    %get3A_1489 = arith.index_cast %get3A_1488 : i32 to index
    %get3A_1490 = arith.constant 32 : index
    %get3A_1491 = tpu.vector_load %arg5[%get3A_1489, %get3A_1490] {strides = array<i32>} : memref<8x384xi32, #tpu.memory_space<vmem>>, vector<1x16xi32>,
    %get3A_1492 = vector.shape_cast %get3A_1491 : vector<1x16xi32> to vector<16xi32>
    %get3A_1493 = arith.constant 5 : i32
    %get3A_1494 = arith.index_cast %get3A_1493 : i32 to index
    %get3A_1495 = arith.constant 160 : index
    %get3A_1496 = tpu.vector_load %arg5[%get3A_1494, %get3A_1495] {strides = array<i32>} : memref<8x384xi32, #tpu.memory_space<vmem>>, vector<1x16xi32>,
    %get3A_1497 = vector.shape_cast %get3A_1496 : vector<1x16xi32> to vector<16xi32>
    %get3A_1498 = arith.constant 5 : i32
    %get3A_1499 = arith.index_cast %get3A_1498 : i32 to index
    %get3A_1500 = arith.constant 288 : index
    %get3A_1501 = tpu.vector_load %arg5[%get3A_1499, %get3A_1500] {strides = array<i32>} : memref<8x384xi32, #tpu.memory_space<vmem>>, vector<1x16xi32>,
    %get3A_1502 = vector.shape_cast %get3A_1501 : vector<1x16xi32> to vector<16xi32>
    %mul3A_1503 = arith.constant 10000 : i32
    %mul3A_1504 = vector.broadcast %mul3A_1503 : i32 to vector<16xi32>
    %mul3A_1505 = arith.muli %get3A_1492, %mul3A_1504 : vector<16xi32>
    %mul3A_1506 = arith.constant 100 : i32
    %mul3A_1507 = vector.broadcast %mul3A_1506 : i32 to vector<16xi32>
    %mul3A_1508 = arith.muli %get3A_1497, %mul3A_1507 : vector<16xi32>
    %add3A_1509 = arith.addi %mul3A_1505, %mul3A_1508 : vector<16xi32>
    %add3A_1510 = arith.addi %add3A_1509, %get3A_1502 : vector<16xi32>
    %swap3A_1511 = arith.constant 5 : i32
    %swap3A_1512 = arith.index_cast %swap3A_1511 : i32 to index
    %swap3A_1513 = arith.constant 32 : index
    %swap3A_1514 = tpu.vector_load %arg6[%swap3A_1512, %swap3A_1513] {strides = array<i32>} : memref<8x128xi32, #tpu.memory_space<vmem>>, vector<1x16xi32>,
    %swap3A_1515 = vector.shape_cast %swap3A_1514 : vector<1x16xi32> to vector<16xi32>
    %swap3A_1516 = vector.shape_cast %add3A_1510 : vector<16xi32> to vector<1x16xi32>
    tpu.vector_store %arg6[%swap3A_1512, %swap3A_1513], %swap3A_1516 {strides = array<i32>} : memref<8x128xi32, #tpu.memory_space<vmem>>, vector<1x16xi32>,
    %get3A_1517 = arith.constant 5 : i32
    %get3A_1518 = arith.index_cast %get3A_1517 : i32 to index
    %get3A_1519 = arith.constant 48 : index
    %get3A_1520 = tpu.vector_load %arg5[%get3A_1518, %get3A_1519] {strides = array<i32>} : memref<8x384xi32, #tpu.memory_space<vmem>>, vector<1x16xi32>,
    %get3A_1521 = vector.shape_cast %get3A_1520 : vector<1x16xi32> to vector<16xi32>
    %get3A_1522 = arith.constant 5 : i32
    %get3A_1523 = arith.index_cast %get3A_1522 : i32 to index
    %get3A_1524 = arith.constant 176 : index
    %get3A_1525 = tpu.vector_load %arg5[%get3A_1523, %get3A_1524] {strides = array<i32>} : memref<8x384xi32, #tpu.memory_space<vmem>>, vector<1x16xi32>,
    %get3A_1526 = vector.shape_cast %get3A_1525 : vector<1x16xi32> to vector<16xi32>
    %get3A_1527 = arith.constant 5 : i32
    %get3A_1528 = arith.index_cast %get3A_1527 : i32 to index
    %get3A_1529 = arith.constant 304 : index
    %get3A_1530 = tpu.vector_load %arg5[%get3A_1528, %get3A_1529] {strides = array<i32>} : memref<8x384xi32, #tpu.memory_space<vmem>>, vector<1x16xi32>,
    %get3A_1531 = vector.shape_cast %get3A_1530 : vector<1x16xi32> to vector<16xi32>
    %mul3A_1532 = arith.constant 10000 : i32
    %mul3A_1533 = vector.broadcast %mul3A_1532 : i32 to vector<16xi32>
    %mul3A_1534 = arith.muli %get3A_1521, %mul3A_1533 : vector<16xi32>
    %mul3A_1535 = arith.constant 100 : i32
    %mul3A_1536 = vector.broadcast %mul3A_1535 : i32 to vector<16xi32>
    %mul3A_1537 = arith.muli %get3A_1526, %mul3A_1536 : vector<16xi32>
    %add3A_1538 = arith.addi %mul3A_1534, %mul3A_1537 : vector<16xi32>
    %add3A_1539 = arith.addi %add3A_1538, %get3A_1531 : vector<16xi32>
    %swap3A_1540 = arith.constant 5 : i32
    %swap3A_1541 = arith.index_cast %swap3A_1540 : i32 to index
    %swap3A_1542 = arith.constant 48 : index
    %swap3A_1543 = tpu.vector_load %arg6[%swap3A_1541, %swap3A_1542] {strides = array<i32>} : memref<8x128xi32, #tpu.memory_space<vmem>>, vector<1x16xi32>,
    %swap3A_1544 = vector.shape_cast %swap3A_1543 : vector<1x16xi32> to vector<16xi32>
    %swap3A_1545 = vector.shape_cast %add3A_1539 : vector<16xi32> to vector<1x16xi32>
    tpu.vector_store %arg6[%swap3A_1541, %swap3A_1542], %swap3A_1545 {strides = array<i32>} : memref<8x128xi32, #tpu.memory_space<vmem>>, vector<1x16xi32>,
    %get3A_1546 = arith.constant 5 : i32
    %get3A_1547 = arith.index_cast %get3A_1546 : i32 to index
    %get3A_1548 = arith.constant 64 : index
    %get3A_1549 = tpu.vector_load %arg5[%get3A_1547, %get3A_1548] {strides = array<i32>} : memref<8x384xi32, #tpu.memory_space<vmem>>, vector<1x16xi32>,
    %get3A_1550 = vector.shape_cast %get3A_1549 : vector<1x16xi32> to vector<16xi32>
    %get3A_1551 = arith.constant 5 : i32
    %get3A_1552 = arith.index_cast %get3A_1551 : i32 to index
    %get3A_1553 = arith.constant 192 : index
    %get3A_1554 = tpu.vector_load %arg5[%get3A_1552, %get3A_1553] {strides = array<i32>} : memref<8x384xi32, #tpu.memory_space<vmem>>, vector<1x16xi32>,
    %get3A_1555 = vector.shape_cast %get3A_1554 : vector<1x16xi32> to vector<16xi32>
    %get3A_1556 = arith.constant 5 : i32
    %get3A_1557 = arith.index_cast %get3A_1556 : i32 to index
    %get3A_1558 = arith.constant 320 : index
    %get3A_1559 = tpu.vector_load %arg5[%get3A_1557, %get3A_1558] {strides = array<i32>} : memref<8x384xi32, #tpu.memory_space<vmem>>, vector<1x16xi32>,
    %get3A_1560 = vector.shape_cast %get3A_1559 : vector<1x16xi32> to vector<16xi32>
    %mul3A_1561 = arith.constant 10000 : i32
    %mul3A_1562 = vector.broadcast %mul3A_1561 : i32 to vector<16xi32>
    %mul3A_1563 = arith.muli %get3A_1550, %mul3A_1562 : vector<16xi32>
    %mul3A_1564 = arith.constant 100 : i32
    %mul3A_1565 = vector.broadcast %mul3A_1564 : i32 to vector<16xi32>
    %mul3A_1566 = arith.muli %get3A_1555, %mul3A_1565 : vector<16xi32>
    %add3A_1567 = arith.addi %mul3A_1563, %mul3A_1566 : vector<16xi32>
    %add3A_1568 = arith.addi %add3A_1567, %get3A_1560 : vector<16xi32>
    %swap3A_1569 = arith.constant 5 : i32
    %swap3A_1570 = arith.index_cast %swap3A_1569 : i32 to index
    %swap3A_1571 = arith.constant 64 : index
    %swap3A_1572 = tpu.vector_load %arg6[%swap3A_1570, %swap3A_1571] {strides = array<i32>} : memref<8x128xi32, #tpu.memory_space<vmem>>, vector<1x16xi32>,
    %swap3A_1573 = vector.shape_cast %swap3A_1572 : vector<1x16xi32> to vector<16xi32>
    %swap3A_1574 = vector.shape_cast %add3A_1568 : vector<16xi32> to vector<1x16xi32>
    tpu.vector_store %arg6[%swap3A_1570, %swap3A_1571], %swap3A_1574 {strides = array<i32>} : memref<8x128xi32, #tpu.memory_space<vmem>>, vector<1x16xi32>,
    %get3A_1575 = arith.constant 5 : i32
    %get3A_1576 = arith.index_cast %get3A_1575 : i32 to index
    %get3A_1577 = arith.constant 80 : index
    %get3A_1578 = tpu.vector_load %arg5[%get3A_1576, %get3A_1577] {strides = array<i32>} : memref<8x384xi32, #tpu.memory_space<vmem>>, vector<1x16xi32>,
    %get3A_1579 = vector.shape_cast %get3A_1578 : vector<1x16xi32> to vector<16xi32>
    %get3A_1580 = arith.constant 5 : i32
    %get3A_1581 = arith.index_cast %get3A_1580 : i32 to index
    %get3A_1582 = arith.constant 208 : index
    %get3A_1583 = tpu.vector_load %arg5[%get3A_1581, %get3A_1582] {strides = array<i32>} : memref<8x384xi32, #tpu.memory_space<vmem>>, vector<1x16xi32>,
    %get3A_1584 = vector.shape_cast %get3A_1583 : vector<1x16xi32> to vector<16xi32>
    %get3A_1585 = arith.constant 5 : i32
    %get3A_1586 = arith.index_cast %get3A_1585 : i32 to index
    %get3A_1587 = arith.constant 336 : index
    %get3A_1588 = tpu.vector_load %arg5[%get3A_1586, %get3A_1587] {strides = array<i32>} : memref<8x384xi32, #tpu.memory_space<vmem>>, vector<1x16xi32>,
    %get3A_1589 = vector.shape_cast %get3A_1588 : vector<1x16xi32> to vector<16xi32>
    %mul3A_1590 = arith.constant 10000 : i32
    %mul3A_1591 = vector.broadcast %mul3A_1590 : i32 to vector<16xi32>
    %mul3A_1592 = arith.muli %get3A_1579, %mul3A_1591 : vector<16xi32>
    %mul3A_1593 = arith.constant 100 : i32
    %mul3A_1594 = vector.broadcast %mul3A_1593 : i32 to vector<16xi32>
    %mul3A_1595 = arith.muli %get3A_1584, %mul3A_1594 : vector<16xi32>
    %add3A_1596 = arith.addi %mul3A_1592, %mul3A_1595 : vector<16xi32>
    %add3A_1597 = arith.addi %add3A_1596, %get3A_1589 : vector<16xi32>
    %swap3A_1598 = arith.constant 5 : i32
    %swap3A_1599 = arith.index_cast %swap3A_1598 : i32 to index
    %swap3A_1600 = arith.constant 80 : index
    %swap3A_1601 = tpu.vector_load %arg6[%swap3A_1599, %swap3A_1600] {strides = array<i32>} : memref<8x128xi32, #tpu.memory_space<vmem>>, vector<1x16xi32>,
    %swap3A_1602 = vector.shape_cast %swap3A_1601 : vector<1x16xi32> to vector<16xi32>
    %swap3A_1603 = vector.shape_cast %add3A_1597 : vector<16xi32> to vector<1x16xi32>
    tpu.vector_store %arg6[%swap3A_1599, %swap3A_1600], %swap3A_1603 {strides = array<i32>} : memref<8x128xi32, #tpu.memory_space<vmem>>, vector<1x16xi32>,
    %get3A_1604 = arith.constant 5 : i32
    %get3A_1605 = arith.index_cast %get3A_1604 : i32 to index
    %get3A_1606 = arith.constant 96 : index
    %get3A_1607 = tpu.vector_load %arg5[%get3A_1605, %get3A_1606] {strides = array<i32>} : memref<8x384xi32, #tpu.memory_space<vmem>>, vector<1x16xi32>,
    %get3A_1608 = vector.shape_cast %get3A_1607 : vector<1x16xi32> to vector<16xi32>
    %get3A_1609 = arith.constant 5 : i32
    %get3A_1610 = arith.index_cast %get3A_1609 : i32 to index
    %get3A_1611 = arith.constant 224 : index
    %get3A_1612 = tpu.vector_load %arg5[%get3A_1610, %get3A_1611] {strides = array<i32>} : memref<8x384xi32, #tpu.memory_space<vmem>>, vector<1x16xi32>,
    %get3A_1613 = vector.shape_cast %get3A_1612 : vector<1x16xi32> to vector<16xi32>
    %get3A_1614 = arith.constant 5 : i32
    %get3A_1615 = arith.index_cast %get3A_1614 : i32 to index
    %get3A_1616 = arith.constant 352 : index
    %get3A_1617 = tpu.vector_load %arg5[%get3A_1615, %get3A_1616] {strides = array<i32>} : memref<8x384xi32, #tpu.memory_space<vmem>>, vector<1x16xi32>,
    %get3A_1618 = vector.shape_cast %get3A_1617 : vector<1x16xi32> to vector<16xi32>
    %mul3A_1619 = arith.constant 10000 : i32
    %mul3A_1620 = vector.broadcast %mul3A_1619 : i32 to vector<16xi32>
    %mul3A_1621 = arith.muli %get3A_1608, %mul3A_1620 : vector<16xi32>
    %mul3A_1622 = arith.constant 100 : i32
    %mul3A_1623 = vector.broadcast %mul3A_1622 : i32 to vector<16xi32>
    %mul3A_1624 = arith.muli %get3A_1613, %mul3A_1623 : vector<16xi32>
    %add3A_1625 = arith.addi %mul3A_1621, %mul3A_1624 : vector<16xi32>
    %add3A_1626 = arith.addi %add3A_1625, %get3A_1618 : vector<16xi32>
    %swap3A_1627 = arith.constant 5 : i32
    %swap3A_1628 = arith.index_cast %swap3A_1627 : i32 to index
    %swap3A_1629 = arith.constant 96 : index
    %swap3A_1630 = tpu.vector_load %arg6[%swap3A_1628, %swap3A_1629] {strides = array<i32>} : memref<8x128xi32, #tpu.memory_space<vmem>>, vector<1x16xi32>,
    %swap3A_1631 = vector.shape_cast %swap3A_1630 : vector<1x16xi32> to vector<16xi32>
    %swap3A_1632 = vector.shape_cast %add3A_1626 : vector<16xi32> to vector<1x16xi32>
    tpu.vector_store %arg6[%swap3A_1628, %swap3A_1629], %swap3A_1632 {strides = array<i32>} : memref<8x128xi32, #tpu.memory_space<vmem>>, vector<1x16xi32>,
    %get3A_1633 = arith.constant 5 : i32
    %get3A_1634 = arith.index_cast %get3A_1633 : i32 to index
    %get3A_1635 = arith.constant 112 : index
    %get3A_1636 = tpu.vector_load %arg5[%get3A_1634, %get3A_1635] {strides = array<i32>} : memref<8x384xi32, #tpu.memory_space<vmem>>, vector<1x16xi32>,
    %get3A_1637 = vector.shape_cast %get3A_1636 : vector<1x16xi32> to vector<16xi32>
    %get3A_1638 = arith.constant 5 : i32
    %get3A_1639 = arith.index_cast %get3A_1638 : i32 to index
    %get3A_1640 = arith.constant 240 : index
    %get3A_1641 = tpu.vector_load %arg5[%get3A_1639, %get3A_1640] {strides = array<i32>} : memref<8x384xi32, #tpu.memory_space<vmem>>, vector<1x16xi32>,
    %get3A_1642 = vector.shape_cast %get3A_1641 : vector<1x16xi32> to vector<16xi32>
    %get3A_1643 = arith.constant 5 : i32
    %get3A_1644 = arith.index_cast %get3A_1643 : i32 to index
    %get3A_1645 = arith.constant 368 : index
    %get3A_1646 = tpu.vector_load %arg5[%get3A_1644, %get3A_1645] {strides = array<i32>} : memref<8x384xi32, #tpu.memory_space<vmem>>, vector<1x16xi32>,
    %get3A_1647 = vector.shape_cast %get3A_1646 : vector<1x16xi32> to vector<16xi32>
    %mul3A_1648 = arith.constant 10000 : i32
    %mul3A_1649 = vector.broadcast %mul3A_1648 : i32 to vector<16xi32>
    %mul3A_1650 = arith.muli %get3A_1637, %mul3A_1649 : vector<16xi32>
    %mul3A_1651 = arith.constant 100 : i32
    %mul3A_1652 = vector.broadcast %mul3A_1651 : i32 to vector<16xi32>
    %mul3A_1653 = arith.muli %get3A_1642, %mul3A_1652 : vector<16xi32>
    %add3A_1654 = arith.addi %mul3A_1650, %mul3A_1653 : vector<16xi32>
    %add3A_1655 = arith.addi %add3A_1654, %get3A_1647 : vector<16xi32>
    %swap3A_1656 = arith.constant 5 : i32
    %swap3A_1657 = arith.index_cast %swap3A_1656 : i32 to index
    %swap3A_1658 = arith.constant 112 : index
    %swap3A_1659 = tpu.vector_load %arg6[%swap3A_1657, %swap3A_1658] {strides = array<i32>} : memref<8x128xi32, #tpu.memory_space<vmem>>, vector<1x16xi32>,
    %swap3A_1660 = vector.shape_cast %swap3A_1659 : vector<1x16xi32> to vector<16xi32>
    %swap3A_1661 = vector.shape_cast %add3A_1655 : vector<16xi32> to vector<1x16xi32>
    tpu.vector_store %arg6[%swap3A_1657, %swap3A_1658], %swap3A_1661 {strides = array<i32>} : memref<8x128xi32, #tpu.memory_space<vmem>>, vector<1x16xi32>,
    %dma_start3A_1662 = arith.constant 5 : i32
    %dma_start3A_1663 = arith.constant 5 : i32
    %dma_start3A_1664 = arith.constant 640 : i32
    %dma_start3A_1665 = tpu.memref_slice %arg7[%dma_start3A_1664] : memref<1024xf32, #tpu.memory_space<vmem>> -> memref<128xf32, #tpu.memory_space<vmem>>
    %dma_start3A_1666 = arith.constant 0 : i32
    %dma_start3A_1667 = tpu.memref_slice %arg6[%dma_start3A_1662, %dma_start3A_1666] : memref<8x128xi32, #tpu.memory_space<vmem>> -> memref<1x128xi32, #tpu.memory_space<vmem>>
    %dma_start3A_1668 = tpu.memref_squeeze %dma_start3A_1667 : memref<1x128xi32, #tpu.memory_space<vmem>> -> memref<128xi32, #tpu.memory_space<vmem>>
    %dma_start3A_1669 = arith.constant 0 : i32
    %dma_start3A_1670 = tpu.memref_slice %arg3[%dma_start3A_1669] : memref<1000000xf32, #tpu.memory_space<hbm>> -> memref<1000000xf32, #tpu.memory_space<hbm>>
    %dma_start3A_1671 = tpu.memref_slice %arg9[%dma_start3A_1663] : memref<8x!tpu.dma_semaphore, #tpu.memory_space<semaphore_mem>> -> memref<1x!tpu.dma_semaphore, #tpu.memory_space<semaphore_mem>>
    %dma_start3A_1672 = tpu.memref_squeeze %dma_start3A_1671 : memref<1x!tpu.dma_semaphore, #tpu.memory_space<semaphore_mem>> -> memref<!tpu.dma_semaphore, #tpu.memory_space<semaphore_mem>>
    tpu.enqueue_indirect_dma source(%dma_start3A_1670 : memref<1000000xf32, #tpu.memory_space<hbm>>) target(%dma_start3A_1665 : memref<128xf32, #tpu.memory_space<vmem>>) offsets(%dma_start3A_1668 : memref<128xi32, #tpu.memory_space<vmem>>) semaphore(%dma_start3A_1672 : memref<!tpu.dma_semaphore, #tpu.memory_space<semaphore_mem>>)
    %dma_wait3A_1673 = arith.constant 6 : i32
    %dma_wait3A_1674 = arith.constant 6 : i32
    %dma_wait3A_1675 = arith.constant 0 : i32
    %dma_wait3A_1676 = tpu.memref_slice %arg5[%dma_wait3A_1673, %dma_wait3A_1675] : memref<8x384xi32, #tpu.memory_space<vmem>> -> memref<1x384xi32, #tpu.memory_space<vmem>>
    %dma_wait3A_1677 = tpu.memref_squeeze %dma_wait3A_1676 : memref<1x384xi32, #tpu.memory_space<vmem>> -> memref<384xi32, #tpu.memory_space<vmem>>
    %dma_wait3A_1678 = tpu.memref_slice %arg2[%mul3A_115] : memref<49152xi32, #tpu.memory_space<hbm>> -> memref<384xi32, #tpu.memory_space<hbm>>
    %dma_wait3A_1679 = tpu.memref_slice %arg8[%dma_wait3A_1674] : memref<8x!tpu.dma_semaphore, #tpu.memory_space<semaphore_mem>> -> memref<1x!tpu.dma_semaphore, #tpu.memory_space<semaphore_mem>>
    %dma_wait3A_1680 = tpu.memref_squeeze %dma_wait3A_1679 : memref<1x!tpu.dma_semaphore, #tpu.memory_space<semaphore_mem>> -> memref<!tpu.dma_semaphore, #tpu.memory_space<semaphore_mem>>
    %dma_wait3A_1681 = arith.constant 0 : i32
    %dma_wait3A_1682 = tpu.memref_slice %arg5[%dma_wait3A_1673, %dma_wait3A_1681] : memref<8x384xi32, #tpu.memory_space<vmem>> -> memref<1x384xi32, #tpu.memory_space<vmem>>
    %dma_wait3A_1683 = tpu.memref_squeeze %dma_wait3A_1682 : memref<1x384xi32, #tpu.memory_space<vmem>> -> memref<384xi32, #tpu.memory_space<vmem>>
    %dma_wait3A_1684 = tpu.memref_slice %arg2[%mul3A_115] : memref<49152xi32, #tpu.memory_space<hbm>> -> memref<384xi32, #tpu.memory_space<hbm>>
    tpu.wait_dma2 semaphore(%dma_wait3A_1680 : memref<!tpu.dma_semaphore, #tpu.memory_space<semaphore_mem>>) src(%dma_wait3A_1684 : memref<384xi32, #tpu.memory_space<hbm>>) dst(%dma_wait3A_1683 : memref<384xi32, #tpu.memory_space<vmem>>)
    %get3A_1685 = arith.constant 6 : i32
    %get3A_1686 = arith.index_cast %get3A_1685 : i32 to index
    %get3A_1687 = arith.constant 0 : index
    %get3A_1688 = tpu.vector_load %arg5[%get3A_1686, %get3A_1687] {strides = array<i32>} : memref<8x384xi32, #tpu.memory_space<vmem>>, vector<1x16xi32>,
    %get3A_1689 = vector.shape_cast %get3A_1688 : vector<1x16xi32> to vector<16xi32>
    %get3A_1690 = arith.constant 6 : i32
    %get3A_1691 = arith.index_cast %get3A_1690 : i32 to index
    %get3A_1692 = arith.constant 128 : index
    %get3A_1693 = tpu.vector_load %arg5[%get3A_1691, %get3A_1692] {strides = array<i32>} : memref<8x384xi32, #tpu.memory_space<vmem>>, vector<1x16xi32>,
    %get3A_1694 = vector.shape_cast %get3A_1693 : vector<1x16xi32> to vector<16xi32>
    %get3A_1695 = arith.constant 6 : i32
    %get3A_1696 = arith.index_cast %get3A_1695 : i32 to index
    %get3A_1697 = arith.constant 256 : index
    %get3A_1698 = tpu.vector_load %arg5[%get3A_1696, %get3A_1697] {strides = array<i32>} : memref<8x384xi32, #tpu.memory_space<vmem>>, vector<1x16xi32>,
    %get3A_1699 = vector.shape_cast %get3A_1698 : vector<1x16xi32> to vector<16xi32>
    %mul3A_1700 = arith.constant 10000 : i32
    %mul3A_1701 = vector.broadcast %mul3A_1700 : i32 to vector<16xi32>
    %mul3A_1702 = arith.muli %get3A_1689, %mul3A_1701 : vector<16xi32>
    %mul3A_1703 = arith.constant 100 : i32
    %mul3A_1704 = vector.broadcast %mul3A_1703 : i32 to vector<16xi32>
    %mul3A_1705 = arith.muli %get3A_1694, %mul3A_1704 : vector<16xi32>
    %add3A_1706 = arith.addi %mul3A_1702, %mul3A_1705 : vector<16xi32>
    %add3A_1707 = arith.addi %add3A_1706, %get3A_1699 : vector<16xi32>
    %swap3A_1708 = arith.constant 6 : i32
    %swap3A_1709 = arith.index_cast %swap3A_1708 : i32 to index
    %swap3A_1710 = arith.constant 0 : index
    %swap3A_1711 = tpu.vector_load %arg6[%swap3A_1709, %swap3A_1710] {strides = array<i32>} : memref<8x128xi32, #tpu.memory_space<vmem>>, vector<1x16xi32>,
    %swap3A_1712 = vector.shape_cast %swap3A_1711 : vector<1x16xi32> to vector<16xi32>
    %swap3A_1713 = vector.shape_cast %add3A_1707 : vector<16xi32> to vector<1x16xi32>
    tpu.vector_store %arg6[%swap3A_1709, %swap3A_1710], %swap3A_1713 {strides = array<i32>} : memref<8x128xi32, #tpu.memory_space<vmem>>, vector<1x16xi32>,
    %get3A_1714 = arith.constant 6 : i32
    %get3A_1715 = arith.index_cast %get3A_1714 : i32 to index
    %get3A_1716 = arith.constant 16 : index
    %get3A_1717 = tpu.vector_load %arg5[%get3A_1715, %get3A_1716] {strides = array<i32>} : memref<8x384xi32, #tpu.memory_space<vmem>>, vector<1x16xi32>,
    %get3A_1718 = vector.shape_cast %get3A_1717 : vector<1x16xi32> to vector<16xi32>
    %get3A_1719 = arith.constant 6 : i32
    %get3A_1720 = arith.index_cast %get3A_1719 : i32 to index
    %get3A_1721 = arith.constant 144 : index
    %get3A_1722 = tpu.vector_load %arg5[%get3A_1720, %get3A_1721] {strides = array<i32>} : memref<8x384xi32, #tpu.memory_space<vmem>>, vector<1x16xi32>,
    %get3A_1723 = vector.shape_cast %get3A_1722 : vector<1x16xi32> to vector<16xi32>
    %get3A_1724 = arith.constant 6 : i32
    %get3A_1725 = arith.index_cast %get3A_1724 : i32 to index
    %get3A_1726 = arith.constant 272 : index
    %get3A_1727 = tpu.vector_load %arg5[%get3A_1725, %get3A_1726] {strides = array<i32>} : memref<8x384xi32, #tpu.memory_space<vmem>>, vector<1x16xi32>,
    %get3A_1728 = vector.shape_cast %get3A_1727 : vector<1x16xi32> to vector<16xi32>
    %mul3A_1729 = arith.constant 10000 : i32
    %mul3A_1730 = vector.broadcast %mul3A_1729 : i32 to vector<16xi32>
    %mul3A_1731 = arith.muli %get3A_1718, %mul3A_1730 : vector<16xi32>
    %mul3A_1732 = arith.constant 100 : i32
    %mul3A_1733 = vector.broadcast %mul3A_1732 : i32 to vector<16xi32>
    %mul3A_1734 = arith.muli %get3A_1723, %mul3A_1733 : vector<16xi32>
    %add3A_1735 = arith.addi %mul3A_1731, %mul3A_1734 : vector<16xi32>
    %add3A_1736 = arith.addi %add3A_1735, %get3A_1728 : vector<16xi32>
    %swap3A_1737 = arith.constant 6 : i32
    %swap3A_1738 = arith.index_cast %swap3A_1737 : i32 to index
    %swap3A_1739 = arith.constant 16 : index
    %swap3A_1740 = tpu.vector_load %arg6[%swap3A_1738, %swap3A_1739] {strides = array<i32>} : memref<8x128xi32, #tpu.memory_space<vmem>>, vector<1x16xi32>,
    %swap3A_1741 = vector.shape_cast %swap3A_1740 : vector<1x16xi32> to vector<16xi32>
    %swap3A_1742 = vector.shape_cast %add3A_1736 : vector<16xi32> to vector<1x16xi32>
    tpu.vector_store %arg6[%swap3A_1738, %swap3A_1739], %swap3A_1742 {strides = array<i32>} : memref<8x128xi32, #tpu.memory_space<vmem>>, vector<1x16xi32>,
    %get3A_1743 = arith.constant 6 : i32
    %get3A_1744 = arith.index_cast %get3A_1743 : i32 to index
    %get3A_1745 = arith.constant 32 : index
    %get3A_1746 = tpu.vector_load %arg5[%get3A_1744, %get3A_1745] {strides = array<i32>} : memref<8x384xi32, #tpu.memory_space<vmem>>, vector<1x16xi32>,
    %get3A_1747 = vector.shape_cast %get3A_1746 : vector<1x16xi32> to vector<16xi32>
    %get3A_1748 = arith.constant 6 : i32
    %get3A_1749 = arith.index_cast %get3A_1748 : i32 to index
    %get3A_1750 = arith.constant 160 : index
    %get3A_1751 = tpu.vector_load %arg5[%get3A_1749, %get3A_1750] {strides = array<i32>} : memref<8x384xi32, #tpu.memory_space<vmem>>, vector<1x16xi32>,
    %get3A_1752 = vector.shape_cast %get3A_1751 : vector<1x16xi32> to vector<16xi32>
    %get3A_1753 = arith.constant 6 : i32
    %get3A_1754 = arith.index_cast %get3A_1753 : i32 to index
    %get3A_1755 = arith.constant 288 : index
    %get3A_1756 = tpu.vector_load %arg5[%get3A_1754, %get3A_1755] {strides = array<i32>} : memref<8x384xi32, #tpu.memory_space<vmem>>, vector<1x16xi32>,
    %get3A_1757 = vector.shape_cast %get3A_1756 : vector<1x16xi32> to vector<16xi32>
    %mul3A_1758 = arith.constant 10000 : i32
    %mul3A_1759 = vector.broadcast %mul3A_1758 : i32 to vector<16xi32>
    %mul3A_1760 = arith.muli %get3A_1747, %mul3A_1759 : vector<16xi32>
    %mul3A_1761 = arith.constant 100 : i32
    %mul3A_1762 = vector.broadcast %mul3A_1761 : i32 to vector<16xi32>
    %mul3A_1763 = arith.muli %get3A_1752, %mul3A_1762 : vector<16xi32>
    %add3A_1764 = arith.addi %mul3A_1760, %mul3A_1763 : vector<16xi32>
    %add3A_1765 = arith.addi %add3A_1764, %get3A_1757 : vector<16xi32>
    %swap3A_1766 = arith.constant 6 : i32
    %swap3A_1767 = arith.index_cast %swap3A_1766 : i32 to index
    %swap3A_1768 = arith.constant 32 : index
    %swap3A_1769 = tpu.vector_load %arg6[%swap3A_1767, %swap3A_1768] {strides = array<i32>} : memref<8x128xi32, #tpu.memory_space<vmem>>, vector<1x16xi32>,
    %swap3A_1770 = vector.shape_cast %swap3A_1769 : vector<1x16xi32> to vector<16xi32>
    %swap3A_1771 = vector.shape_cast %add3A_1765 : vector<16xi32> to vector<1x16xi32>
    tpu.vector_store %arg6[%swap3A_1767, %swap3A_1768], %swap3A_1771 {strides = array<i32>} : memref<8x128xi32, #tpu.memory_space<vmem>>, vector<1x16xi32>,
    %get3A_1772 = arith.constant 6 : i32
    %get3A_1773 = arith.index_cast %get3A_1772 : i32 to index
    %get3A_1774 = arith.constant 48 : index
    %get3A_1775 = tpu.vector_load %arg5[%get3A_1773, %get3A_1774] {strides = array<i32>} : memref<8x384xi32, #tpu.memory_space<vmem>>, vector<1x16xi32>,
    %get3A_1776 = vector.shape_cast %get3A_1775 : vector<1x16xi32> to vector<16xi32>
    %get3A_1777 = arith.constant 6 : i32
    %get3A_1778 = arith.index_cast %get3A_1777 : i32 to index
    %get3A_1779 = arith.constant 176 : index
    %get3A_1780 = tpu.vector_load %arg5[%get3A_1778, %get3A_1779] {strides = array<i32>} : memref<8x384xi32, #tpu.memory_space<vmem>>, vector<1x16xi32>,
    %get3A_1781 = vector.shape_cast %get3A_1780 : vector<1x16xi32> to vector<16xi32>
    %get3A_1782 = arith.constant 6 : i32
    %get3A_1783 = arith.index_cast %get3A_1782 : i32 to index
    %get3A_1784 = arith.constant 304 : index
    %get3A_1785 = tpu.vector_load %arg5[%get3A_1783, %get3A_1784] {strides = array<i32>} : memref<8x384xi32, #tpu.memory_space<vmem>>, vector<1x16xi32>,
    %get3A_1786 = vector.shape_cast %get3A_1785 : vector<1x16xi32> to vector<16xi32>
    %mul3A_1787 = arith.constant 10000 : i32
    %mul3A_1788 = vector.broadcast %mul3A_1787 : i32 to vector<16xi32>
    %mul3A_1789 = arith.muli %get3A_1776, %mul3A_1788 : vector<16xi32>
    %mul3A_1790 = arith.constant 100 : i32
    %mul3A_1791 = vector.broadcast %mul3A_1790 : i32 to vector<16xi32>
    %mul3A_1792 = arith.muli %get3A_1781, %mul3A_1791 : vector<16xi32>
    %add3A_1793 = arith.addi %mul3A_1789, %mul3A_1792 : vector<16xi32>
    %add3A_1794 = arith.addi %add3A_1793, %get3A_1786 : vector<16xi32>
    %swap3A_1795 = arith.constant 6 : i32
    %swap3A_1796 = arith.index_cast %swap3A_1795 : i32 to index
    %swap3A_1797 = arith.constant 48 : index
    %swap3A_1798 = tpu.vector_load %arg6[%swap3A_1796, %swap3A_1797] {strides = array<i32>} : memref<8x128xi32, #tpu.memory_space<vmem>>, vector<1x16xi32>,
    %swap3A_1799 = vector.shape_cast %swap3A_1798 : vector<1x16xi32> to vector<16xi32>
    %swap3A_1800 = vector.shape_cast %add3A_1794 : vector<16xi32> to vector<1x16xi32>
    tpu.vector_store %arg6[%swap3A_1796, %swap3A_1797], %swap3A_1800 {strides = array<i32>} : memref<8x128xi32, #tpu.memory_space<vmem>>, vector<1x16xi32>,
    %get3A_1801 = arith.constant 6 : i32
    %get3A_1802 = arith.index_cast %get3A_1801 : i32 to index
    %get3A_1803 = arith.constant 64 : index
    %get3A_1804 = tpu.vector_load %arg5[%get3A_1802, %get3A_1803] {strides = array<i32>} : memref<8x384xi32, #tpu.memory_space<vmem>>, vector<1x16xi32>,
    %get3A_1805 = vector.shape_cast %get3A_1804 : vector<1x16xi32> to vector<16xi32>
    %get3A_1806 = arith.constant 6 : i32
    %get3A_1807 = arith.index_cast %get3A_1806 : i32 to index
    %get3A_1808 = arith.constant 192 : index
    %get3A_1809 = tpu.vector_load %arg5[%get3A_1807, %get3A_1808] {strides = array<i32>} : memref<8x384xi32, #tpu.memory_space<vmem>>, vector<1x16xi32>,
    %get3A_1810 = vector.shape_cast %get3A_1809 : vector<1x16xi32> to vector<16xi32>
    %get3A_1811 = arith.constant 6 : i32
    %get3A_1812 = arith.index_cast %get3A_1811 : i32 to index
    %get3A_1813 = arith.constant 320 : index
    %get3A_1814 = tpu.vector_load %arg5[%get3A_1812, %get3A_1813] {strides = array<i32>} : memref<8x384xi32, #tpu.memory_space<vmem>>, vector<1x16xi32>,
    %get3A_1815 = vector.shape_cast %get3A_1814 : vector<1x16xi32> to vector<16xi32>
    %mul3A_1816 = arith.constant 10000 : i32
    %mul3A_1817 = vector.broadcast %mul3A_1816 : i32 to vector<16xi32>
    %mul3A_1818 = arith.muli %get3A_1805, %mul3A_1817 : vector<16xi32>
    %mul3A_1819 = arith.constant 100 : i32
    %mul3A_1820 = vector.broadcast %mul3A_1819 : i32 to vector<16xi32>
    %mul3A_1821 = arith.muli %get3A_1810, %mul3A_1820 : vector<16xi32>
    %add3A_1822 = arith.addi %mul3A_1818, %mul3A_1821 : vector<16xi32>
    %add3A_1823 = arith.addi %add3A_1822, %get3A_1815 : vector<16xi32>
    %swap3A_1824 = arith.constant 6 : i32
    %swap3A_1825 = arith.index_cast %swap3A_1824 : i32 to index
    %swap3A_1826 = arith.constant 64 : index
    %swap3A_1827 = tpu.vector_load %arg6[%swap3A_1825, %swap3A_1826] {strides = array<i32>} : memref<8x128xi32, #tpu.memory_space<vmem>>, vector<1x16xi32>,
    %swap3A_1828 = vector.shape_cast %swap3A_1827 : vector<1x16xi32> to vector<16xi32>
    %swap3A_1829 = vector.shape_cast %add3A_1823 : vector<16xi32> to vector<1x16xi32>
    tpu.vector_store %arg6[%swap3A_1825, %swap3A_1826], %swap3A_1829 {strides = array<i32>} : memref<8x128xi32, #tpu.memory_space<vmem>>, vector<1x16xi32>,
    %get3A_1830 = arith.constant 6 : i32
    %get3A_1831 = arith.index_cast %get3A_1830 : i32 to index
    %get3A_1832 = arith.constant 80 : index
    %get3A_1833 = tpu.vector_load %arg5[%get3A_1831, %get3A_1832] {strides = array<i32>} : memref<8x384xi32, #tpu.memory_space<vmem>>, vector<1x16xi32>,
    %get3A_1834 = vector.shape_cast %get3A_1833 : vector<1x16xi32> to vector<16xi32>
    %get3A_1835 = arith.constant 6 : i32
    %get3A_1836 = arith.index_cast %get3A_1835 : i32 to index
    %get3A_1837 = arith.constant 208 : index
    %get3A_1838 = tpu.vector_load %arg5[%get3A_1836, %get3A_1837] {strides = array<i32>} : memref<8x384xi32, #tpu.memory_space<vmem>>, vector<1x16xi32>,
    %get3A_1839 = vector.shape_cast %get3A_1838 : vector<1x16xi32> to vector<16xi32>
    %get3A_1840 = arith.constant 6 : i32
    %get3A_1841 = arith.index_cast %get3A_1840 : i32 to index
    %get3A_1842 = arith.constant 336 : index
    %get3A_1843 = tpu.vector_load %arg5[%get3A_1841, %get3A_1842] {strides = array<i32>} : memref<8x384xi32, #tpu.memory_space<vmem>>, vector<1x16xi32>,
    %get3A_1844 = vector.shape_cast %get3A_1843 : vector<1x16xi32> to vector<16xi32>
    %mul3A_1845 = arith.constant 10000 : i32
    %mul3A_1846 = vector.broadcast %mul3A_1845 : i32 to vector<16xi32>
    %mul3A_1847 = arith.muli %get3A_1834, %mul3A_1846 : vector<16xi32>
    %mul3A_1848 = arith.constant 100 : i32
    %mul3A_1849 = vector.broadcast %mul3A_1848 : i32 to vector<16xi32>
    %mul3A_1850 = arith.muli %get3A_1839, %mul3A_1849 : vector<16xi32>
    %add3A_1851 = arith.addi %mul3A_1847, %mul3A_1850 : vector<16xi32>
    %add3A_1852 = arith.addi %add3A_1851, %get3A_1844 : vector<16xi32>
    %swap3A_1853 = arith.constant 6 : i32
    %swap3A_1854 = arith.index_cast %swap3A_1853 : i32 to index
    %swap3A_1855 = arith.constant 80 : index
    %swap3A_1856 = tpu.vector_load %arg6[%swap3A_1854, %swap3A_1855] {strides = array<i32>} : memref<8x128xi32, #tpu.memory_space<vmem>>, vector<1x16xi32>,
    %swap3A_1857 = vector.shape_cast %swap3A_1856 : vector<1x16xi32> to vector<16xi32>
    %swap3A_1858 = vector.shape_cast %add3A_1852 : vector<16xi32> to vector<1x16xi32>
    tpu.vector_store %arg6[%swap3A_1854, %swap3A_1855], %swap3A_1858 {strides = array<i32>} : memref<8x128xi32, #tpu.memory_space<vmem>>, vector<1x16xi32>,
    %get3A_1859 = arith.constant 6 : i32
    %get3A_1860 = arith.index_cast %get3A_1859 : i32 to index
    %get3A_1861 = arith.constant 96 : index
    %get3A_1862 = tpu.vector_load %arg5[%get3A_1860, %get3A_1861] {strides = array<i32>} : memref<8x384xi32, #tpu.memory_space<vmem>>, vector<1x16xi32>,
    %get3A_1863 = vector.shape_cast %get3A_1862 : vector<1x16xi32> to vector<16xi32>
    %get3A_1864 = arith.constant 6 : i32
    %get3A_1865 = arith.index_cast %get3A_1864 : i32 to index
    %get3A_1866 = arith.constant 224 : index
    %get3A_1867 = tpu.vector_load %arg5[%get3A_1865, %get3A_1866] {strides = array<i32>} : memref<8x384xi32, #tpu.memory_space<vmem>>, vector<1x16xi32>,
    %get3A_1868 = vector.shape_cast %get3A_1867 : vector<1x16xi32> to vector<16xi32>
    %get3A_1869 = arith.constant 6 : i32
    %get3A_1870 = arith.index_cast %get3A_1869 : i32 to index
    %get3A_1871 = arith.constant 352 : index
    %get3A_1872 = tpu.vector_load %arg5[%get3A_1870, %get3A_1871] {strides = array<i32>} : memref<8x384xi32, #tpu.memory_space<vmem>>, vector<1x16xi32>,
    %get3A_1873 = vector.shape_cast %get3A_1872 : vector<1x16xi32> to vector<16xi32>
    %mul3A_1874 = arith.constant 10000 : i32
    %mul3A_1875 = vector.broadcast %mul3A_1874 : i32 to vector<16xi32>
    %mul3A_1876 = arith.muli %get3A_1863, %mul3A_1875 : vector<16xi32>
    %mul3A_1877 = arith.constant 100 : i32
    %mul3A_1878 = vector.broadcast %mul3A_1877 : i32 to vector<16xi32>
    %mul3A_1879 = arith.muli %get3A_1868, %mul3A_1878 : vector<16xi32>
    %add3A_1880 = arith.addi %mul3A_1876, %mul3A_1879 : vector<16xi32>
    %add3A_1881 = arith.addi %add3A_1880, %get3A_1873 : vector<16xi32>
    %swap3A_1882 = arith.constant 6 : i32
    %swap3A_1883 = arith.index_cast %swap3A_1882 : i32 to index
    %swap3A_1884 = arith.constant 96 : index
    %swap3A_1885 = tpu.vector_load %arg6[%swap3A_1883, %swap3A_1884] {strides = array<i32>} : memref<8x128xi32, #tpu.memory_space<vmem>>, vector<1x16xi32>,
    %swap3A_1886 = vector.shape_cast %swap3A_1885 : vector<1x16xi32> to vector<16xi32>
    %swap3A_1887 = vector.shape_cast %add3A_1881 : vector<16xi32> to vector<1x16xi32>
    tpu.vector_store %arg6[%swap3A_1883, %swap3A_1884], %swap3A_1887 {strides = array<i32>} : memref<8x128xi32, #tpu.memory_space<vmem>>, vector<1x16xi32>,
    %get3A_1888 = arith.constant 6 : i32
    %get3A_1889 = arith.index_cast %get3A_1888 : i32 to index
    %get3A_1890 = arith.constant 112 : index
    %get3A_1891 = tpu.vector_load %arg5[%get3A_1889, %get3A_1890] {strides = array<i32>} : memref<8x384xi32, #tpu.memory_space<vmem>>, vector<1x16xi32>,
    %get3A_1892 = vector.shape_cast %get3A_1891 : vector<1x16xi32> to vector<16xi32>
    %get3A_1893 = arith.constant 6 : i32
    %get3A_1894 = arith.index_cast %get3A_1893 : i32 to index
    %get3A_1895 = arith.constant 240 : index
    %get3A_1896 = tpu.vector_load %arg5[%get3A_1894, %get3A_1895] {strides = array<i32>} : memref<8x384xi32, #tpu.memory_space<vmem>>, vector<1x16xi32>,
    %get3A_1897 = vector.shape_cast %get3A_1896 : vector<1x16xi32> to vector<16xi32>
    %get3A_1898 = arith.constant 6 : i32
    %get3A_1899 = arith.index_cast %get3A_1898 : i32 to index
    %get3A_1900 = arith.constant 368 : index
    %get3A_1901 = tpu.vector_load %arg5[%get3A_1899, %get3A_1900] {strides = array<i32>} : memref<8x384xi32, #tpu.memory_space<vmem>>, vector<1x16xi32>,
    %get3A_1902 = vector.shape_cast %get3A_1901 : vector<1x16xi32> to vector<16xi32>
    %mul3A_1903 = arith.constant 10000 : i32
    %mul3A_1904 = vector.broadcast %mul3A_1903 : i32 to vector<16xi32>
    %mul3A_1905 = arith.muli %get3A_1892, %mul3A_1904 : vector<16xi32>
    %mul3A_1906 = arith.constant 100 : i32
    %mul3A_1907 = vector.broadcast %mul3A_1906 : i32 to vector<16xi32>
    %mul3A_1908 = arith.muli %get3A_1897, %mul3A_1907 : vector<16xi32>
    %add3A_1909 = arith.addi %mul3A_1905, %mul3A_1908 : vector<16xi32>
    %add3A_1910 = arith.addi %add3A_1909, %get3A_1902 : vector<16xi32>
    %swap3A_1911 = arith.constant 6 : i32
    %swap3A_1912 = arith.index_cast %swap3A_1911 : i32 to index
    %swap3A_1913 = arith.constant 112 : index
    %swap3A_1914 = tpu.vector_load %arg6[%swap3A_1912, %swap3A_1913] {strides = array<i32>} : memref<8x128xi32, #tpu.memory_space<vmem>>, vector<1x16xi32>,
    %swap3A_1915 = vector.shape_cast %swap3A_1914 : vector<1x16xi32> to vector<16xi32>
    %swap3A_1916 = vector.shape_cast %add3A_1910 : vector<16xi32> to vector<1x16xi32>
    tpu.vector_store %arg6[%swap3A_1912, %swap3A_1913], %swap3A_1916 {strides = array<i32>} : memref<8x128xi32, #tpu.memory_space<vmem>>, vector<1x16xi32>,
    %dma_start3A_1917 = arith.constant 6 : i32
    %dma_start3A_1918 = arith.constant 6 : i32
    %dma_start3A_1919 = arith.constant 768 : i32
    %dma_start3A_1920 = tpu.memref_slice %arg7[%dma_start3A_1919] : memref<1024xf32, #tpu.memory_space<vmem>> -> memref<128xf32, #tpu.memory_space<vmem>>
    %dma_start3A_1921 = arith.constant 0 : i32
    %dma_start3A_1922 = tpu.memref_slice %arg6[%dma_start3A_1917, %dma_start3A_1921] : memref<8x128xi32, #tpu.memory_space<vmem>> -> memref<1x128xi32, #tpu.memory_space<vmem>>
    %dma_start3A_1923 = tpu.memref_squeeze %dma_start3A_1922 : memref<1x128xi32, #tpu.memory_space<vmem>> -> memref<128xi32, #tpu.memory_space<vmem>>
    %dma_start3A_1924 = arith.constant 0 : i32
    %dma_start3A_1925 = tpu.memref_slice %arg3[%dma_start3A_1924] : memref<1000000xf32, #tpu.memory_space<hbm>> -> memref<1000000xf32, #tpu.memory_space<hbm>>
    %dma_start3A_1926 = tpu.memref_slice %arg9[%dma_start3A_1918] : memref<8x!tpu.dma_semaphore, #tpu.memory_space<semaphore_mem>> -> memref<1x!tpu.dma_semaphore, #tpu.memory_space<semaphore_mem>>
    %dma_start3A_1927 = tpu.memref_squeeze %dma_start3A_1926 : memref<1x!tpu.dma_semaphore, #tpu.memory_space<semaphore_mem>> -> memref<!tpu.dma_semaphore, #tpu.memory_space<semaphore_mem>>
    tpu.enqueue_indirect_dma source(%dma_start3A_1925 : memref<1000000xf32, #tpu.memory_space<hbm>>) target(%dma_start3A_1920 : memref<128xf32, #tpu.memory_space<vmem>>) offsets(%dma_start3A_1923 : memref<128xi32, #tpu.memory_space<vmem>>) semaphore(%dma_start3A_1927 : memref<!tpu.dma_semaphore, #tpu.memory_space<semaphore_mem>>)
    %dma_wait3A_1928 = arith.constant 7 : i32
    %dma_wait3A_1929 = arith.constant 7 : i32
    %dma_wait3A_1930 = arith.constant 0 : i32
    %dma_wait3A_1931 = tpu.memref_slice %arg5[%dma_wait3A_1928, %dma_wait3A_1930] : memref<8x384xi32, #tpu.memory_space<vmem>> -> memref<1x384xi32, #tpu.memory_space<vmem>>
    %dma_wait3A_1932 = tpu.memref_squeeze %dma_wait3A_1931 : memref<1x384xi32, #tpu.memory_space<vmem>> -> memref<384xi32, #tpu.memory_space<vmem>>
    %dma_wait3A_1933 = tpu.memref_slice %arg2[%mul3A_133] : memref<49152xi32, #tpu.memory_space<hbm>> -> memref<384xi32, #tpu.memory_space<hbm>>
    %dma_wait3A_1934 = tpu.memref_slice %arg8[%dma_wait3A_1929] : memref<8x!tpu.dma_semaphore, #tpu.memory_space<semaphore_mem>> -> memref<1x!tpu.dma_semaphore, #tpu.memory_space<semaphore_mem>>
    %dma_wait3A_1935 = tpu.memref_squeeze %dma_wait3A_1934 : memref<1x!tpu.dma_semaphore, #tpu.memory_space<semaphore_mem>> -> memref<!tpu.dma_semaphore, #tpu.memory_space<semaphore_mem>>
    %dma_wait3A_1936 = arith.constant 0 : i32
    %dma_wait3A_1937 = tpu.memref_slice %arg5[%dma_wait3A_1928, %dma_wait3A_1936] : memref<8x384xi32, #tpu.memory_space<vmem>> -> memref<1x384xi32, #tpu.memory_space<vmem>>
    %dma_wait3A_1938 = tpu.memref_squeeze %dma_wait3A_1937 : memref<1x384xi32, #tpu.memory_space<vmem>> -> memref<384xi32, #tpu.memory_space<vmem>>
    %dma_wait3A_1939 = tpu.memref_slice %arg2[%mul3A_133] : memref<49152xi32, #tpu.memory_space<hbm>> -> memref<384xi32, #tpu.memory_space<hbm>>
    tpu.wait_dma2 semaphore(%dma_wait3A_1935 : memref<!tpu.dma_semaphore, #tpu.memory_space<semaphore_mem>>) src(%dma_wait3A_1939 : memref<384xi32, #tpu.memory_space<hbm>>) dst(%dma_wait3A_1938 : memref<384xi32, #tpu.memory_space<vmem>>)
    %get3A_1940 = arith.constant 7 : i32
    %get3A_1941 = arith.index_cast %get3A_1940 : i32 to index
    %get3A_1942 = arith.constant 0 : index
    %get3A_1943 = tpu.vector_load %arg5[%get3A_1941, %get3A_1942] {strides = array<i32>} : memref<8x384xi32, #tpu.memory_space<vmem>>, vector<1x16xi32>,
    %get3A_1944 = vector.shape_cast %get3A_1943 : vector<1x16xi32> to vector<16xi32>
    %get3A_1945 = arith.constant 7 : i32
    %get3A_1946 = arith.index_cast %get3A_1945 : i32 to index
    %get3A_1947 = arith.constant 128 : index
    %get3A_1948 = tpu.vector_load %arg5[%get3A_1946, %get3A_1947] {strides = array<i32>} : memref<8x384xi32, #tpu.memory_space<vmem>>, vector<1x16xi32>,
    %get3A_1949 = vector.shape_cast %get3A_1948 : vector<1x16xi32> to vector<16xi32>
    %get3A_1950 = arith.constant 7 : i32
    %get3A_1951 = arith.index_cast %get3A_1950 : i32 to index
    %get3A_1952 = arith.constant 256 : index
    %get3A_1953 = tpu.vector_load %arg5[%get3A_1951, %get3A_1952] {strides = array<i32>} : memref<8x384xi32, #tpu.memory_space<vmem>>, vector<1x16xi32>,
    %get3A_1954 = vector.shape_cast %get3A_1953 : vector<1x16xi32> to vector<16xi32>
    %mul3A_1955 = arith.constant 10000 : i32
    %mul3A_1956 = vector.broadcast %mul3A_1955 : i32 to vector<16xi32>
    %mul3A_1957 = arith.muli %get3A_1944, %mul3A_1956 : vector<16xi32>
    %mul3A_1958 = arith.constant 100 : i32
    %mul3A_1959 = vector.broadcast %mul3A_1958 : i32 to vector<16xi32>
    %mul3A_1960 = arith.muli %get3A_1949, %mul3A_1959 : vector<16xi32>
    %add3A_1961 = arith.addi %mul3A_1957, %mul3A_1960 : vector<16xi32>
    %add3A_1962 = arith.addi %add3A_1961, %get3A_1954 : vector<16xi32>
    %swap3A_1963 = arith.constant 7 : i32
    %swap3A_1964 = arith.index_cast %swap3A_1963 : i32 to index
    %swap3A_1965 = arith.constant 0 : index
    %swap3A_1966 = tpu.vector_load %arg6[%swap3A_1964, %swap3A_1965] {strides = array<i32>} : memref<8x128xi32, #tpu.memory_space<vmem>>, vector<1x16xi32>,
    %swap3A_1967 = vector.shape_cast %swap3A_1966 : vector<1x16xi32> to vector<16xi32>
    %swap3A_1968 = vector.shape_cast %add3A_1962 : vector<16xi32> to vector<1x16xi32>
    tpu.vector_store %arg6[%swap3A_1964, %swap3A_1965], %swap3A_1968 {strides = array<i32>} : memref<8x128xi32, #tpu.memory_space<vmem>>, vector<1x16xi32>,
    %get3A_1969 = arith.constant 7 : i32
    %get3A_1970 = arith.index_cast %get3A_1969 : i32 to index
    %get3A_1971 = arith.constant 16 : index
    %get3A_1972 = tpu.vector_load %arg5[%get3A_1970, %get3A_1971] {strides = array<i32>} : memref<8x384xi32, #tpu.memory_space<vmem>>, vector<1x16xi32>,
    %get3A_1973 = vector.shape_cast %get3A_1972 : vector<1x16xi32> to vector<16xi32>
    %get3A_1974 = arith.constant 7 : i32
    %get3A_1975 = arith.index_cast %get3A_1974 : i32 to index
    %get3A_1976 = arith.constant 144 : index
    %get3A_1977 = tpu.vector_load %arg5[%get3A_1975, %get3A_1976] {strides = array<i32>} : memref<8x384xi32, #tpu.memory_space<vmem>>, vector<1x16xi32>,
    %get3A_1978 = vector.shape_cast %get3A_1977 : vector<1x16xi32> to vector<16xi32>
    %get3A_1979 = arith.constant 7 : i32
    %get3A_1980 = arith.index_cast %get3A_1979 : i32 to index
    %get3A_1981 = arith.constant 272 : index
    %get3A_1982 = tpu.vector_load %arg5[%get3A_1980, %get3A_1981] {strides = array<i32>} : memref<8x384xi32, #tpu.memory_space<vmem>>, vector<1x16xi32>,
    %get3A_1983 = vector.shape_cast %get3A_1982 : vector<1x16xi32> to vector<16xi32>
    %mul3A_1984 = arith.constant 10000 : i32
    %mul3A_1985 = vector.broadcast %mul3A_1984 : i32 to vector<16xi32>
    %mul3A_1986 = arith.muli %get3A_1973, %mul3A_1985 : vector<16xi32>
    %mul3A_1987 = arith.constant 100 : i32
    %mul3A_1988 = vector.broadcast %mul3A_1987 : i32 to vector<16xi32>
    %mul3A_1989 = arith.muli %get3A_1978, %mul3A_1988 : vector<16xi32>
    %add3A_1990 = arith.addi %mul3A_1986, %mul3A_1989 : vector<16xi32>
    %add3A_1991 = arith.addi %add3A_1990, %get3A_1983 : vector<16xi32>
    %swap3A_1992 = arith.constant 7 : i32
    %swap3A_1993 = arith.index_cast %swap3A_1992 : i32 to index
    %swap3A_1994 = arith.constant 16 : index
    %swap3A_1995 = tpu.vector_load %arg6[%swap3A_1993, %swap3A_1994] {strides = array<i32>} : memref<8x128xi32, #tpu.memory_space<vmem>>, vector<1x16xi32>,
    %swap3A_1996 = vector.shape_cast %swap3A_1995 : vector<1x16xi32> to vector<16xi32>
    %swap3A_1997 = vector.shape_cast %add3A_1991 : vector<16xi32> to vector<1x16xi32>
    tpu.vector_store %arg6[%swap3A_1993, %swap3A_1994], %swap3A_1997 {strides = array<i32>} : memref<8x128xi32, #tpu.memory_space<vmem>>, vector<1x16xi32>,
    %get3A_1998 = arith.constant 7 : i32
    %get3A_1999 = arith.index_cast %get3A_1998 : i32 to index
    %get3A_2000 = arith.constant 32 : index
    %get3A_2001 = tpu.vector_load %arg5[%get3A_1999, %get3A_2000] {strides = array<i32>} : memref<8x384xi32, #tpu.memory_space<vmem>>, vector<1x16xi32>,
    %get3A_2002 = vector.shape_cast %get3A_2001 : vector<1x16xi32> to vector<16xi32>
    %get3A_2003 = arith.constant 7 : i32
    %get3A_2004 = arith.index_cast %get3A_2003 : i32 to index
    %get3A_2005 = arith.constant 160 : index
    %get3A_2006 = tpu.vector_load %arg5[%get3A_2004, %get3A_2005] {strides = array<i32>} : memref<8x384xi32, #tpu.memory_space<vmem>>, vector<1x16xi32>,
    %get3A_2007 = vector.shape_cast %get3A_2006 : vector<1x16xi32> to vector<16xi32>
    %get3A_2008 = arith.constant 7 : i32
    %get3A_2009 = arith.index_cast %get3A_2008 : i32 to index
    %get3A_2010 = arith.constant 288 : index
    %get3A_2011 = tpu.vector_load %arg5[%get3A_2009, %get3A_2010] {strides = array<i32>} : memref<8x384xi32, #tpu.memory_space<vmem>>, vector<1x16xi32>,
    %get3A_2012 = vector.shape_cast %get3A_2011 : vector<1x16xi32> to vector<16xi32>
    %mul3A_2013 = arith.constant 10000 : i32
    %mul3A_2014 = vector.broadcast %mul3A_2013 : i32 to vector<16xi32>
    %mul3A_2015 = arith.muli %get3A_2002, %mul3A_2014 : vector<16xi32>
    %mul3A_2016 = arith.constant 100 : i32
    %mul3A_2017 = vector.broadcast %mul3A_2016 : i32 to vector<16xi32>
    %mul3A_2018 = arith.muli %get3A_2007, %mul3A_2017 : vector<16xi32>
    %add3A_2019 = arith.addi %mul3A_2015, %mul3A_2018 : vector<16xi32>
    %add3A_2020 = arith.addi %add3A_2019, %get3A_2012 : vector<16xi32>
    %swap3A_2021 = arith.constant 7 : i32
    %swap3A_2022 = arith.index_cast %swap3A_2021 : i32 to index
    %swap3A_2023 = arith.constant 32 : index
    %swap3A_2024 = tpu.vector_load %arg6[%swap3A_2022, %swap3A_2023] {strides = array<i32>} : memref<8x128xi32, #tpu.memory_space<vmem>>, vector<1x16xi32>,
    %swap3A_2025 = vector.shape_cast %swap3A_2024 : vector<1x16xi32> to vector<16xi32>
    %swap3A_2026 = vector.shape_cast %add3A_2020 : vector<16xi32> to vector<1x16xi32>
    tpu.vector_store %arg6[%swap3A_2022, %swap3A_2023], %swap3A_2026 {strides = array<i32>} : memref<8x128xi32, #tpu.memory_space<vmem>>, vector<1x16xi32>,
    %get3A_2027 = arith.constant 7 : i32
    %get3A_2028 = arith.index_cast %get3A_2027 : i32 to index
    %get3A_2029 = arith.constant 48 : index
    %get3A_2030 = tpu.vector_load %arg5[%get3A_2028, %get3A_2029] {strides = array<i32>} : memref<8x384xi32, #tpu.memory_space<vmem>>, vector<1x16xi32>,
    %get3A_2031 = vector.shape_cast %get3A_2030 : vector<1x16xi32> to vector<16xi32>
    %get3A_2032 = arith.constant 7 : i32
    %get3A_2033 = arith.index_cast %get3A_2032 : i32 to index
    %get3A_2034 = arith.constant 176 : index
    %get3A_2035 = tpu.vector_load %arg5[%get3A_2033, %get3A_2034] {strides = array<i32>} : memref<8x384xi32, #tpu.memory_space<vmem>>, vector<1x16xi32>,
    %get3A_2036 = vector.shape_cast %get3A_2035 : vector<1x16xi32> to vector<16xi32>
    %get3A_2037 = arith.constant 7 : i32
    %get3A_2038 = arith.index_cast %get3A_2037 : i32 to index
    %get3A_2039 = arith.constant 304 : index
    %get3A_2040 = tpu.vector_load %arg5[%get3A_2038, %get3A_2039] {strides = array<i32>} : memref<8x384xi32, #tpu.memory_space<vmem>>, vector<1x16xi32>,
    %get3A_2041 = vector.shape_cast %get3A_2040 : vector<1x16xi32> to vector<16xi32>
    %mul3A_2042 = arith.constant 10000 : i32
    %mul3A_2043 = vector.broadcast %mul3A_2042 : i32 to vector<16xi32>
    %mul3A_2044 = arith.muli %get3A_2031, %mul3A_2043 : vector<16xi32>
    %mul3A_2045 = arith.constant 100 : i32
    %mul3A_2046 = vector.broadcast %mul3A_2045 : i32 to vector<16xi32>
    %mul3A_2047 = arith.muli %get3A_2036, %mul3A_2046 : vector<16xi32>
    %add3A_2048 = arith.addi %mul3A_2044, %mul3A_2047 : vector<16xi32>
    %add3A_2049 = arith.addi %add3A_2048, %get3A_2041 : vector<16xi32>
    %swap3A_2050 = arith.constant 7 : i32
    %swap3A_2051 = arith.index_cast %swap3A_2050 : i32 to index
    %swap3A_2052 = arith.constant 48 : index
    %swap3A_2053 = tpu.vector_load %arg6[%swap3A_2051, %swap3A_2052] {strides = array<i32>} : memref<8x128xi32, #tpu.memory_space<vmem>>, vector<1x16xi32>,
    %swap3A_2054 = vector.shape_cast %swap3A_2053 : vector<1x16xi32> to vector<16xi32>
    %swap3A_2055 = vector.shape_cast %add3A_2049 : vector<16xi32> to vector<1x16xi32>
    tpu.vector_store %arg6[%swap3A_2051, %swap3A_2052], %swap3A_2055 {strides = array<i32>} : memref<8x128xi32, #tpu.memory_space<vmem>>, vector<1x16xi32>,
    %get3A_2056 = arith.constant 7 : i32
    %get3A_2057 = arith.index_cast %get3A_2056 : i32 to index
    %get3A_2058 = arith.constant 64 : index
    %get3A_2059 = tpu.vector_load %arg5[%get3A_2057, %get3A_2058] {strides = array<i32>} : memref<8x384xi32, #tpu.memory_space<vmem>>, vector<1x16xi32>,
    %get3A_2060 = vector.shape_cast %get3A_2059 : vector<1x16xi32> to vector<16xi32>
    %get3A_2061 = arith.constant 7 : i32
    %get3A_2062 = arith.index_cast %get3A_2061 : i32 to index
    %get3A_2063 = arith.constant 192 : index
    %get3A_2064 = tpu.vector_load %arg5[%get3A_2062, %get3A_2063] {strides = array<i32>} : memref<8x384xi32, #tpu.memory_space<vmem>>, vector<1x16xi32>,
    %get3A_2065 = vector.shape_cast %get3A_2064 : vector<1x16xi32> to vector<16xi32>
    %get3A_2066 = arith.constant 7 : i32
    %get3A_2067 = arith.index_cast %get3A_2066 : i32 to index
    %get3A_2068 = arith.constant 320 : index
    %get3A_2069 = tpu.vector_load %arg5[%get3A_2067, %get3A_2068] {strides = array<i32>} : memref<8x384xi32, #tpu.memory_space<vmem>>, vector<1x16xi32>,
    %get3A_2070 = vector.shape_cast %get3A_2069 : vector<1x16xi32> to vector<16xi32>
    %mul3A_2071 = arith.constant 10000 : i32
    %mul3A_2072 = vector.broadcast %mul3A_2071 : i32 to vector<16xi32>
    %mul3A_2073 = arith.muli %get3A_2060, %mul3A_2072 : vector<16xi32>
    %mul3A_2074 = arith.constant 100 : i32
    %mul3A_2075 = vector.broadcast %mul3A_2074 : i32 to vector<16xi32>
    %mul3A_2076 = arith.muli %get3A_2065, %mul3A_2075 : vector<16xi32>
    %add3A_2077 = arith.addi %mul3A_2073, %mul3A_2076 : vector<16xi32>
    %add3A_2078 = arith.addi %add3A_2077, %get3A_2070 : vector<16xi32>
    %swap3A_2079 = arith.constant 7 : i32
    %swap3A_2080 = arith.index_cast %swap3A_2079 : i32 to index
    %swap3A_2081 = arith.constant 64 : index
    %swap3A_2082 = tpu.vector_load %arg6[%swap3A_2080, %swap3A_2081] {strides = array<i32>} : memref<8x128xi32, #tpu.memory_space<vmem>>, vector<1x16xi32>,
    %swap3A_2083 = vector.shape_cast %swap3A_2082 : vector<1x16xi32> to vector<16xi32>
    %swap3A_2084 = vector.shape_cast %add3A_2078 : vector<16xi32> to vector<1x16xi32>
    tpu.vector_store %arg6[%swap3A_2080, %swap3A_2081], %swap3A_2084 {strides = array<i32>} : memref<8x128xi32, #tpu.memory_space<vmem>>, vector<1x16xi32>,
    %get3A_2085 = arith.constant 7 : i32
    %get3A_2086 = arith.index_cast %get3A_2085 : i32 to index
    %get3A_2087 = arith.constant 80 : index
    %get3A_2088 = tpu.vector_load %arg5[%get3A_2086, %get3A_2087] {strides = array<i32>} : memref<8x384xi32, #tpu.memory_space<vmem>>, vector<1x16xi32>,
    %get3A_2089 = vector.shape_cast %get3A_2088 : vector<1x16xi32> to vector<16xi32>
    %get3A_2090 = arith.constant 7 : i32
    %get3A_2091 = arith.index_cast %get3A_2090 : i32 to index
    %get3A_2092 = arith.constant 208 : index
    %get3A_2093 = tpu.vector_load %arg5[%get3A_2091, %get3A_2092] {strides = array<i32>} : memref<8x384xi32, #tpu.memory_space<vmem>>, vector<1x16xi32>,
    %get3A_2094 = vector.shape_cast %get3A_2093 : vector<1x16xi32> to vector<16xi32>
    %get3A_2095 = arith.constant 7 : i32
    %get3A_2096 = arith.index_cast %get3A_2095 : i32 to index
    %get3A_2097 = arith.constant 336 : index
    %get3A_2098 = tpu.vector_load %arg5[%get3A_2096, %get3A_2097] {strides = array<i32>} : memref<8x384xi32, #tpu.memory_space<vmem>>, vector<1x16xi32>,
    %get3A_2099 = vector.shape_cast %get3A_2098 : vector<1x16xi32> to vector<16xi32>
    %mul3A_2100 = arith.constant 10000 : i32
    %mul3A_2101 = vector.broadcast %mul3A_2100 : i32 to vector<16xi32>
    %mul3A_2102 = arith.muli %get3A_2089, %mul3A_2101 : vector<16xi32>
    %mul3A_2103 = arith.constant 100 : i32
    %mul3A_2104 = vector.broadcast %mul3A_2103 : i32 to vector<16xi32>
    %mul3A_2105 = arith.muli %get3A_2094, %mul3A_2104 : vector<16xi32>
    %add3A_2106 = arith.addi %mul3A_2102, %mul3A_2105 : vector<16xi32>
    %add3A_2107 = arith.addi %add3A_2106, %get3A_2099 : vector<16xi32>
    %swap3A_2108 = arith.constant 7 : i32
    %swap3A_2109 = arith.index_cast %swap3A_2108 : i32 to index
    %swap3A_2110 = arith.constant 80 : index
    %swap3A_2111 = tpu.vector_load %arg6[%swap3A_2109, %swap3A_2110] {strides = array<i32>} : memref<8x128xi32, #tpu.memory_space<vmem>>, vector<1x16xi32>,
    %swap3A_2112 = vector.shape_cast %swap3A_2111 : vector<1x16xi32> to vector<16xi32>
    %swap3A_2113 = vector.shape_cast %add3A_2107 : vector<16xi32> to vector<1x16xi32>
    tpu.vector_store %arg6[%swap3A_2109, %swap3A_2110], %swap3A_2113 {strides = array<i32>} : memref<8x128xi32, #tpu.memory_space<vmem>>, vector<1x16xi32>,
    %get3A_2114 = arith.constant 7 : i32
    %get3A_2115 = arith.index_cast %get3A_2114 : i32 to index
    %get3A_2116 = arith.constant 96 : index
    %get3A_2117 = tpu.vector_load %arg5[%get3A_2115, %get3A_2116] {strides = array<i32>} : memref<8x384xi32, #tpu.memory_space<vmem>>, vector<1x16xi32>,
    %get3A_2118 = vector.shape_cast %get3A_2117 : vector<1x16xi32> to vector<16xi32>
    %get3A_2119 = arith.constant 7 : i32
    %get3A_2120 = arith.index_cast %get3A_2119 : i32 to index
    %get3A_2121 = arith.constant 224 : index
    %get3A_2122 = tpu.vector_load %arg5[%get3A_2120, %get3A_2121] {strides = array<i32>} : memref<8x384xi32, #tpu.memory_space<vmem>>, vector<1x16xi32>,
    %get3A_2123 = vector.shape_cast %get3A_2122 : vector<1x16xi32> to vector<16xi32>
    %get3A_2124 = arith.constant 7 : i32
    %get3A_2125 = arith.index_cast %get3A_2124 : i32 to index
    %get3A_2126 = arith.constant 352 : index
    %get3A_2127 = tpu.vector_load %arg5[%get3A_2125, %get3A_2126] {strides = array<i32>} : memref<8x384xi32, #tpu.memory_space<vmem>>, vector<1x16xi32>,
    %get3A_2128 = vector.shape_cast %get3A_2127 : vector<1x16xi32> to vector<16xi32>
    %mul3A_2129 = arith.constant 10000 : i32
    %mul3A_2130 = vector.broadcast %mul3A_2129 : i32 to vector<16xi32>
    %mul3A_2131 = arith.muli %get3A_2118, %mul3A_2130 : vector<16xi32>
    %mul3A_2132 = arith.constant 100 : i32
    %mul3A_2133 = vector.broadcast %mul3A_2132 : i32 to vector<16xi32>
    %mul3A_2134 = arith.muli %get3A_2123, %mul3A_2133 : vector<16xi32>
    %add3A_2135 = arith.addi %mul3A_2131, %mul3A_2134 : vector<16xi32>
    %add3A_2136 = arith.addi %add3A_2135, %get3A_2128 : vector<16xi32>
    %swap3A_2137 = arith.constant 7 : i32
    %swap3A_2138 = arith.index_cast %swap3A_2137 : i32 to index
    %swap3A_2139 = arith.constant 96 : index
    %swap3A_2140 = tpu.vector_load %arg6[%swap3A_2138, %swap3A_2139] {strides = array<i32>} : memref<8x128xi32, #tpu.memory_space<vmem>>, vector<1x16xi32>,
    %swap3A_2141 = vector.shape_cast %swap3A_2140 : vector<1x16xi32> to vector<16xi32>
    %swap3A_2142 = vector.shape_cast %add3A_2136 : vector<16xi32> to vector<1x16xi32>
    tpu.vector_store %arg6[%swap3A_2138, %swap3A_2139], %swap3A_2142 {strides = array<i32>} : memref<8x128xi32, #tpu.memory_space<vmem>>, vector<1x16xi32>,
    %get3A_2143 = arith.constant 7 : i32
    %get3A_2144 = arith.index_cast %get3A_2143 : i32 to index
    %get3A_2145 = arith.constant 112 : index
    %get3A_2146 = tpu.vector_load %arg5[%get3A_2144, %get3A_2145] {strides = array<i32>} : memref<8x384xi32, #tpu.memory_space<vmem>>, vector<1x16xi32>,
    %get3A_2147 = vector.shape_cast %get3A_2146 : vector<1x16xi32> to vector<16xi32>
    %get3A_2148 = arith.constant 7 : i32
    %get3A_2149 = arith.index_cast %get3A_2148 : i32 to index
    %get3A_2150 = arith.constant 240 : index
    %get3A_2151 = tpu.vector_load %arg5[%get3A_2149, %get3A_2150] {strides = array<i32>} : memref<8x384xi32, #tpu.memory_space<vmem>>, vector<1x16xi32>,
    %get3A_2152 = vector.shape_cast %get3A_2151 : vector<1x16xi32> to vector<16xi32>
    %get3A_2153 = arith.constant 7 : i32
    %get3A_2154 = arith.index_cast %get3A_2153 : i32 to index
    %get3A_2155 = arith.constant 368 : index
    %get3A_2156 = tpu.vector_load %arg5[%get3A_2154, %get3A_2155] {strides = array<i32>} : memref<8x384xi32, #tpu.memory_space<vmem>>, vector<1x16xi32>,
    %get3A_2157 = vector.shape_cast %get3A_2156 : vector<1x16xi32> to vector<16xi32>
    %mul3A_2158 = arith.constant 10000 : i32
    %mul3A_2159 = vector.broadcast %mul3A_2158 : i32 to vector<16xi32>
    %mul3A_2160 = arith.muli %get3A_2147, %mul3A_2159 : vector<16xi32>
    %mul3A_2161 = arith.constant 100 : i32
    %mul3A_2162 = vector.broadcast %mul3A_2161 : i32 to vector<16xi32>
    %mul3A_2163 = arith.muli %get3A_2152, %mul3A_2162 : vector<16xi32>
    %add3A_2164 = arith.addi %mul3A_2160, %mul3A_2163 : vector<16xi32>
    %add3A_2165 = arith.addi %add3A_2164, %get3A_2157 : vector<16xi32>
    %swap3A_2166 = arith.constant 7 : i32
    %swap3A_2167 = arith.index_cast %swap3A_2166 : i32 to index
    %swap3A_2168 = arith.constant 112 : index
    %swap3A_2169 = tpu.vector_load %arg6[%swap3A_2167, %swap3A_2168] {strides = array<i32>} : memref<8x128xi32, #tpu.memory_space<vmem>>, vector<1x16xi32>,
    %swap3A_2170 = vector.shape_cast %swap3A_2169 : vector<1x16xi32> to vector<16xi32>
    %swap3A_2171 = vector.shape_cast %add3A_2165 : vector<16xi32> to vector<1x16xi32>
    tpu.vector_store %arg6[%swap3A_2167, %swap3A_2168], %swap3A_2171 {strides = array<i32>} : memref<8x128xi32, #tpu.memory_space<vmem>>, vector<1x16xi32>,
    %dma_start3A_2172 = arith.constant 7 : i32
    %dma_start3A_2173 = arith.constant 7 : i32
    %dma_start3A_2174 = arith.constant 896 : i32
    %dma_start3A_2175 = tpu.memref_slice %arg7[%dma_start3A_2174] : memref<1024xf32, #tpu.memory_space<vmem>> -> memref<128xf32, #tpu.memory_space<vmem>>
    %dma_start3A_2176 = arith.constant 0 : i32
    %dma_start3A_2177 = tpu.memref_slice %arg6[%dma_start3A_2172, %dma_start3A_2176] : memref<8x128xi32, #tpu.memory_space<vmem>> -> memref<1x128xi32, #tpu.memory_space<vmem>>
    %dma_start3A_2178 = tpu.memref_squeeze %dma_start3A_2177 : memref<1x128xi32, #tpu.memory_space<vmem>> -> memref<128xi32, #tpu.memory_space<vmem>>
    %dma_start3A_2179 = arith.constant 0 : i32
    %dma_start3A_2180 = tpu.memref_slice %arg3[%dma_start3A_2179] : memref<1000000xf32, #tpu.memory_space<hbm>> -> memref<1000000xf32, #tpu.memory_space<hbm>>
    %dma_start3A_2181 = tpu.memref_slice %arg9[%dma_start3A_2173] : memref<8x!tpu.dma_semaphore, #tpu.memory_space<semaphore_mem>> -> memref<1x!tpu.dma_semaphore, #tpu.memory_space<semaphore_mem>>
    %dma_start3A_2182 = tpu.memref_squeeze %dma_start3A_2181 : memref<1x!tpu.dma_semaphore, #tpu.memory_space<semaphore_mem>> -> memref<!tpu.dma_semaphore, #tpu.memory_space<semaphore_mem>>
    tpu.enqueue_indirect_dma source(%dma_start3A_2180 : memref<1000000xf32, #tpu.memory_space<hbm>>) target(%dma_start3A_2175 : memref<128xf32, #tpu.memory_space<vmem>>) offsets(%dma_start3A_2178 : memref<128xi32, #tpu.memory_space<vmem>>) semaphore(%dma_start3A_2182 : memref<!tpu.dma_semaphore, #tpu.memory_space<semaphore_mem>>)
    %dma_wait3A_2183 = arith.constant 0 : i32
    %dma_wait3A_2184 = arith.constant 0 : i32
    %dma_wait3A_2185 = arith.constant 0 : i32
    %dma_wait3A_2186 = tpu.memref_slice %arg7[%dma_wait3A_2185] : memref<1024xf32, #tpu.memory_space<vmem>> -> memref<128xf32, #tpu.memory_space<vmem>>
    %dma_wait3A_2187 = arith.constant 0 : i32
    %dma_wait3A_2188 = tpu.memref_slice %arg6[%dma_wait3A_2183, %dma_wait3A_2187] : memref<8x128xi32, #tpu.memory_space<vmem>> -> memref<1x128xi32, #tpu.memory_space<vmem>>
    %dma_wait3A_2189 = tpu.memref_squeeze %dma_wait3A_2188 : memref<1x128xi32, #tpu.memory_space<vmem>> -> memref<128xi32, #tpu.memory_space<vmem>>
    %dma_wait3A_2190 = arith.constant 0 : i32
    %dma_wait3A_2191 = tpu.memref_slice %arg3[%dma_wait3A_2190] : memref<1000000xf32, #tpu.memory_space<hbm>> -> memref<1000000xf32, #tpu.memory_space<hbm>>
    %dma_wait3A_2192 = tpu.memref_slice %arg9[%dma_wait3A_2184] : memref<8x!tpu.dma_semaphore, #tpu.memory_space<semaphore_mem>> -> memref<1x!tpu.dma_semaphore, #tpu.memory_space<semaphore_mem>>
    %dma_wait3A_2193 = tpu.memref_squeeze %dma_wait3A_2192 : memref<1x!tpu.dma_semaphore, #tpu.memory_space<semaphore_mem>> -> memref<!tpu.dma_semaphore, #tpu.memory_space<semaphore_mem>>
    tpu.wait_indirect_dma semaphore(%dma_wait3A_2193 : memref<!tpu.dma_semaphore, #tpu.memory_space<semaphore_mem>>) src(%dma_wait3A_2191 : memref<1000000xf32, #tpu.memory_space<hbm>>) dst(%dma_wait3A_2186 : memref<128xf32, #tpu.memory_space<vmem>>)
    %add3A_2194 = arith.constant 0 : i32
    %add3A_2195 = arith.addi %mul3A_2, %add3A_2194 : i32
    %dma_start3A_2196 = arith.constant 0 : i32
    %dma_start3A_2197 = tpu.memref_slice %arg7[%dma_start3A_2196] : memref<1024xf32, #tpu.memory_space<vmem>> -> memref<128xf32, #tpu.memory_space<vmem>>
    %dma_start3A_2198 = tpu.memref_slice %arg4[%add3A_2195] : memref<16384xf32, #tpu.memory_space<hbm>> -> memref<128xf32, #tpu.memory_space<hbm>>
    %dma_start3A_2199 = tpu.memref_slice %arg4[%add3A_2195] : memref<16384xf32, #tpu.memory_space<hbm>> -> memref<128xf32, #tpu.memory_space<hbm>>
    %dma_start3A_2200 = arith.constant 0 : i32
    %dma_start3A_2201 = tpu.memref_slice %arg7[%dma_start3A_2200] : memref<1024xf32, #tpu.memory_space<vmem>> -> memref<128xf32, #tpu.memory_space<vmem>>
    tpu.enqueue_dma source(%dma_start3A_2201 : memref<128xf32, #tpu.memory_space<vmem>>) target(%dma_start3A_2199 : memref<128xf32, #tpu.memory_space<hbm>>) target_semaphore(%arg10 : memref<!tpu.dma_semaphore, #tpu.memory_space<semaphore_mem>>)
    %dma_wait3A_2202 = arith.constant 1 : i32
    %dma_wait3A_2203 = arith.constant 1 : i32
    %dma_wait3A_2204 = arith.constant 128 : i32
    %dma_wait3A_2205 = tpu.memref_slice %arg7[%dma_wait3A_2204] : memref<1024xf32, #tpu.memory_space<vmem>> -> memref<128xf32, #tpu.memory_space<vmem>>
    %dma_wait3A_2206 = arith.constant 0 : i32
    %dma_wait3A_2207 = tpu.memref_slice %arg6[%dma_wait3A_2202, %dma_wait3A_2206] : memref<8x128xi32, #tpu.memory_space<vmem>> -> memref<1x128xi32, #tpu.memory_space<vmem>>
    %dma_wait3A_2208 = tpu.memref_squeeze %dma_wait3A_2207 : memref<1x128xi32, #tpu.memory_space<vmem>> -> memref<128xi32, #tpu.memory_space<vmem>>
    %dma_wait3A_2209 = arith.constant 0 : i32
    %dma_wait3A_2210 = tpu.memref_slice %arg3[%dma_wait3A_2209] : memref<1000000xf32, #tpu.memory_space<hbm>> -> memref<1000000xf32, #tpu.memory_space<hbm>>
    %dma_wait3A_2211 = tpu.memref_slice %arg9[%dma_wait3A_2203] : memref<8x!tpu.dma_semaphore, #tpu.memory_space<semaphore_mem>> -> memref<1x!tpu.dma_semaphore, #tpu.memory_space<semaphore_mem>>
    %dma_wait3A_2212 = tpu.memref_squeeze %dma_wait3A_2211 : memref<1x!tpu.dma_semaphore, #tpu.memory_space<semaphore_mem>> -> memref<!tpu.dma_semaphore, #tpu.memory_space<semaphore_mem>>
    tpu.wait_indirect_dma semaphore(%dma_wait3A_2212 : memref<!tpu.dma_semaphore, #tpu.memory_space<semaphore_mem>>) src(%dma_wait3A_2210 : memref<1000000xf32, #tpu.memory_space<hbm>>) dst(%dma_wait3A_2205 : memref<128xf32, #tpu.memory_space<vmem>>)
    %add3A_2213 = arith.constant 128 : i32
    %add3A_2214 = arith.addi %mul3A_2, %add3A_2213 : i32
    %dma_start3A_2215 = arith.constant 128 : i32
    %dma_start3A_2216 = tpu.memref_slice %arg7[%dma_start3A_2215] : memref<1024xf32, #tpu.memory_space<vmem>> -> memref<128xf32, #tpu.memory_space<vmem>>
    %dma_start3A_2217 = tpu.memref_slice %arg4[%add3A_2214] : memref<16384xf32, #tpu.memory_space<hbm>> -> memref<128xf32, #tpu.memory_space<hbm>>
    %dma_start3A_2218 = tpu.memref_slice %arg4[%add3A_2214] : memref<16384xf32, #tpu.memory_space<hbm>> -> memref<128xf32, #tpu.memory_space<hbm>>
    %dma_start3A_2219 = arith.constant 128 : i32
    %dma_start3A_2220 = tpu.memref_slice %arg7[%dma_start3A_2219] : memref<1024xf32, #tpu.memory_space<vmem>> -> memref<128xf32, #tpu.memory_space<vmem>>
    tpu.enqueue_dma source(%dma_start3A_2220 : memref<128xf32, #tpu.memory_space<vmem>>) target(%dma_start3A_2218 : memref<128xf32, #tpu.memory_space<hbm>>) target_semaphore(%arg10 : memref<!tpu.dma_semaphore, #tpu.memory_space<semaphore_mem>>)
    %dma_wait3A_2221 = arith.constant 2 : i32
    %dma_wait3A_2222 = arith.constant 2 : i32
    %dma_wait3A_2223 = arith.constant 256 : i32
    %dma_wait3A_2224 = tpu.memref_slice %arg7[%dma_wait3A_2223] : memref<1024xf32, #tpu.memory_space<vmem>> -> memref<128xf32, #tpu.memory_space<vmem>>
    %dma_wait3A_2225 = arith.constant 0 : i32
    %dma_wait3A_2226 = tpu.memref_slice %arg6[%dma_wait3A_2221, %dma_wait3A_2225] : memref<8x128xi32, #tpu.memory_space<vmem>> -> memref<1x128xi32, #tpu.memory_space<vmem>>
    %dma_wait3A_2227 = tpu.memref_squeeze %dma_wait3A_2226 : memref<1x128xi32, #tpu.memory_space<vmem>> -> memref<128xi32, #tpu.memory_space<vmem>>
    %dma_wait3A_2228 = arith.constant 0 : i32
    %dma_wait3A_2229 = tpu.memref_slice %arg3[%dma_wait3A_2228] : memref<1000000xf32, #tpu.memory_space<hbm>> -> memref<1000000xf32, #tpu.memory_space<hbm>>
    %dma_wait3A_2230 = tpu.memref_slice %arg9[%dma_wait3A_2222] : memref<8x!tpu.dma_semaphore, #tpu.memory_space<semaphore_mem>> -> memref<1x!tpu.dma_semaphore, #tpu.memory_space<semaphore_mem>>
    %dma_wait3A_2231 = tpu.memref_squeeze %dma_wait3A_2230 : memref<1x!tpu.dma_semaphore, #tpu.memory_space<semaphore_mem>> -> memref<!tpu.dma_semaphore, #tpu.memory_space<semaphore_mem>>
    tpu.wait_indirect_dma semaphore(%dma_wait3A_2231 : memref<!tpu.dma_semaphore, #tpu.memory_space<semaphore_mem>>) src(%dma_wait3A_2229 : memref<1000000xf32, #tpu.memory_space<hbm>>) dst(%dma_wait3A_2224 : memref<128xf32, #tpu.memory_space<vmem>>)
    %add3A_2232 = arith.constant 256 : i32
    %add3A_2233 = arith.addi %mul3A_2, %add3A_2232 : i32
    %dma_start3A_2234 = arith.constant 256 : i32
    %dma_start3A_2235 = tpu.memref_slice %arg7[%dma_start3A_2234] : memref<1024xf32, #tpu.memory_space<vmem>> -> memref<128xf32, #tpu.memory_space<vmem>>
    %dma_start3A_2236 = tpu.memref_slice %arg4[%add3A_2233] : memref<16384xf32, #tpu.memory_space<hbm>> -> memref<128xf32, #tpu.memory_space<hbm>>
    %dma_start3A_2237 = tpu.memref_slice %arg4[%add3A_2233] : memref<16384xf32, #tpu.memory_space<hbm>> -> memref<128xf32, #tpu.memory_space<hbm>>
    %dma_start3A_2238 = arith.constant 256 : i32
    %dma_start3A_2239 = tpu.memref_slice %arg7[%dma_start3A_2238] : memref<1024xf32, #tpu.memory_space<vmem>> -> memref<128xf32, #tpu.memory_space<vmem>>
    tpu.enqueue_dma source(%dma_start3A_2239 : memref<128xf32, #tpu.memory_space<vmem>>) target(%dma_start3A_2237 : memref<128xf32, #tpu.memory_space<hbm>>) target_semaphore(%arg10 : memref<!tpu.dma_semaphore, #tpu.memory_space<semaphore_mem>>)
    %dma_wait3A_2240 = arith.constant 3 : i32
    %dma_wait3A_2241 = arith.constant 3 : i32
    %dma_wait3A_2242 = arith.constant 384 : i32
    %dma_wait3A_2243 = tpu.memref_slice %arg7[%dma_wait3A_2242] : memref<1024xf32, #tpu.memory_space<vmem>> -> memref<128xf32, #tpu.memory_space<vmem>>
    %dma_wait3A_2244 = arith.constant 0 : i32
    %dma_wait3A_2245 = tpu.memref_slice %arg6[%dma_wait3A_2240, %dma_wait3A_2244] : memref<8x128xi32, #tpu.memory_space<vmem>> -> memref<1x128xi32, #tpu.memory_space<vmem>>
    %dma_wait3A_2246 = tpu.memref_squeeze %dma_wait3A_2245 : memref<1x128xi32, #tpu.memory_space<vmem>> -> memref<128xi32, #tpu.memory_space<vmem>>
    %dma_wait3A_2247 = arith.constant 0 : i32
    %dma_wait3A_2248 = tpu.memref_slice %arg3[%dma_wait3A_2247] : memref<1000000xf32, #tpu.memory_space<hbm>> -> memref<1000000xf32, #tpu.memory_space<hbm>>
    %dma_wait3A_2249 = tpu.memref_slice %arg9[%dma_wait3A_2241] : memref<8x!tpu.dma_semaphore, #tpu.memory_space<semaphore_mem>> -> memref<1x!tpu.dma_semaphore, #tpu.memory_space<semaphore_mem>>
    %dma_wait3A_2250 = tpu.memref_squeeze %dma_wait3A_2249 : memref<1x!tpu.dma_semaphore, #tpu.memory_space<semaphore_mem>> -> memref<!tpu.dma_semaphore, #tpu.memory_space<semaphore_mem>>
    tpu.wait_indirect_dma semaphore(%dma_wait3A_2250 : memref<!tpu.dma_semaphore, #tpu.memory_space<semaphore_mem>>) src(%dma_wait3A_2248 : memref<1000000xf32, #tpu.memory_space<hbm>>) dst(%dma_wait3A_2243 : memref<128xf32, #tpu.memory_space<vmem>>)
    %add3A_2251 = arith.constant 384 : i32
    %add3A_2252 = arith.addi %mul3A_2, %add3A_2251 : i32
    %dma_start3A_2253 = arith.constant 384 : i32
    %dma_start3A_2254 = tpu.memref_slice %arg7[%dma_start3A_2253] : memref<1024xf32, #tpu.memory_space<vmem>> -> memref<128xf32, #tpu.memory_space<vmem>>
    %dma_start3A_2255 = tpu.memref_slice %arg4[%add3A_2252] : memref<16384xf32, #tpu.memory_space<hbm>> -> memref<128xf32, #tpu.memory_space<hbm>>
    %dma_start3A_2256 = tpu.memref_slice %arg4[%add3A_2252] : memref<16384xf32, #tpu.memory_space<hbm>> -> memref<128xf32, #tpu.memory_space<hbm>>
    %dma_start3A_2257 = arith.constant 384 : i32
    %dma_start3A_2258 = tpu.memref_slice %arg7[%dma_start3A_2257] : memref<1024xf32, #tpu.memory_space<vmem>> -> memref<128xf32, #tpu.memory_space<vmem>>
    tpu.enqueue_dma source(%dma_start3A_2258 : memref<128xf32, #tpu.memory_space<vmem>>) target(%dma_start3A_2256 : memref<128xf32, #tpu.memory_space<hbm>>) target_semaphore(%arg10 : memref<!tpu.dma_semaphore, #tpu.memory_space<semaphore_mem>>)
    %dma_wait3A_2259 = arith.constant 4 : i32
    %dma_wait3A_2260 = arith.constant 4 : i32
    %dma_wait3A_2261 = arith.constant 512 : i32
    %dma_wait3A_2262 = tpu.memref_slice %arg7[%dma_wait3A_2261] : memref<1024xf32, #tpu.memory_space<vmem>> -> memref<128xf32, #tpu.memory_space<vmem>>
    %dma_wait3A_2263 = arith.constant 0 : i32
    %dma_wait3A_2264 = tpu.memref_slice %arg6[%dma_wait3A_2259, %dma_wait3A_2263] : memref<8x128xi32, #tpu.memory_space<vmem>> -> memref<1x128xi32, #tpu.memory_space<vmem>>
    %dma_wait3A_2265 = tpu.memref_squeeze %dma_wait3A_2264 : memref<1x128xi32, #tpu.memory_space<vmem>> -> memref<128xi32, #tpu.memory_space<vmem>>
    %dma_wait3A_2266 = arith.constant 0 : i32
    %dma_wait3A_2267 = tpu.memref_slice %arg3[%dma_wait3A_2266] : memref<1000000xf32, #tpu.memory_space<hbm>> -> memref<1000000xf32, #tpu.memory_space<hbm>>
    %dma_wait3A_2268 = tpu.memref_slice %arg9[%dma_wait3A_2260] : memref<8x!tpu.dma_semaphore, #tpu.memory_space<semaphore_mem>> -> memref<1x!tpu.dma_semaphore, #tpu.memory_space<semaphore_mem>>
    %dma_wait3A_2269 = tpu.memref_squeeze %dma_wait3A_2268 : memref<1x!tpu.dma_semaphore, #tpu.memory_space<semaphore_mem>> -> memref<!tpu.dma_semaphore, #tpu.memory_space<semaphore_mem>>
    tpu.wait_indirect_dma semaphore(%dma_wait3A_2269 : memref<!tpu.dma_semaphore, #tpu.memory_space<semaphore_mem>>) src(%dma_wait3A_2267 : memref<1000000xf32, #tpu.memory_space<hbm>>) dst(%dma_wait3A_2262 : memref<128xf32, #tpu.memory_space<vmem>>)
    %add3A_2270 = arith.constant 512 : i32
    %add3A_2271 = arith.addi %mul3A_2, %add3A_2270 : i32
    %dma_start3A_2272 = arith.constant 512 : i32
    %dma_start3A_2273 = tpu.memref_slice %arg7[%dma_start3A_2272] : memref<1024xf32, #tpu.memory_space<vmem>> -> memref<128xf32, #tpu.memory_space<vmem>>
    %dma_start3A_2274 = tpu.memref_slice %arg4[%add3A_2271] : memref<16384xf32, #tpu.memory_space<hbm>> -> memref<128xf32, #tpu.memory_space<hbm>>
    %dma_start3A_2275 = tpu.memref_slice %arg4[%add3A_2271] : memref<16384xf32, #tpu.memory_space<hbm>> -> memref<128xf32, #tpu.memory_space<hbm>>
    %dma_start3A_2276 = arith.constant 512 : i32
    %dma_start3A_2277 = tpu.memref_slice %arg7[%dma_start3A_2276] : memref<1024xf32, #tpu.memory_space<vmem>> -> memref<128xf32, #tpu.memory_space<vmem>>
    tpu.enqueue_dma source(%dma_start3A_2277 : memref<128xf32, #tpu.memory_space<vmem>>) target(%dma_start3A_2275 : memref<128xf32, #tpu.memory_space<hbm>>) target_semaphore(%arg10 : memref<!tpu.dma_semaphore, #tpu.memory_space<semaphore_mem>>)
    %dma_wait3A_2278 = arith.constant 5 : i32
    %dma_wait3A_2279 = arith.constant 5 : i32
    %dma_wait3A_2280 = arith.constant 640 : i32
    %dma_wait3A_2281 = tpu.memref_slice %arg7[%dma_wait3A_2280] : memref<1024xf32, #tpu.memory_space<vmem>> -> memref<128xf32, #tpu.memory_space<vmem>>
    %dma_wait3A_2282 = arith.constant 0 : i32
    %dma_wait3A_2283 = tpu.memref_slice %arg6[%dma_wait3A_2278, %dma_wait3A_2282] : memref<8x128xi32, #tpu.memory_space<vmem>> -> memref<1x128xi32, #tpu.memory_space<vmem>>
    %dma_wait3A_2284 = tpu.memref_squeeze %dma_wait3A_2283 : memref<1x128xi32, #tpu.memory_space<vmem>> -> memref<128xi32, #tpu.memory_space<vmem>>
    %dma_wait3A_2285 = arith.constant 0 : i32
    %dma_wait3A_2286 = tpu.memref_slice %arg3[%dma_wait3A_2285] : memref<1000000xf32, #tpu.memory_space<hbm>> -> memref<1000000xf32, #tpu.memory_space<hbm>>
    %dma_wait3A_2287 = tpu.memref_slice %arg9[%dma_wait3A_2279] : memref<8x!tpu.dma_semaphore, #tpu.memory_space<semaphore_mem>> -> memref<1x!tpu.dma_semaphore, #tpu.memory_space<semaphore_mem>>
    %dma_wait3A_2288 = tpu.memref_squeeze %dma_wait3A_2287 : memref<1x!tpu.dma_semaphore, #tpu.memory_space<semaphore_mem>> -> memref<!tpu.dma_semaphore, #tpu.memory_space<semaphore_mem>>
    tpu.wait_indirect_dma semaphore(%dma_wait3A_2288 : memref<!tpu.dma_semaphore, #tpu.memory_space<semaphore_mem>>) src(%dma_wait3A_2286 : memref<1000000xf32, #tpu.memory_space<hbm>>) dst(%dma_wait3A_2281 : memref<128xf32, #tpu.memory_space<vmem>>)
    %add3A_2289 = arith.constant 640 : i32
    %add3A_2290 = arith.addi %mul3A_2, %add3A_2289 : i32
    %dma_start3A_2291 = arith.constant 640 : i32
    %dma_start3A_2292 = tpu.memref_slice %arg7[%dma_start3A_2291] : memref<1024xf32, #tpu.memory_space<vmem>> -> memref<128xf32, #tpu.memory_space<vmem>>
    %dma_start3A_2293 = tpu.memref_slice %arg4[%add3A_2290] : memref<16384xf32, #tpu.memory_space<hbm>> -> memref<128xf32, #tpu.memory_space<hbm>>
    %dma_start3A_2294 = tpu.memref_slice %arg4[%add3A_2290] : memref<16384xf32, #tpu.memory_space<hbm>> -> memref<128xf32, #tpu.memory_space<hbm>>
    %dma_start3A_2295 = arith.constant 640 : i32
    %dma_start3A_2296 = tpu.memref_slice %arg7[%dma_start3A_2295] : memref<1024xf32, #tpu.memory_space<vmem>> -> memref<128xf32, #tpu.memory_space<vmem>>
    tpu.enqueue_dma source(%dma_start3A_2296 : memref<128xf32, #tpu.memory_space<vmem>>) target(%dma_start3A_2294 : memref<128xf32, #tpu.memory_space<hbm>>) target_semaphore(%arg10 : memref<!tpu.dma_semaphore, #tpu.memory_space<semaphore_mem>>)
    %dma_wait3A_2297 = arith.constant 6 : i32
    %dma_wait3A_2298 = arith.constant 6 : i32
    %dma_wait3A_2299 = arith.constant 768 : i32
    %dma_wait3A_2300 = tpu.memref_slice %arg7[%dma_wait3A_2299] : memref<1024xf32, #tpu.memory_space<vmem>> -> memref<128xf32, #tpu.memory_space<vmem>>
    %dma_wait3A_2301 = arith.constant 0 : i32
    %dma_wait3A_2302 = tpu.memref_slice %arg6[%dma_wait3A_2297, %dma_wait3A_2301] : memref<8x128xi32, #tpu.memory_space<vmem>> -> memref<1x128xi32, #tpu.memory_space<vmem>>
    %dma_wait3A_2303 = tpu.memref_squeeze %dma_wait3A_2302 : memref<1x128xi32, #tpu.memory_space<vmem>> -> memref<128xi32, #tpu.memory_space<vmem>>
    %dma_wait3A_2304 = arith.constant 0 : i32
    %dma_wait3A_2305 = tpu.memref_slice %arg3[%dma_wait3A_2304] : memref<1000000xf32, #tpu.memory_space<hbm>> -> memref<1000000xf32, #tpu.memory_space<hbm>>
    %dma_wait3A_2306 = tpu.memref_slice %arg9[%dma_wait3A_2298] : memref<8x!tpu.dma_semaphore, #tpu.memory_space<semaphore_mem>> -> memref<1x!tpu.dma_semaphore, #tpu.memory_space<semaphore_mem>>
    %dma_wait3A_2307 = tpu.memref_squeeze %dma_wait3A_2306 : memref<1x!tpu.dma_semaphore, #tpu.memory_space<semaphore_mem>> -> memref<!tpu.dma_semaphore, #tpu.memory_space<semaphore_mem>>
    tpu.wait_indirect_dma semaphore(%dma_wait3A_2307 : memref<!tpu.dma_semaphore, #tpu.memory_space<semaphore_mem>>) src(%dma_wait3A_2305 : memref<1000000xf32, #tpu.memory_space<hbm>>) dst(%dma_wait3A_2300 : memref<128xf32, #tpu.memory_space<vmem>>)
    %add3A_2308 = arith.constant 768 : i32
    %add3A_2309 = arith.addi %mul3A_2, %add3A_2308 : i32
    %dma_start3A_2310 = arith.constant 768 : i32
    %dma_start3A_2311 = tpu.memref_slice %arg7[%dma_start3A_2310] : memref<1024xf32, #tpu.memory_space<vmem>> -> memref<128xf32, #tpu.memory_space<vmem>>
    %dma_start3A_2312 = tpu.memref_slice %arg4[%add3A_2309] : memref<16384xf32, #tpu.memory_space<hbm>> -> memref<128xf32, #tpu.memory_space<hbm>>
    %dma_start3A_2313 = tpu.memref_slice %arg4[%add3A_2309] : memref<16384xf32, #tpu.memory_space<hbm>> -> memref<128xf32, #tpu.memory_space<hbm>>
    %dma_start3A_2314 = arith.constant 768 : i32
    %dma_start3A_2315 = tpu.memref_slice %arg7[%dma_start3A_2314] : memref<1024xf32, #tpu.memory_space<vmem>> -> memref<128xf32, #tpu.memory_space<vmem>>
    tpu.enqueue_dma source(%dma_start3A_2315 : memref<128xf32, #tpu.memory_space<vmem>>) target(%dma_start3A_2313 : memref<128xf32, #tpu.memory_space<hbm>>) target_semaphore(%arg10 : memref<!tpu.dma_semaphore, #tpu.memory_space<semaphore_mem>>)
    %dma_wait3A_2316 = arith.constant 7 : i32
    %dma_wait3A_2317 = arith.constant 7 : i32
    %dma_wait3A_2318 = arith.constant 896 : i32
    %dma_wait3A_2319 = tpu.memref_slice %arg7[%dma_wait3A_2318] : memref<1024xf32, #tpu.memory_space<vmem>> -> memref<128xf32, #tpu.memory_space<vmem>>
    %dma_wait3A_2320 = arith.constant 0 : i32
    %dma_wait3A_2321 = tpu.memref_slice %arg6[%dma_wait3A_2316, %dma_wait3A_2320] : memref<8x128xi32, #tpu.memory_space<vmem>> -> memref<1x128xi32, #tpu.memory_space<vmem>>
    %dma_wait3A_2322 = tpu.memref_squeeze %dma_wait3A_2321 : memref<1x128xi32, #tpu.memory_space<vmem>> -> memref<128xi32, #tpu.memory_space<vmem>>
    %dma_wait3A_2323 = arith.constant 0 : i32
    %dma_wait3A_2324 = tpu.memref_slice %arg3[%dma_wait3A_2323] : memref<1000000xf32, #tpu.memory_space<hbm>> -> memref<1000000xf32, #tpu.memory_space<hbm>>
    %dma_wait3A_2325 = tpu.memref_slice %arg9[%dma_wait3A_2317] : memref<8x!tpu.dma_semaphore, #tpu.memory_space<semaphore_mem>> -> memref<1x!tpu.dma_semaphore, #tpu.memory_space<semaphore_mem>>
    %dma_wait3A_2326 = tpu.memref_squeeze %dma_wait3A_2325 : memref<1x!tpu.dma_semaphore, #tpu.memory_space<semaphore_mem>> -> memref<!tpu.dma_semaphore, #tpu.memory_space<semaphore_mem>>
    tpu.wait_indirect_dma semaphore(%dma_wait3A_2326 : memref<!tpu.dma_semaphore, #tpu.memory_space<semaphore_mem>>) src(%dma_wait3A_2324 : memref<1000000xf32, #tpu.memory_space<hbm>>) dst(%dma_wait3A_2319 : memref<128xf32, #tpu.memory_space<vmem>>)
    %add3A_2327 = arith.constant 896 : i32
    %add3A_2328 = arith.addi %mul3A_2, %add3A_2327 : i32
    %dma_start3A_2329 = arith.constant 896 : i32
    %dma_start3A_2330 = tpu.memref_slice %arg7[%dma_start3A_2329] : memref<1024xf32, #tpu.memory_space<vmem>> -> memref<128xf32, #tpu.memory_space<vmem>>
    %dma_start3A_2331 = tpu.memref_slice %arg4[%add3A_2328] : memref<16384xf32, #tpu.memory_space<hbm>> -> memref<128xf32, #tpu.memory_space<hbm>>
    %dma_start3A_2332 = tpu.memref_slice %arg4[%add3A_2328] : memref<16384xf32, #tpu.memory_space<hbm>> -> memref<128xf32, #tpu.memory_space<hbm>>
    %dma_start3A_2333 = arith.constant 896 : i32
    %dma_start3A_2334 = tpu.memref_slice %arg7[%dma_start3A_2333] : memref<1024xf32, #tpu.memory_space<vmem>> -> memref<128xf32, #tpu.memory_space<vmem>>
    tpu.enqueue_dma source(%dma_start3A_2334 : memref<128xf32, #tpu.memory_space<vmem>>) target(%dma_start3A_2332 : memref<128xf32, #tpu.memory_space<hbm>>) target_semaphore(%arg10 : memref<!tpu.dma_semaphore, #tpu.memory_space<semaphore_mem>>)
    %dma_wait3A_2335 = arith.constant 0 : i32
    %dma_wait3A_2336 = tpu.memref_slice %arg7[%dma_wait3A_2335] : memref<1024xf32, #tpu.memory_space<vmem>> -> memref<128xf32, #tpu.memory_space<vmem>>
    %dma_wait3A_2337 = tpu.memref_slice %arg4[%add3A_2195] : memref<16384xf32, #tpu.memory_space<hbm>> -> memref<128xf32, #tpu.memory_space<hbm>>
    %dma_wait3A_2338 = tpu.memref_slice %arg4[%add3A_2195] : memref<16384xf32, #tpu.memory_space<hbm>> -> memref<128xf32, #tpu.memory_space<hbm>>
    %dma_wait3A_2339 = arith.constant 0 : i32
    %dma_wait3A_2340 = tpu.memref_slice %arg7[%dma_wait3A_2339] : memref<1024xf32, #tpu.memory_space<vmem>> -> memref<128xf32, #tpu.memory_space<vmem>>
    tpu.wait_dma2 semaphore(%arg10 : memref<!tpu.dma_semaphore, #tpu.memory_space<semaphore_mem>>) src(%dma_wait3A_2340 : memref<128xf32, #tpu.memory_space<vmem>>) dst(%dma_wait3A_2338 : memref<128xf32, #tpu.memory_space<hbm>>)
    %dma_wait3A_2341 = arith.constant 128 : i32
    %dma_wait3A_2342 = tpu.memref_slice %arg7[%dma_wait3A_2341] : memref<1024xf32, #tpu.memory_space<vmem>> -> memref<128xf32, #tpu.memory_space<vmem>>
    %dma_wait3A_2343 = tpu.memref_slice %arg4[%add3A_2214] : memref<16384xf32, #tpu.memory_space<hbm>> -> memref<128xf32, #tpu.memory_space<hbm>>
    %dma_wait3A_2344 = tpu.memref_slice %arg4[%add3A_2214] : memref<16384xf32, #tpu.memory_space<hbm>> -> memref<128xf32, #tpu.memory_space<hbm>>
    %dma_wait3A_2345 = arith.constant 128 : i32
    %dma_wait3A_2346 = tpu.memref_slice %arg7[%dma_wait3A_2345] : memref<1024xf32, #tpu.memory_space<vmem>> -> memref<128xf32, #tpu.memory_space<vmem>>
    tpu.wait_dma2 semaphore(%arg10 : memref<!tpu.dma_semaphore, #tpu.memory_space<semaphore_mem>>) src(%dma_wait3A_2346 : memref<128xf32, #tpu.memory_space<vmem>>) dst(%dma_wait3A_2344 : memref<128xf32, #tpu.memory_space<hbm>>)
    %dma_wait3A_2347 = arith.constant 256 : i32
    %dma_wait3A_2348 = tpu.memref_slice %arg7[%dma_wait3A_2347] : memref<1024xf32, #tpu.memory_space<vmem>> -> memref<128xf32, #tpu.memory_space<vmem>>
    %dma_wait3A_2349 = tpu.memref_slice %arg4[%add3A_2233] : memref<16384xf32, #tpu.memory_space<hbm>> -> memref<128xf32, #tpu.memory_space<hbm>>
    %dma_wait3A_2350 = tpu.memref_slice %arg4[%add3A_2233] : memref<16384xf32, #tpu.memory_space<hbm>> -> memref<128xf32, #tpu.memory_space<hbm>>
    %dma_wait3A_2351 = arith.constant 256 : i32
    %dma_wait3A_2352 = tpu.memref_slice %arg7[%dma_wait3A_2351] : memref<1024xf32, #tpu.memory_space<vmem>> -> memref<128xf32, #tpu.memory_space<vmem>>
    tpu.wait_dma2 semaphore(%arg10 : memref<!tpu.dma_semaphore, #tpu.memory_space<semaphore_mem>>) src(%dma_wait3A_2352 : memref<128xf32, #tpu.memory_space<vmem>>) dst(%dma_wait3A_2350 : memref<128xf32, #tpu.memory_space<hbm>>)
    %dma_wait3A_2353 = arith.constant 384 : i32
    %dma_wait3A_2354 = tpu.memref_slice %arg7[%dma_wait3A_2353] : memref<1024xf32, #tpu.memory_space<vmem>> -> memref<128xf32, #tpu.memory_space<vmem>>
    %dma_wait3A_2355 = tpu.memref_slice %arg4[%add3A_2252] : memref<16384xf32, #tpu.memory_space<hbm>> -> memref<128xf32, #tpu.memory_space<hbm>>
    %dma_wait3A_2356 = tpu.memref_slice %arg4[%add3A_2252] : memref<16384xf32, #tpu.memory_space<hbm>> -> memref<128xf32, #tpu.memory_space<hbm>>
    %dma_wait3A_2357 = arith.constant 384 : i32
    %dma_wait3A_2358 = tpu.memref_slice %arg7[%dma_wait3A_2357] : memref<1024xf32, #tpu.memory_space<vmem>> -> memref<128xf32, #tpu.memory_space<vmem>>
    tpu.wait_dma2 semaphore(%arg10 : memref<!tpu.dma_semaphore, #tpu.memory_space<semaphore_mem>>) src(%dma_wait3A_2358 : memref<128xf32, #tpu.memory_space<vmem>>) dst(%dma_wait3A_2356 : memref<128xf32, #tpu.memory_space<hbm>>)
    %dma_wait3A_2359 = arith.constant 512 : i32
    %dma_wait3A_2360 = tpu.memref_slice %arg7[%dma_wait3A_2359] : memref<1024xf32, #tpu.memory_space<vmem>> -> memref<128xf32, #tpu.memory_space<vmem>>
    %dma_wait3A_2361 = tpu.memref_slice %arg4[%add3A_2271] : memref<16384xf32, #tpu.memory_space<hbm>> -> memref<128xf32, #tpu.memory_space<hbm>>
    %dma_wait3A_2362 = tpu.memref_slice %arg4[%add3A_2271] : memref<16384xf32, #tpu.memory_space<hbm>> -> memref<128xf32, #tpu.memory_space<hbm>>
    %dma_wait3A_2363 = arith.constant 512 : i32
    %dma_wait3A_2364 = tpu.memref_slice %arg7[%dma_wait3A_2363] : memref<1024xf32, #tpu.memory_space<vmem>> -> memref<128xf32, #tpu.memory_space<vmem>>
    tpu.wait_dma2 semaphore(%arg10 : memref<!tpu.dma_semaphore, #tpu.memory_space<semaphore_mem>>) src(%dma_wait3A_2364 : memref<128xf32, #tpu.memory_space<vmem>>) dst(%dma_wait3A_2362 : memref<128xf32, #tpu.memory_space<hbm>>)
    %dma_wait3A_2365 = arith.constant 640 : i32
    %dma_wait3A_2366 = tpu.memref_slice %arg7[%dma_wait3A_2365] : memref<1024xf32, #tpu.memory_space<vmem>> -> memref<128xf32, #tpu.memory_space<vmem>>
    %dma_wait3A_2367 = tpu.memref_slice %arg4[%add3A_2290] : memref<16384xf32, #tpu.memory_space<hbm>> -> memref<128xf32, #tpu.memory_space<hbm>>
    %dma_wait3A_2368 = tpu.memref_slice %arg4[%add3A_2290] : memref<16384xf32, #tpu.memory_space<hbm>> -> memref<128xf32, #tpu.memory_space<hbm>>
    %dma_wait3A_2369 = arith.constant 640 : i32
    %dma_wait3A_2370 = tpu.memref_slice %arg7[%dma_wait3A_2369] : memref<1024xf32, #tpu.memory_space<vmem>> -> memref<128xf32, #tpu.memory_space<vmem>>
    tpu.wait_dma2 semaphore(%arg10 : memref<!tpu.dma_semaphore, #tpu.memory_space<semaphore_mem>>) src(%dma_wait3A_2370 : memref<128xf32, #tpu.memory_space<vmem>>) dst(%dma_wait3A_2368 : memref<128xf32, #tpu.memory_space<hbm>>)
    %dma_wait3A_2371 = arith.constant 768 : i32
    %dma_wait3A_2372 = tpu.memref_slice %arg7[%dma_wait3A_2371] : memref<1024xf32, #tpu.memory_space<vmem>> -> memref<128xf32, #tpu.memory_space<vmem>>
    %dma_wait3A_2373 = tpu.memref_slice %arg4[%add3A_2309] : memref<16384xf32, #tpu.memory_space<hbm>> -> memref<128xf32, #tpu.memory_space<hbm>>
    %dma_wait3A_2374 = tpu.memref_slice %arg4[%add3A_2309] : memref<16384xf32, #tpu.memory_space<hbm>> -> memref<128xf32, #tpu.memory_space<hbm>>
    %dma_wait3A_2375 = arith.constant 768 : i32
    %dma_wait3A_2376 = tpu.memref_slice %arg7[%dma_wait3A_2375] : memref<1024xf32, #tpu.memory_space<vmem>> -> memref<128xf32, #tpu.memory_space<vmem>>
    tpu.wait_dma2 semaphore(%arg10 : memref<!tpu.dma_semaphore, #tpu.memory_space<semaphore_mem>>) src(%dma_wait3A_2376 : memref<128xf32, #tpu.memory_space<vmem>>) dst(%dma_wait3A_2374 : memref<128xf32, #tpu.memory_space<hbm>>)
    %dma_wait3A_2377 = arith.constant 896 : i32
    %dma_wait3A_2378 = tpu.memref_slice %arg7[%dma_wait3A_2377] : memref<1024xf32, #tpu.memory_space<vmem>> -> memref<128xf32, #tpu.memory_space<vmem>>
    %dma_wait3A_2379 = tpu.memref_slice %arg4[%add3A_2328] : memref<16384xf32, #tpu.memory_space<hbm>> -> memref<128xf32, #tpu.memory_space<hbm>>
    %dma_wait3A_2380 = tpu.memref_slice %arg4[%add3A_2328] : memref<16384xf32, #tpu.memory_space<hbm>> -> memref<128xf32, #tpu.memory_space<hbm>>
    %dma_wait3A_2381 = arith.constant 896 : i32
    %dma_wait3A_2382 = tpu.memref_slice %arg7[%dma_wait3A_2381] : memref<1024xf32, #tpu.memory_space<vmem>> -> memref<128xf32, #tpu.memory_space<vmem>>
    tpu.wait_dma2 semaphore(%arg10 : memref<!tpu.dma_semaphore, #tpu.memory_space<semaphore_mem>>) src(%dma_wait3A_2382 : memref<128xf32, #tpu.memory_space<vmem>>) dst(%dma_wait3A_2380 : memref<128xf32, #tpu.memory_space<hbm>>)
    return
  }
}

</mosaic_0001>

<sc_bundles>
// kernel: kernel.3.cloned.1.call-start
scs
__scs_entry_jumppad:
0x0: {  	(pc) =	sbr.rel $0x88, $3  }
0x1: {  	(tag) =	ssettag $0x0;
	lr =	simm.s32 $0x1  }
0x2: {  	[smem:$0x3F9F] =	sst lr;
	_ =	strace $0xD0000000  }
0x3: {  	_ = 	snop  }
0x4: {  	_ = 	snop  }
0x5: {  	_ = 	snop  }
0x6: {  	_ = 	snop  }
0x7: {  	_ = 	snop  }
__scs_overlays_trampoline_lowered:
0x8: {  	[smem:$0x3FAE] =	sst s0  }
0x9: {  	[smem:$0x3FAF] =	sst s1  }
0xa: {  	[smem:$0x3FB0] =	sst s2  }
0xb: {  	[smem:$0x3FB1] =	sst s3  }
0xc: {  	[smem:$0x3FB2] =	sst s4  }
0xd: {  	[smem:$0x3FB3] =	sst s5  }
0xe: {  	[smem:$0x3FB4] =	sst s6  }
0xf: {  	[smem:$0x3FB5] =	sst s7  }
0x10: {  	[smem:$0x3FB6] =	sst s8  }
0x11: {  	[smem:$0x3FB7] =	sst s9;
	s0 =	simm.s32 @!p0 $0x0  }
0x12: {  	s1 =	sld [smem:$0x3F9D];
	s0 =	simm.s32 @p0 $0x1  }
0x13: {  	[smem:$0x3FB8] =	sst s0;
	s0 =	simm.s32 @!p1 $0x0  }
0x14: {  	s2 =	sld [smem:$0x3F9C];
	s0 =	simm.s32 @p1 $0x1  }
0x15: {  	[smem:$0x3FB9] =	sst s0;
	s0 =	simm.s32 @!p2 $0x0  }
0x16: {  	s3 =	sld [smem:$0x3FDB];
	s0 =	simm.s32 @p2 $0x1  }
0x17: {  	s4 =	simm.s32 $0x1BF5;
	[smem:$0x3FBB] =	sst s0  }
0x18: {  	s0 =	sld [smem:$0x3F9E];
	_ =	swait.ge [sflag:s4], $0x0  }
0x19: {  	s7 =	sld [smem:$0x3F9F]  }
0x1a: {  	s8 =	sadd.s32 $0xFFFFE003, lr  }
0x1b: {  	s9 =	sadd.s32 $0xFFFFFEF7, lr;
	s5 =	simm.s32 $0xFFFFFFFF;
	p2 =	slt.u32 s8, $0xFFFFF086  }
0x1c: {  	p1 =	slt.u32 s9, $0xF7A;
	s5 =	simm.s32 @!p2 $0x0  }
0x1d: {  	s5 =	simm.s32 @p1 $0x1;
	p0 =	seq.s32 s7, s2  }
0x1e: {  	s7 =	smul.u32 @!p0 $0xF7A, s2;
	p2 =	seq.s32 @!p0 s5, $0x0  }
0x1f: {  	s9 =	smul.u32 $0xF7A, s1;
	s8 =	simm.s32 @!p0 $0x1BF5;
	p2 =	por !p2, p0  }
0x20: {  	[sflag:s8] =	ssyncset.s32 @!p0 $0xFFFFF086;
	s6 =	sadd.s32 @!p0 s3, s7;
	s7 =	simm.s32 @!p0 $0x108  }
0x21: {  	s3 =	sadd.s32 s3, s9;
	s6 =	sadd.s32 @!p0 $0x88, s6;
	s7 =	simm.s32 @p2 $0x1082  }
0x22: {  	[simem:s7], [sflag:s8] =	dma.local @!p0 [hbm:s6], $0xF7A  }
0x23: {  	s9 =	sor.u32 $0xD0000000, s2;
	s6 =	simm.s32 $0x108;
	_ =	swait.ge @!p0 [sflag:s8], $0x0  }
0x24: {  	s3 =	sadd.s32 $0x88, s3;
	s6 =	simm.s32 @!p1 $0x1082;
	[sflag:s4] =	ssyncset.s32 $0xFFFFF086  }
0x25: {  	[simem:s6], [sflag:s4] =	dma.local [hbm:s3], $0xF7A  }
0x26: {  	[smem:$0x3F9F] =	sst s1;
	(tag) =	ssettag s2;
	_ =	strace s9  }
0x27: {  	s1 =	sld [smem:$0x3FAF]  }
0x28: {  	s2 =	sld [smem:$0x3FB0]  }
0x29: {  	s4 =	sld [smem:$0x3FB2]  }
0x2a: {  	p0 =	seq.s32 s5, $0x0;
	s5 =	sld [smem:$0x3FB3]  }
0x2b: {  	s6 =	sld [smem:$0x3FB4]  }
0x2c: {  	s7 =	sld [smem:$0x3FB5]  }
0x2d: {  	s3 =	simm.s32 $0x108;
	s8 =	sld [smem:$0x3FB6]  }
0x2e: {  	s3 =	simm.s32 @!p0 $0x1082;
	s9 =	sld [smem:$0x3FB7]  }
0x2f: {  	lr =	sadd.s32 s0, s3;
	s0 =	sld [smem:$0x3FAE]  }
0x30: {  	s3 =	sld [smem:$0x3FB1]  }
0x31: {  	[smem:$0x3FBA] =	sst s10  }
0x32: {  	s10 =	sld [smem:$0x3FB8];
	_ =	sdelay $0x3  }
0x33: {  	p0 =	seq.s32 s10, $0x1;
	s10 =	sld [smem:$0x3FBA];
	_ =	sdelay $0x3  }
0x34: {  	[smem:$0x3FBA] =	sst s10  }
0x35: {  	s10 =	sld [smem:$0x3FB9];
	_ =	sdelay $0x3  }
0x36: {  	p1 =	seq.s32 s10, $0x1;
	s10 =	sld [smem:$0x3FBA];
	_ =	sdelay $0x3  }
0x37: {  	[smem:$0x3FBA] =	sst s10  }
0x38: {  	s10 =	sld [smem:$0x3FBB]  }
0x39: {  	_ = 	snop;
	(pc) =	sbr.ind lr, $3  }
0x3a: {  	_ = 	snop  }
0x3b: {  	_ = 	snop  }
0x3c: {  	p2 =	seq.s32 s10, $0x1;
	s10 =	sld [smem:$0x3FBA]  }
0x3d: {  	_ =	shalt  }
0x3e: {  	_ =	shalt  }
0x3f: {  	_ =	shalt  }
0x40: {  	_ =	shalt  }
0x41: {  	_ =	shalt  }
0x42: {  	_ =	shalt  }
0x43: {  	_ =	shalt  }
0x44: {  	_ =	shalt  }
0x45: {  	_ =	shalt  }
0x46: {  	_ =	shalt  }
0x47: {  	_ =	shalt  }
0x48: {  	_ =	shalt  }
0x49: {  	_ =	shalt  }
0x4a: {  	_ =	shalt  }
0x4b: {  	_ =	shalt  }
0x4c: {  	_ =	shalt  }
0x4d: {  	_ =	shalt  }
0x4e: {  	_ =	shalt  }
0x4f: {  	_ =	shalt  }
0x50: {  	_ =	shalt  }
0x51: {  	_ =	shalt  }
0x52: {  	_ =	shalt  }
0x53: {  	_ =	shalt  }
0x54: {  	_ =	shalt  }
0x55: {  	_ =	shalt  }
0x56: {  	_ =	shalt  }
0x57: {  	_ =	shalt  }
0x58: {  	_ =	shalt  }
0x59: {  	_ =	shalt  }
0x5a: {  	_ =	shalt  }
0x5b: {  	_ =	shalt  }
0x5c: {  	_ =	shalt  }
0x5d: {  	_ =	shalt  }
0x5e: {  	_ =	shalt  }
0x5f: {  	_ =	shalt  }
0x60: {  	_ =	shalt  }
0x61: {  	_ =	shalt  }
0x62: {  	_ =	shalt  }
0x63: {  	_ =	shalt  }
0x64: {  	_ =	shalt  }
0x65: {  	_ =	shalt  }
0x66: {  	_ =	shalt  }
0x67: {  	_ =	shalt  }
0x68: {  	_ =	shalt  }
0x69: {  	_ =	shalt  }
0x6a: {  	_ =	shalt  }
0x6b: {  	_ =	shalt  }
0x6c: {  	_ =	shalt  }
0x6d: {  	_ =	shalt  }
0x6e: {  	_ =	shalt  }
0x6f: {  	_ =	shalt  }
0x70: {  	_ =	shalt  }
0x71: {  	_ =	shalt  }
0x72: {  	_ =	shalt  }
0x73: {  	_ =	shalt  }
0x74: {  	_ =	shalt  }
0x75: {  	_ =	shalt  }
0x76: {  	_ =	shalt  }
0x77: {  	_ =	shalt  }
0x78: {  	_ =	shalt  }
0x79: {  	_ =	shalt  }
0x7a: {  	_ =	shalt  }
0x7b: {  	_ =	shalt  }
0x7c: {  	_ =	shalt  }
0x7d: {  	_ =	shalt  }
0x7e: {  	_ =	shalt  }
0x7f: {  	_ =	shalt  }
0x80: {  	_ =	shalt  }
0x81: {  	_ =	shalt  }
0x82: {  	_ =	shalt  }
0x83: {  	_ =	shalt  }
0x84: {  	_ =	shalt  }
0x85: {  	_ =	shalt  }
0x86: {  	_ =	shalt  }
0x87: {  	_ =	shalt  }
.Lfunc_end0:
.L_simem_size_0:
called_computation_lowered:
.L_overlay_start_0:
0x88: {  	s0 =	sld [smem:$0x3FD9]  }
0x89: {  	s1 =	sld [smem:$0x3FFE];
	_ =	sdelay $0x3  }
0x8a: {  	s0 =	sadd.s32 s1, s0  }
0x8b: {  	[smem:$0x3FC6] =	sst s0  }
0x8c: {  	_ = 	snop  }
0x8d: {  	s0 =	sld [smem:$0x3FD0];
	(tm) =	ssettm $0x1  }
0x8e: {  	s16 =	sld [smem:$0x3FFB];
	_ =	sdelay $0x3  }
0x8f: {  	_ =	strace s16  }
0x90: {  	s1 =	sld [smem:$0x3FFC];
	_ =	sdelay $0x3  }
0x91: {  	_ =	strace s1  }
0x92: {  	s1 =	sld [smem:$0x3FFD];
	_ =	sdelay $0x3  }
0x93: {  	_ =	strace s1  }
0x94: {  	_ =	strace $0x8FFFFFFF  }
0x95: {  	s17 =	sld [smem:$0x3FDB];
	_ =	sdelay $0x1  }
0x96: {  	s2 =	simm.s32 $_scs_section_size  }
0x97: {  	s3 =	simm.s32 $_size__tile_overlayer_lowered;
	s4 =	simm.s32 $_tile_overlayer_lowered  }
0x98: {  	s20 =	simm.s32 $0x1BFF;
	s19 =	sshll.u32 s4, $0x1;
	s1 =	sadd.s32 s2, s17  }
0x99: {  	s5 =	simm.s32 $0x0;
	s18 =	sshll.u32 s3, $0x1;
	s3 =	sadd.s32 s19, s1  }
0x9a: {  	[timem:s5], [sflag:s20] =	dma.local [hbm:s3], s18  }
0x9b: {  	_ =	swait.ge [sflag:s20], s18  }
0x9c: {  	s2 =	ssub.s32 $0x0, s18;
	[sflag:s20] =	ssyncset.done $0x0  }
0x9d: {  	[sflag:s20] =	ssyncadd.s32 s2;
	_ =	sdelay $0x1  }
0x9e: {  	s21 =	simm.s32 $0x1B8B  }
0x9f: {  	_ =	swait.ge [sflag:s21], $0x1  }
0xa0: {  	[sflag:s21] =	ssyncset.done $0x0  }
0xa1: {  	s23 =	simm.s32 $0x1B8E;
	s22 =	sld [smem:$0x3FFE];
	[sflag:s21] =	ssyncadd.s32 $0xFFFFFFFF  }
0xa2: {  	s24 =	simm.s32 $execute0_lowered;
	[smem:$0x3FD2] =	sst s23  }
0xa3: {  	s3 =	sshll.u32 s24, $0x1;
	_ =	strace $0x80000046;
	[dreg:$0x1] =	wrdreg $0xFFFFFFFF  }
0xa4: {  	s25 =	simm.s32 $_size_execute0_lowered;
	s1 =	sadd.s32 s1, s3;
	[dreg:$0x0] =	wrdreg $0x0  }
0xa5: {  	s3 =	sshll.u32 s25, $0x1;
	[dreg:$0x2] =	wrdreg s1  }
0xa6: {  	[dreg:$0x3] =	wrdreg s3  }
0xa7: {  	[dreg:$0x4] =	wrdreg $0xC0  }
0xa8: {  	_ =	task [dreg:s5], $0x5FFFF  }
0xa9: {  	[dreg:$0x1] =	wrdreg $0xFFFFFFFF  }
0xaa: {  	[dreg:$0x0] =	wrdreg $0x60  }
0xab: {  	[dreg:$0x2] =	wrdreg s22  }
0xac: {  	[dreg:$0x3] =	wrdreg s0  }
0xad: {  	[dreg:$0x4] =	wrdreg $0x9  }
0xae: {  	_ =	task.clear_ibuf [dreg:s5], $0x5FFFF;
	_ =	strace $0x90000046  }
0xaf: {  	s26 =	simm.s32 $0x9;
	_ =	strace $0x80000048  }
0xb0: {  	_ =	swait.ge [sflag:s26], $0x1  }
0xb1: {  	[sflag:s26] =	ssyncadd.s32 $0xFFFFFFFF  }
0xb2: {  	_ =	strace $0x90000048  }
0xb3: {  	_ =	sfence  }
0xb4: {  	s28 =	sld [smem:$0x0];
	_ =	sdelay $0x1  }
0xb5: {  	s29 =	srdreg.scid  }
0xb6: {  	s30 =	sshll.u32 s29, $0xD;
	s31 =	sshrl.u32 s29, $0x2  }
0xb7: {  	s2 =	sand.u32 $0x4000, s30;
	s1 =	sand.u32 $0x1, s29;
	s0 =	sadd.s32 s31, s28  }
0xb8: {  	s1 =	sor.u32 s2, s1;
	s0 =	sshll.u32 s0, $0x11  }
0xb9: {  	s0 =	sor.u32 s0, s1  }
0xba: {  	s0 =	sadd.s32 $0x8F2B, s0  }
0xbb: {  	[sflag:s0] =	ssyncadd.remote.s32 $0x1  }
0xbc: {  	_ =	sfence.sel $0xFFFF  }
0xbd: {  	[dreg:$0x0] =	wrdreg $0xFFFFFFFF;
	(pc) =	sbr.abs _section_cstart, $3  }
0xbe: {  	[dreg:$0x1] =	wrdreg $0xFFFFFFFF  }
0xbf: {  	_ =	task.clear_ibuf [dreg:s5], $0x2FFFF;
	_ =	strace $0x9FFFFFFF  }
0xc0: {  	(tm) =	ssettm $0x7FFFFFFF  }
0xc1: {  	_ =	shalt  }
tec
execute0_lowered:
.L_overlay_start_1:
0x0: {  	(tag) =	ssettag $0x1  }
0x1: {  	s5 =	rddreg [dreg:$0x0];
	s1 =	stileid.u32  }
0x2: {  	s3 =	rddreg [dreg:$0x1];
	s2 =	simm.s32 $0x0;
	s4 =	smul.u32 $0x180, s1  }
0x3: {  	[smem:$0x7FF] =	sst s2  }
0x4: {  	s0 =	rddreg [dreg:$0x2];
	_ =	strace $0x80000047;
	s6 =	sadd.s32 s5, s4  }
0x5: {  	[tilespmem:s2], [sflag:$0x1] =	stream.linear.gather [hbm4b:s6+s2], $0x80, $0x38;
	[tilespmem:$0x1400] =	vst v63  }
0x6: {  	s7 =	simm.s32 $0x400;
	s4 =	sadd.s32 $0x10, s6  }
0x7: {  	[tilespmem:s7], [sflag:$0x1] =	stream.linear.gather [hbm4b:s4+s2], $0x80, $0x38;
	[tilespmem:$0x1400] =	vst v63  }
0x8: {  	s17 =	simm.s32 $0x800;
	s16 =	sadd.s32 $0x20, s6  }
0x9: {  	[tilespmem:s17], [sflag:$0x1] =	stream.linear.gather [hbm4b:s16+s2], $0x80, $0x38;
	[tilespmem:$0x1400] =	vst v63  }
0xa: {  	s18 =	sadd.s32 $0x30, s6;
	s4 =	simm.s32 $0x80  }
0xb: {  	[tilespmem:s4], [sflag:$0x2] =	stream.linear.gather [hbm4b:s18+s2], $0x80, $0x38;
	[tilespmem:$0x1400] =	vst v63  }
0xc: {  	s8 =	simm.s32 $0x480;
	s19 =	sadd.s32 $0x40, s6  }
0xd: {  	[tilespmem:s8], [sflag:$0x2] =	stream.linear.gather [hbm4b:s19+s2], $0x80, $0x38;
	[tilespmem:$0x1400] =	vst v63  }
0xe: {  	s21 =	simm.s32 $0x880;
	s20 =	sadd.s32 $0x50, s6  }
0xf: {  	[tilespmem:s21], [sflag:$0x2] =	stream.linear.gather [hbm4b:s20+s2], $0x80, $0x38;
	[tilespmem:$0x1400] =	vst v63  }
0x10: {  	s23 =	simm.s32 $0x100;
	s22 =	sadd.s32 $0x60, s6  }
0x11: {  	[tilespmem:s23], [sflag:$0x3] =	stream.linear.gather [hbm4b:s22+s2], $0x80, $0x38;
	[tilespmem:$0x1400] =	vst v63  }
0x12: {  	s25 =	simm.s32 $0x500;
	s28 =	smul.u32 $0xC00, s1;
	s24 =	sadd.s32 $0x70, s6  }
0x13: {  	[tilespmem:s25], [sflag:$0x3] =	stream.linear.gather [hbm4b:s24+s2], $0x80, $0x38;
	[tilespmem:$0x1400] =	vst v63  }
0x14: {  	s26 =	simm.s32 $0x900;
	s29 =	sshrl.u32 s28, $0x3;
	s6 =	sadd.s32 $0x80, s6  }
0x15: {  	[tilespmem:s26], [sflag:$0x3] =	stream.linear.gather [hbm4b:s6+s2], $0x80, $0x38;
	[tilespmem:$0x1400] =	vst v63  }
0x16: {  	s6 =	sadd.s32 s5, s29  }
0x17: {  	s31 =	simm.s32 $0x180;
	s30 =	sadd.s32 $0x90, s6  }
0x18: {  	[tilespmem:s31], [sflag:$0x4] =	stream.linear.gather [hbm4b:s30+s2], $0x80, $0x38;
	[tilespmem:$0x1400] =	vst v63  }
0x19: {  	s10 =	simm.s32 $0x580;
	s9 =	sadd.s32 $0xA0, s6  }
0x1a: {  	[tilespmem:s10], [sflag:$0x4] =	stream.linear.gather [hbm4b:s9+s2], $0x80, $0x38;
	[tilespmem:$0x1400] =	vst v63  }
0x1b: {  	s12 =	simm.s32 $0x980;
	s11 =	sadd.s32 $0xB0, s6  }
0x1c: {  	[tilespmem:s12], [sflag:$0x4] =	stream.linear.gather [hbm4b:s11+s2], $0x80, $0x38;
	[tilespmem:$0x1400] =	vst v63  }
0x1d: {  	s14 =	simm.s32 $0x200;
	s13 =	sadd.s32 $0xC0, s6  }
0x1e: {  	[tilespmem:s14], [sflag:$0x5] =	stream.linear.gather [hbm4b:s13+s2], $0x80, $0x38;
	[tilespmem:$0x1400] =	vst v63  }
0x1f: {  	s16 =	simm.s32 $0x600;
	s15 =	sadd.s32 $0xD0, s6  }
0x20: {  	[tilespmem:s16], [sflag:$0x5] =	stream.linear.gather [hbm4b:s15+s2], $0x80, $0x38;
	[tilespmem:$0x1400] =	vst v63  }
0x21: {  	s18 =	simm.s32 $0xA00;
	s17 =	sadd.s32 $0xE0, s6  }
0x22: {  	[tilespmem:s18], [sflag:$0x5] =	stream.linear.gather [hbm4b:s17+s2], $0x80, $0x38;
	[tilespmem:$0x1400] =	vst v63  }
0x23: {  	s20 =	simm.s32 $0x280;
	s19 =	sadd.s32 $0xF0, s6  }
0x24: {  	[tilespmem:s20], [sflag:$0x6] =	stream.linear.gather [hbm4b:s19+s2], $0x80, $0x38;
	[tilespmem:$0x1400] =	vst v63  }
0x25: {  	s22 =	simm.s32 $0x680;
	s21 =	sadd.s32 $0x100, s6  }
0x26: {  	[tilespmem:s22], [sflag:$0x6] =	stream.linear.gather [hbm4b:s21+s2], $0x80, $0x38;
	[tilespmem:$0x1400] =	vst v63  }
0x27: {  	s24 =	simm.s32 $0xA80;
	s23 =	sadd.s32 $0x110, s6  }
0x28: {  	[tilespmem:s24], [sflag:$0x6] =	stream.linear.gather [hbm4b:s23+s2], $0x80, $0x38;
	[tilespmem:$0x1400] =	vst v63  }
0x29: {  	s26 =	simm.s32 $0x300;
	s25 =	sadd.s32 $0x120, s6  }
0x2a: {  	[tilespmem:s26], [sflag:$0x7] =	stream.linear.gather [hbm4b:s25+s2], $0x80, $0x38;
	[tilespmem:$0x1400] =	vst v63  }
0x2b: {  	s29 =	simm.s32 $0x700;
	s28 =	sadd.s32 $0x130, s6  }
0x2c: {  	[tilespmem:s29], [sflag:$0x7] =	stream.linear.gather [hbm4b:s28+s2], $0x80, $0x38;
	[tilespmem:$0x1400] =	vst v63  }
0x2d: {  	s30 =	sadd.s32 $0x140, s6;
	s31 =	simm.s32 $0xB00  }
0x2e: {  	[tilespmem:s31], [sflag:$0x7] =	stream.linear.gather [hbm4b:s30+s2], $0x80, $0x38;
	[tilespmem:$0x1400] =	vst v63  }
0x2f: {  	s9 =	sadd.s32 $0x150, s6;
	s10 =	simm.s32 $0x380  }
0x30: {  	[tilespmem:s10], [sflag:$0x8] =	stream.linear.gather [hbm4b:s9+s2], $0x80, $0x38;
	[tilespmem:$0x1400] =	vst v63  }
0x31: {  	s11 =	sadd.s32 $0x160, s6;
	s12 =	simm.s32 $0x780  }
0x32: {  	[tilespmem:s12], [sflag:$0x8] =	stream.linear.gather [hbm4b:s11+s2], $0x80, $0x38;
	[tilespmem:$0x1400] =	vst v63  }
0x33: {  	s6 =	sadd.s32 $0x170, s6;
	s13 =	simm.s32 $0xB80;
	s14 =	simm.s32 $0x1  }
0x34: {  	[tilespmem:s13], [sflag:$0x8] =	stream.linear.gather [hbm4b:s6+s2], $0x80, $0x38;
	[tilespmem:$0x1400] =	vst v63  }
0x35: {  	_ =	swait.ge [sflag:s14], $0x180  }
0x36: {  	[sflag:s14] =	ssyncset.done $0x0  }
0x37: {  	[sflag:s14] =	ssyncadd.s32 $0xFFFFFE80  }
0x38: {  	v0 =	vld [tilespmem:$0x0]  }
0x39: {  	v1 =	vld [tilespmem:$0x400]  }
0x3a: {  	v2 =	vld [tilespmem:$0x800]  }
0x3b: {  	v3 =	vld [tilespmem:$0x10]  }
0x3c: {  	v4 =	vld [tilespmem:$0x410]  }
0x3d: {  	v5 =	vld [tilespmem:$0x810]  }
0x3e: {  	v6 =	vld [tilespmem:$0x20]  }
0x3f: {  	v7 =	vld [tilespmem:$0x420]  }
0x40: {  	v8 =	vld [tilespmem:$0x820]  }
0x41: {  	v9 =	vld [tilespmem:$0x30]  }
0x42: {  	v10 =	vld [tilespmem:$0x430]  }
0x43: {  	v11 =	vld [tilespmem:$0x830]  }
0x44: {  	v12 =	vld [tilespmem:$0x40]  }
0x45: {  	v13 =	vld [tilespmem:$0x440]  }
0x46: {  	v15 =	vld [tilespmem:$0x50]  }
0x47: {  	v16 =	vld [tilespmem:$0x450]  }
0x48: {  	v17 =	vld [tilespmem:$0x60]  }
0x49: {  	v18 =	vld [tilespmem:$0x460];
	v0 =	vmul.u32 $0x2710, v0;
	v1 =	vmul.u32 $0x64, v1;
	v3 =	vmul.u32 $0x2710, v3  }
0x4a: {  	v63 =	vld [tilespmem:$0x70];
	v4 =	vmul.u32 $0x64, v4;
	v6 =	vmul.u32 $0x2710, v6;
	v7 =	vmul.u32 $0x64, v7  }
0x4b: {  	v21 =	vld [tilespmem:$0x470];
	v61 =	vmul.u32 $0x2710, v9;
	v62 =	vmul.u32 $0x64, v10;
	v22 =	vmul.u32 $0x2710, v12  }
0x4c: {  	v24 =	vld [tilespmem:$0x850];
	v23 =	vmul.u32 $0x64, v13;
	v29 =	vmul.u32 $0x2710, v15;
	v0 =	vadd.s32 v0, v1  }
0x4d: {  	v27 =	vld [tilespmem:$0x860];
	v30 =	vmul.u32 $0x64, v16;
	v19 =	vadd.s32 v3, v4;
	v0 =	vadd.s32 v2, v0  }
0x4e: {  	v14 =	vld [tilespmem:$0x840];
	v32 =	vmul.u32 $0x2710, v17;
	v20 =	vadd.s32 v6, v7;
	v25 =	vadd.s32 v5, v19;
	[tilespmem:$0xC00] =	vst v0  }
0x4f: {  	v31 =	vld [tilespmem:$0x870];
	v33 =	vmul.u32 $0x64, v18;
	v1 =	vadd.s32 v61, v62;
	v26 =	vadd.s32 v8, v20;
	[tilespmem:$0xC10] =	vst v25  }
0x50: {  	v35 =	vmul.u32 $0x2710, v63;
	v34 =	vadd.s32 v29, v30;
	v1 =	vadd.s32 v11, v1;
	[tilespmem:$0xC20] =	vst v26  }
0x51: {  	v4 =	vmul.u32 $0x64, v21;
	v37 =	vadd.s32 v32, v33;
	v36 =	vadd.s32 v24, v34;
	[tilespmem:$0xC30] =	vst v1  }
0x52: {  	v28 =	vadd.s32 v22, v23;
	v38 =	vadd.s32 v27, v37;
	[tilespmem:$0xC50] =	vst v36  }
0x53: {  	v0 =	vadd.s32 v14, v28;
	v39 =	vadd.s32 v35, v4;
	[tilespmem:$0xC60] =	vst v38  }
0x54: {  	s15 =	sadd.s32 $0x1800, s5;
	[tilespmem:$0xC40] =	vst v0;
	v40 =	vadd.s32 v31, v39  }
0x55: {  	s16 =	simm.s32 $0xC00;
	s5 =	simm.s32 $0x1000;
	s17 =	simm.s32 $0x2;
	[tilespmem:$0xC70] =	vst v40  }
0x56: {  	[tilespmem:s5], [sflag:$0x9] =	stream.indirect.gather [hbm4b:s15+s4], $0x1, s16, s4, $0xb8;
	[tilespmem:$0x1400] =	vst v63  }
0x57: {  	_ =	swait.ge [sflag:s17], $0x180  }
0x58: {  	[sflag:s17] =	ssyncset.done $0x0  }
0x59: {  	[sflag:s17] =	ssyncadd.s32 $0xFFFFFE80  }
0x5a: {  	v41 =	vld [tilespmem:$0x80]  }
0x5b: {  	v42 =	vld [tilespmem:$0x480]  }
0x5c: {  	v43 =	vld [tilespmem:$0x880]  }
0x5d: {  	v44 =	vld [tilespmem:$0x90]  }
0x5e: {  	v45 =	vld [tilespmem:$0x490]  }
0x5f: {  	v46 =	vld [tilespmem:$0x890]  }
0x60: {  	v47 =	vld [tilespmem:$0xA0]  }
0x61: {  	v48 =	vld [tilespmem:$0x4A0]  }
0x62: {  	v49 =	vld [tilespmem:$0x8A0]  }
0x63: {  	v50 =	vld [tilespmem:$0xB0]  }
0x64: {  	v51 =	vld [tilespmem:$0x4B0]  }
0x65: {  	v52 =	vld [tilespmem:$0x8B0]  }
0x66: {  	v53 =	vld [tilespmem:$0xC0]  }
0x67: {  	v54 =	vld [tilespmem:$0x4C0]  }
0x68: {  	v56 =	vld [tilespmem:$0xD0]  }
0x69: {  	v57 =	vld [tilespmem:$0x4D0]  }
0x6a: {  	v58 =	vld [tilespmem:$0xE0]  }
0x6b: {  	v59 =	vld [tilespmem:$0x4E0];
	v0 =	vmul.u32 $0x2710, v41;
	v1 =	vmul.u32 $0x64, v42;
	v3 =	vmul.u32 $0x2710, v44  }
0x6c: {  	v62 =	vld [tilespmem:$0xF0];
	v4 =	vmul.u32 $0x64, v45;
	v6 =	vmul.u32 $0x2710, v47;
	v7 =	vmul.u32 $0x64, v48  }
0x6d: {  	v20 =	vld [tilespmem:$0x4F0];
	v60 =	vmul.u32 $0x2710, v50;
	v61 =	vmul.u32 $0x64, v51;
	v21 =	vmul.u32 $0x2710, v53  }
0x6e: {  	v23 =	vld [tilespmem:$0x8D0];
	v22 =	vmul.u32 $0x64, v54;
	v28 =	vmul.u32 $0x2710, v56;
	v0 =	vadd.s32 v0, v1  }
0x6f: {  	v26 =	vld [tilespmem:$0x8E0];
	v29 =	vmul.u32 $0x64, v57;
	v63 =	vadd.s32 v3, v4;
	v0 =	vadd.s32 v43, v0  }
0x70: {  	v55 =	vld [tilespmem:$0x8C0];
	v31 =	vmul.u32 $0x2710, v58;
	v19 =	vadd.s32 v6, v7;
	v24 =	vadd.s32 v46, v63;
	[tilespmem:$0xC80] =	vst v0  }
0x71: {  	v30 =	vld [tilespmem:$0x8F0];
	v32 =	vmul.u32 $0x64, v59;
	v1 =	vadd.s32 v60, v61;
	v25 =	vadd.s32 v49, v19;
	[tilespmem:$0xC90] =	vst v24  }
0x72: {  	v34 =	vmul.u32 $0x2710, v62;
	v33 =	vadd.s32 v28, v29;
	v1 =	vadd.s32 v52, v1;
	[tilespmem:$0xCA0] =	vst v25  }
0x73: {  	v4 =	vmul.u32 $0x64, v20;
	v36 =	vadd.s32 v31, v32;
	v35 =	vadd.s32 v23, v33;
	[tilespmem:$0xCB0] =	vst v1  }
0x74: {  	v27 =	vadd.s32 v21, v22;
	v37 =	vadd.s32 v26, v36;
	[tilespmem:$0xCD0] =	vst v35  }
0x75: {  	v0 =	vadd.s32 v55, v27;
	v38 =	vadd.s32 v34, v4;
	[tilespmem:$0xCE0] =	vst v37  }
0x76: {  	[tilespmem:$0xCC0] =	vst v0;
	v39 =	vadd.s32 v30, v38  }
0x77: {  	s18 =	simm.s32 $0xC80;
	s19 =	simm.s32 $0x1080;
	s20 =	simm.s32 $0x3;
	[tilespmem:$0xCF0] =	vst v39  }
0x78: {  	[tilespmem:s19], [sflag:$0xA] =	stream.indirect.gather [hbm4b:s15+s4], $0x1, s18, s4, $0xb8;
	[tilespmem:$0x1400] =	vst v63  }
0x79: {  	_ =	swait.ge [sflag:s20], $0x180  }
0x7a: {  	[sflag:s20] =	ssyncset.done $0x0  }
0x7b: {  	[sflag:s20] =	ssyncadd.s32 $0xFFFFFE80  }
0x7c: {  	v40 =	vld [tilespmem:$0x100]  }
0x7d: {  	v41 =	vld [tilespmem:$0x500]  }
0x7e: {  	v42 =	vld [tilespmem:$0x900]  }
0x7f: {  	v43 =	vld [tilespmem:$0x110]  }
0x80: {  	v44 =	vld [tilespmem:$0x510]  }
0x81: {  	v45 =	vld [tilespmem:$0x910]  }
0x82: {  	v46 =	vld [tilespmem:$0x120]  }
0x83: {  	v47 =	vld [tilespmem:$0x520]  }
0x84: {  	v48 =	vld [tilespmem:$0x920]  }
0x85: {  	v49 =	vld [tilespmem:$0x130]  }
0x86: {  	v50 =	vld [tilespmem:$0x530]  }
0x87: {  	v51 =	vld [tilespmem:$0x930]  }
0x88: {  	v52 =	vld [tilespmem:$0x140]  }
0x89: {  	v53 =	vld [tilespmem:$0x540]  }
0x8a: {  	v55 =	vld [tilespmem:$0x150]  }
0x8b: {  	v56 =	vld [tilespmem:$0x550]  }
0x8c: {  	v57 =	vld [tilespmem:$0x160]  }
0x8d: {  	v58 =	vld [tilespmem:$0x560];
	v0 =	vmul.u32 $0x2710, v40;
	v1 =	vmul.u32 $0x64, v41;
	v3 =	vmul.u32 $0x2710, v43  }
0x8e: {  	v61 =	vld [tilespmem:$0x170];
	v4 =	vmul.u32 $0x64, v44;
	v6 =	vmul.u32 $0x2710, v46;
	v7 =	vmul.u32 $0x64, v47  }
0x8f: {  	v19 =	vld [tilespmem:$0x570];
	v59 =	vmul.u32 $0x2710, v49;
	v60 =	vmul.u32 $0x64, v50;
	v20 =	vmul.u32 $0x2710, v52  }
0x90: {  	v22 =	vld [tilespmem:$0x950];
	v21 =	vmul.u32 $0x64, v53;
	v27 =	vmul.u32 $0x2710, v55;
	v0 =	vadd.s32 v0, v1  }
0x91: {  	v25 =	vld [tilespmem:$0x960];
	v28 =	vmul.u32 $0x64, v56;
	v62 =	vadd.s32 v3, v4;
	v0 =	vadd.s32 v42, v0  }
0x92: {  	v54 =	vld [tilespmem:$0x940];
	v30 =	vmul.u32 $0x2710, v57;
	v63 =	vadd.s32 v6, v7;
	v23 =	vadd.s32 v45, v62;
	[tilespmem:$0xD00] =	vst v0  }
0x93: {  	v29 =	vld [tilespmem:$0x970];
	v31 =	vmul.u32 $0x64, v58;
	v1 =	vadd.s32 v59, v60;
	v24 =	vadd.s32 v48, v63;
	[tilespmem:$0xD10] =	vst v23  }
0x94: {  	v33 =	vmul.u32 $0x2710, v61;
	v32 =	vadd.s32 v27, v28;
	v1 =	vadd.s32 v51, v1;
	[tilespmem:$0xD20] =	vst v24  }
0x95: {  	v4 =	vmul.u32 $0x64, v19;
	v35 =	vadd.s32 v30, v31;
	v34 =	vadd.s32 v22, v32;
	[tilespmem:$0xD30] =	vst v1  }
0x96: {  	v26 =	vadd.s32 v20, v21;
	v36 =	vadd.s32 v25, v35;
	[tilespmem:$0xD50] =	vst v34  }
0x97: {  	v0 =	vadd.s32 v54, v26;
	v37 =	vadd.s32 v33, v4;
	[tilespmem:$0xD60] =	vst v36  }
0x98: {  	[tilespmem:$0xD40] =	vst v0;
	v38 =	vadd.s32 v29, v37  }
0x99: {  	s21 =	simm.s32 $0x1100;
	s22 =	simm.s32 $0x4;
	s9 =	simm.s32 $0xD00;
	[tilespmem:$0xD70] =	vst v38  }
0x9a: {  	[tilespmem:s21], [sflag:$0xB] =	stream.indirect.gather [hbm4b:s15+s4], $0x1, s9, s4, $0xb8;
	[tilespmem:$0x1400] =	vst v63  }
0x9b: {  	_ =	swait.ge [sflag:s22], $0x180  }
0x9c: {  	[sflag:s22] =	ssyncset.done $0x0  }
0x9d: {  	[sflag:s22] =	ssyncadd.s32 $0xFFFFFE80  }
0x9e: {  	v39 =	vld [tilespmem:$0x180]  }
0x9f: {  	v40 =	vld [tilespmem:$0x580]  }
0xa0: {  	v41 =	vld [tilespmem:$0x980]  }
0xa1: {  	v42 =	vld [tilespmem:$0x190]  }
0xa2: {  	v43 =	vld [tilespmem:$0x590]  }
0xa3: {  	v44 =	vld [tilespmem:$0x990]  }
0xa4: {  	v45 =	vld [tilespmem:$0x1A0]  }
0xa5: {  	v46 =	vld [tilespmem:$0x5A0]  }
0xa6: {  	v47 =	vld [tilespmem:$0x9A0]  }
0xa7: {  	v48 =	vld [tilespmem:$0x1B0]  }
0xa8: {  	v49 =	vld [tilespmem:$0x5B0]  }
0xa9: {  	v50 =	vld [tilespmem:$0x9B0]  }
0xaa: {  	v51 =	vld [tilespmem:$0x1C0]  }
0xab: {  	v52 =	vld [tilespmem:$0x5C0]  }
0xac: {  	v54 =	vld [tilespmem:$0x1D0]  }
0xad: {  	v55 =	vld [tilespmem:$0x5D0]  }
0xae: {  	v56 =	vld [tilespmem:$0x1E0]  }
0xaf: {  	v57 =	vld [tilespmem:$0x5E0];
	v0 =	vmul.u32 $0x2710, v39;
	v1 =	vmul.u32 $0x64, v40;
	v3 =	vmul.u32 $0x2710, v42  }
0xb0: {  	v60 =	vld [tilespmem:$0x1F0];
	v4 =	vmul.u32 $0x64, v43;
	v6 =	vmul.u32 $0x2710, v45;
	v7 =	vmul.u32 $0x64, v46  }
0xb1: {  	v63 =	vld [tilespmem:$0x5F0];
	v58 =	vmul.u32 $0x2710, v48;
	v59 =	vmul.u32 $0x64, v49;
	v12 =	vmul.u32 $0x2710, v51  }
0xb2: {  	v19 =	vld [tilespmem:$0x9D0];
	v13 =	vmul.u32 $0x64, v52;
	v24 =	vmul.u32 $0x2710, v54;
	v0 =	vadd.s32 v0, v1  }
0xb3: {  	v22 =	vld [tilespmem:$0x9E0];
	v25 =	vmul.u32 $0x64, v55;
	v61 =	vadd.s32 v3, v4;
	v0 =	vadd.s32 v41, v0  }
0xb4: {  	v53 =	vld [tilespmem:$0x9C0];
	v27 =	vmul.u32 $0x2710, v56;
	v62 =	vadd.s32 v6, v7;
	v20 =	vadd.s32 v44, v61;
	[tilespmem:$0xD80] =	vst v0  }
0xb5: {  	v26 =	vld [tilespmem:$0x9F0];
	v28 =	vmul.u32 $0x64, v57;
	v1 =	vadd.s32 v58, v59;
	v21 =	vadd.s32 v47, v62;
	[tilespmem:$0xD90] =	vst v20  }
0xb6: {  	v30 =	vmul.u32 $0x2710, v60;
	v29 =	vadd.s32 v24, v25;
	v1 =	vadd.s32 v50, v1;
	[tilespmem:$0xDA0] =	vst v21  }
0xb7: {  	v4 =	vmul.u32 $0x64, v63;
	v32 =	vadd.s32 v27, v28;
	v31 =	vadd.s32 v19, v29;
	[tilespmem:$0xDB0] =	vst v1  }
0xb8: {  	v23 =	vadd.s32 v12, v13;
	v33 =	vadd.s32 v22, v32;
	[tilespmem:$0xDD0] =	vst v31  }
0xb9: {  	v0 =	vadd.s32 v53, v23;
	v34 =	vadd.s32 v30, v4;
	[tilespmem:$0xDE0] =	vst v33  }
0xba: {  	[tilespmem:$0xDC0] =	vst v0;
	v35 =	vadd.s32 v26, v34  }
0xbb: {  	s23 =	simm.s32 $0x1180;
	s24 =	simm.s32 $0x5;
	s10 =	simm.s32 $0xD80;
	[tilespmem:$0xDF0] =	vst v35  }
0xbc: {  	[tilespmem:s23], [sflag:$0xC] =	stream.indirect.gather [hbm4b:s15+s4], $0x1, s10, s4, $0xb8;
	[tilespmem:$0x1400] =	vst v63  }
0xbd: {  	_ =	swait.ge [sflag:s24], $0x180  }
0xbe: {  	[sflag:s24] =	ssyncset.done $0x0  }
0xbf: {  	[sflag:s24] =	ssyncadd.s32 $0xFFFFFE80  }
0xc0: {  	v36 =	vld [tilespmem:$0x200]  }
0xc1: {  	v37 =	vld [tilespmem:$0x600]  }
0xc2: {  	v38 =	vld [tilespmem:$0xA00]  }
0xc3: {  	v39 =	vld [tilespmem:$0x210]  }
0xc4: {  	v40 =	vld [tilespmem:$0x610]  }
0xc5: {  	v41 =	vld [tilespmem:$0xA10]  }
0xc6: {  	v42 =	vld [tilespmem:$0x220]  }
0xc7: {  	v43 =	vld [tilespmem:$0x620]  }
0xc8: {  	v44 =	vld [tilespmem:$0xA20]  }
0xc9: {  	v45 =	vld [tilespmem:$0x230]  }
0xca: {  	v46 =	vld [tilespmem:$0x630]  }
0xcb: {  	v47 =	vld [tilespmem:$0xA30]  }
0xcc: {  	v48 =	vld [tilespmem:$0x240]  }
0xcd: {  	v49 =	vld [tilespmem:$0x640]  }
0xce: {  	v51 =	vld [tilespmem:$0x250]  }
0xcf: {  	v52 =	vld [tilespmem:$0x650]  }
0xd0: {  	v53 =	vld [tilespmem:$0x260]  }
0xd1: {  	v54 =	vld [tilespmem:$0x660];
	v0 =	vmul.u32 $0x2710, v36;
	v1 =	vmul.u32 $0x64, v37;
	v3 =	vmul.u32 $0x2710, v39  }
0xd2: {  	v57 =	vld [tilespmem:$0x270];
	v4 =	vmul.u32 $0x64, v40;
	v6 =	vmul.u32 $0x2710, v42;
	v7 =	vmul.u32 $0x64, v43  }
0xd3: {  	v60 =	vld [tilespmem:$0x670];
	v55 =	vmul.u32 $0x2710, v45;
	v56 =	vmul.u32 $0x64, v46;
	v61 =	vmul.u32 $0x2710, v48  }
0xd4: {  	v63 =	vld [tilespmem:$0xA50];
	v62 =	vmul.u32 $0x64, v49;
	v21 =	vmul.u32 $0x2710, v51;
	v0 =	vadd.s32 v0, v1  }
0xd5: {  	v19 =	vld [tilespmem:$0xA60];
	v22 =	vmul.u32 $0x64, v52;
	v58 =	vadd.s32 v3, v4;
	v0 =	vadd.s32 v38, v0  }
0xd6: {  	v50 =	vld [tilespmem:$0xA40];
	v24 =	vmul.u32 $0x2710, v53;
	v59 =	vadd.s32 v6, v7;
	v12 =	vadd.s32 v41, v58;
	[tilespmem:$0xE00] =	vst v0  }
0xd7: {  	v23 =	vld [tilespmem:$0xA70];
	v25 =	vmul.u32 $0x64, v54;
	v1 =	vadd.s32 v55, v56;
	v13 =	vadd.s32 v44, v59;
	[tilespmem:$0xE10] =	vst v12  }
0xd8: {  	v27 =	vmul.u32 $0x2710, v57;
	v26 =	vadd.s32 v21, v22;
	v1 =	vadd.s32 v47, v1;
	[tilespmem:$0xE20] =	vst v13  }
0xd9: {  	v4 =	vmul.u32 $0x64, v60;
	v29 =	vadd.s32 v24, v25;
	v28 =	vadd.s32 v63, v26;
	[tilespmem:$0xE30] =	vst v1  }
0xda: {  	v20 =	vadd.s32 v61, v62;
	v30 =	vadd.s32 v19, v29;
	[tilespmem:$0xE50] =	vst v28  }
0xdb: {  	v0 =	vadd.s32 v50, v20;
	v31 =	vadd.s32 v27, v4;
	[tilespmem:$0xE60] =	vst v30  }
0xdc: {  	[tilespmem:$0xE40] =	vst v0;
	v32 =	vadd.s32 v23, v31  }
0xdd: {  	s25 =	simm.s32 $0x1200;
	s26 =	simm.s32 $0x6;
	s11 =	simm.s32 $0xE00;
	[tilespmem:$0xE70] =	vst v32  }
0xde: {  	[tilespmem:s25], [sflag:$0xD] =	stream.indirect.gather [hbm4b:s15+s4], $0x1, s11, s4, $0xb8;
	[tilespmem:$0x1400] =	vst v63  }
0xdf: {  	_ =	swait.ge [sflag:s26], $0x180  }
0xe0: {  	[sflag:s26] =	ssyncset.done $0x0  }
0xe1: {  	[sflag:s26] =	ssyncadd.s32 $0xFFFFFE80  }
0xe2: {  	v33 =	vld [tilespmem:$0x280]  }
0xe3: {  	v34 =	vld [tilespmem:$0x680]  }
0xe4: {  	v35 =	vld [tilespmem:$0xA80]  }
0xe5: {  	v36 =	vld [tilespmem:$0x290]  }
0xe6: {  	v37 =	vld [tilespmem:$0x690]  }
0xe7: {  	v38 =	vld [tilespmem:$0xA90]  }
0xe8: {  	v39 =	vld [tilespmem:$0x2A0]  }
0xe9: {  	v40 =	vld [tilespmem:$0x6A0]  }
0xea: {  	v41 =	vld [tilespmem:$0xAA0]  }
0xeb: {  	v42 =	vld [tilespmem:$0x2B0]  }
0xec: {  	v43 =	vld [tilespmem:$0x6B0]  }
0xed: {  	v44 =	vld [tilespmem:$0xAB0]  }
0xee: {  	v45 =	vld [tilespmem:$0x2C0]  }
0xef: {  	v46 =	vld [tilespmem:$0x6C0]  }
0xf0: {  	v48 =	vld [tilespmem:$0x2D0]  }
0xf1: {  	v49 =	vld [tilespmem:$0x6D0]  }
0xf2: {  	v50 =	vld [tilespmem:$0x2E0]  }
0xf3: {  	v51 =	vld [tilespmem:$0x6E0];
	v0 =	vmul.u32 $0x2710, v33;
	v1 =	vmul.u32 $0x64, v34;
	v3 =	vmul.u32 $0x2710, v36  }
0xf4: {  	v54 =	vld [tilespmem:$0x2F0];
	v4 =	vmul.u32 $0x64, v37;
	v6 =	vmul.u32 $0x2710, v39;
	v7 =	vmul.u32 $0x64, v40  }
0xf5: {  	v57 =	vld [tilespmem:$0x6F0];
	v52 =	vmul.u32 $0x2710, v42;
	v53 =	vmul.u32 $0x64, v43;
	v58 =	vmul.u32 $0x2710, v45  }
0xf6: {  	v60 =	vld [tilespmem:$0xAD0];
	v59 =	vmul.u32 $0x64, v46;
	v13 =	vmul.u32 $0x2710, v48;
	v0 =	vadd.s32 v0, v1  }
0xf7: {  	v63 =	vld [tilespmem:$0xAE0];
	v15 =	vmul.u32 $0x64, v49;
	v55 =	vadd.s32 v3, v4;
	v0 =	vadd.s32 v35, v0  }
0xf8: {  	v47 =	vld [tilespmem:$0xAC0];
	v19 =	vmul.u32 $0x2710, v50;
	v56 =	vadd.s32 v6, v7;
	v61 =	vadd.s32 v38, v55;
	[tilespmem:$0xE80] =	vst v0  }
0xf9: {  	v16 =	vld [tilespmem:$0xAF0];
	v20 =	vmul.u32 $0x64, v51;
	v1 =	vadd.s32 v52, v53;
	v62 =	vadd.s32 v41, v56;
	[tilespmem:$0xE90] =	vst v61  }
0xfa: {  	v22 =	vmul.u32 $0x2710, v54;
	v21 =	vadd.s32 v13, v15;
	v1 =	vadd.s32 v44, v1;
	[tilespmem:$0xEA0] =	vst v62  }
0xfb: {  	v4 =	vmul.u32 $0x64, v57;
	v24 =	vadd.s32 v19, v20;
	v23 =	vadd.s32 v60, v21;
	[tilespmem:$0xEB0] =	vst v1  }
0xfc: {  	v12 =	vadd.s32 v58, v59;
	v25 =	vadd.s32 v63, v24;
	[tilespmem:$0xED0] =	vst v23  }
0xfd: {  	v0 =	vadd.s32 v47, v12;
	v26 =	vadd.s32 v22, v4;
	[tilespmem:$0xEE0] =	vst v25  }
0xfe: {  	[tilespmem:$0xEC0] =	vst v0;
	v27 =	vadd.s32 v16, v26  }
0xff: {  	s28 =	simm.s32 $0x1280;
	s29 =	simm.s32 $0x7;
	s12 =	simm.s32 $0xE80;
	[tilespmem:$0xEF0] =	vst v27  }
0x100: {  	[tilespmem:s28], [sflag:$0xE] =	stream.indirect.gather [hbm4b:s15+s4], $0x1, s12, s4, $0xb8;
	[tilespmem:$0x1400] =	vst v63  }
0x101: {  	_ =	swait.ge [sflag:s29], $0x180  }
0x102: {  	[sflag:s29] =	ssyncset.done $0x0  }
0x103: {  	[sflag:s29] =	ssyncadd.s32 $0xFFFFFE80  }
0x104: {  	v28 =	vld [tilespmem:$0x300]  }
0x105: {  	v29 =	vld [tilespmem:$0x700]  }
0x106: {  	v30 =	vld [tilespmem:$0xB00]  }
0x107: {  	v31 =	vld [tilespmem:$0x310]  }
0x108: {  	v32 =	vld [tilespmem:$0x710]  }
0x109: {  	v33 =	vld [tilespmem:$0xB10]  }
0x10a: {  	v34 =	vld [tilespmem:$0x320]  }
0x10b: {  	v35 =	vld [tilespmem:$0x720]  }
0x10c: {  	v36 =	vld [tilespmem:$0xB20]  }
0x10d: {  	v37 =	vld [tilespmem:$0x330]  }
0x10e: {  	v38 =	vld [tilespmem:$0x730]  }
0x10f: {  	v39 =	vld [tilespmem:$0xB30]  }
0x110: {  	v40 =	vld [tilespmem:$0x340]  }
0x111: {  	v41 =	vld [tilespmem:$0x740]  }
0x112: {  	v43 =	vld [tilespmem:$0x350]  }
0x113: {  	v44 =	vld [tilespmem:$0x750]  }
0x114: {  	v45 =	vld [tilespmem:$0x360]  }
0x115: {  	v46 =	vld [tilespmem:$0x760];
	v0 =	vmul.u32 $0x2710, v28;
	v1 =	vmul.u32 $0x64, v29;
	v3 =	vmul.u32 $0x2710, v31  }
0x116: {  	v49 =	vld [tilespmem:$0x370];
	v4 =	vmul.u32 $0x64, v32;
	v6 =	vmul.u32 $0x2710, v34;
	v7 =	vmul.u32 $0x64, v35  }
0x117: {  	v52 =	vld [tilespmem:$0x770];
	v47 =	vmul.u32 $0x2710, v37;
	v48 =	vmul.u32 $0x64, v38;
	v53 =	vmul.u32 $0x2710, v40  }
0x118: {  	v55 =	vld [tilespmem:$0xB50];
	v54 =	vmul.u32 $0x64, v41;
	v60 =	vmul.u32 $0x2710, v43;
	v0 =	vadd.s32 v0, v1  }
0x119: {  	v58 =	vld [tilespmem:$0xB60];
	v61 =	vmul.u32 $0x64, v44;
	v50 =	vadd.s32 v3, v4;
	v0 =	vadd.s32 v30, v0  }
0x11a: {  	v42 =	vld [tilespmem:$0xB40];
	v63 =	vmul.u32 $0x2710, v45;
	v51 =	vadd.s32 v6, v7;
	v56 =	vadd.s32 v33, v50;
	[tilespmem:$0xF00] =	vst v0  }
0x11b: {  	v62 =	vld [tilespmem:$0xB70];
	v12 =	vmul.u32 $0x64, v46;
	v1 =	vadd.s32 v47, v48;
	v57 =	vadd.s32 v36, v51;
	[tilespmem:$0xF10] =	vst v56  }
0x11c: {  	v14 =	vmul.u32 $0x2710, v49;
	v13 =	vadd.s32 v60, v61;
	v1 =	vadd.s32 v39, v1;
	[tilespmem:$0xF20] =	vst v57  }
0x11d: {  	v4 =	vmul.u32 $0x64, v52;
	v16 =	vadd.s32 v63, v12;
	v15 =	vadd.s32 v55, v13;
	[tilespmem:$0xF30] =	vst v1  }
0x11e: {  	v59 =	vadd.s32 v53, v54;
	v17 =	vadd.s32 v58, v16;
	[tilespmem:$0xF50] =	vst v15  }
0x11f: {  	v0 =	vadd.s32 v42, v59;
	v18 =	vadd.s32 v14, v4;
	[tilespmem:$0xF60] =	vst v17  }
0x120: {  	[tilespmem:$0xF40] =	vst v0;
	v19 =	vadd.s32 v62, v18  }
0x121: {  	s30 =	simm.s32 $0x8;
	s13 =	simm.s32 $0xF00;
	s12 =	simm.s32 $0x1300;
	[tilespmem:$0xF70] =	vst v19  }
0x122: {  	[tilespmem:s12], [sflag:$0xF] =	stream.indirect.gather [hbm4b:s15+s4], $0x1, s13, s4, $0xb8;
	[tilespmem:$0x1400] =	vst v63  }
0x123: {  	_ =	swait.ge [sflag:s30], $0x180  }
0x124: {  	[sflag:s30] =	ssyncset.done $0x0  }
0x125: {  	[sflag:s30] =	ssyncadd.s32 $0xFFFFFE80  }
0x126: {  	v20 =	vld [tilespmem:$0x380]  }
0x127: {  	v21 =	vld [tilespmem:$0x780]  }
0x128: {  	v22 =	vld [tilespmem:$0xB80]  }
0x129: {  	v23 =	vld [tilespmem:$0x390]  }
0x12a: {  	v24 =	vld [tilespmem:$0x790]  }
0x12b: {  	v25 =	vld [tilespmem:$0xB90]  }
0x12c: {  	v26 =	vld [tilespmem:$0x3A0]  }
0x12d: {  	v27 =	vld [tilespmem:$0x7A0]  }
0x12e: {  	v28 =	vld [tilespmem:$0xBA0]  }
0x12f: {  	v29 =	vld [tilespmem:$0x3B0]  }
0x130: {  	v30 =	vld [tilespmem:$0x7B0]  }
0x131: {  	v31 =	vld [tilespmem:$0xBB0]  }
0x132: {  	v32 =	vld [tilespmem:$0x3C0]  }
0x133: {  	v33 =	vld [tilespmem:$0x7C0]  }
0x134: {  	v35 =	vld [tilespmem:$0x3D0]  }
0x135: {  	v36 =	vld [tilespmem:$0x7D0]  }
0x136: {  	v37 =	vld [tilespmem:$0x3E0]  }
0x137: {  	v38 =	vld [tilespmem:$0x7E0];
	v0 =	vmul.u32 $0x2710, v20;
	v1 =	vmul.u32 $0x64, v21;
	v3 =	vmul.u32 $0x2710, v23  }
0x138: {  	v41 =	vld [tilespmem:$0x3F0];
	v4 =	vmul.u32 $0x64, v24;
	v6 =	vmul.u32 $0x2710, v26;
	v7 =	vmul.u32 $0x64, v27  }
0x139: {  	v44 =	vld [tilespmem:$0x7F0];
	v39 =	vmul.u32 $0x2710, v29;
	v40 =	vmul.u32 $0x64, v30;
	v45 =	vmul.u32 $0x2710, v32  }
0x13a: {  	v47 =	vld [tilespmem:$0xBD0];
	v46 =	vmul.u32 $0x64, v33;
	v52 =	vmul.u32 $0x2710, v35;
	v0 =	vadd.s32 v0, v1  }
0x13b: {  	v50 =	vld [tilespmem:$0xBE0];
	v53 =	vmul.u32 $0x64, v36;
	v42 =	vadd.s32 v3, v4;
	v0 =	vadd.s32 v22, v0  }
0x13c: {  	v34 =	vld [tilespmem:$0xBC0];
	v55 =	vmul.u32 $0x2710, v37;
	v43 =	vadd.s32 v6, v7;
	v48 =	vadd.s32 v25, v42;
	[tilespmem:$0xF80] =	vst v0  }
0x13d: {  	v54 =	vld [tilespmem:$0xBF0];
	v56 =	vmul.u32 $0x64, v38;
	v1 =	vadd.s32 v39, v40;
	v49 =	vadd.s32 v28, v43;
	[tilespmem:$0xF90] =	vst v48  }
0x13e: {  	v58 =	vmul.u32 $0x2710, v41;
	v57 =	vadd.s32 v52, v53;
	v1 =	vadd.s32 v31, v1;
	[tilespmem:$0xFA0] =	vst v49  }
0x13f: {  	v4 =	vmul.u32 $0x64, v44;
	v60 =	vadd.s32 v55, v56;
	v59 =	vadd.s32 v47, v57;
	[tilespmem:$0xFB0] =	vst v1  }
0x140: {  	v51 =	vadd.s32 v45, v46;
	v61 =	vadd.s32 v50, v60;
	[tilespmem:$0xFD0] =	vst v59  }
0x141: {  	v0 =	vadd.s32 v34, v51;
	v62 =	vadd.s32 v58, v4;
	[tilespmem:$0xFE0] =	vst v61  }
0x142: {  	[tilespmem:$0xFC0] =	vst v0;
	v63 =	vadd.s32 v54, v62  }
0x143: {  	s31 =	simm.s32 $0xF80;
	s14 =	simm.s32 $0x1380;
	[tilespmem:$0xFF0] =	vst v63  }
0x144: {  	[tilespmem:s14], [sflag:$0x10] =	stream.indirect.gather [hbm4b:s15+s4], $0x1, s31, s4, $0xb8;
	[tilespmem:$0x1400] =	vst v63  }
0x145: {  	s15 =	simm.s32 $0x9  }
0x146: {  	_ =	swait.ge [sflag:s15], $0x80  }
0x147: {  	s16 =	sshll.u32 s1, $0x7;
	[sflag:s15] =	ssyncset.done $0x0  }
0x148: {  	s3 =	sadd.s32 s3, s16;
	s17 =	simm.s32 $0xA;
	[sflag:s15] =	ssyncadd.s32 $0xFFFFFF80  }
0x149: {  	[hbm4b:s3+s2] =	stream.linear.scatter [tilespmem:s5], [sflag:$0x11], $0x80, $0x38;
	[tilespmem:$0x1400] =	vst v63  }
0x14a: {  	_ =	swait.ge [sflag:s17], $0x80  }
0x14b: {  	[sflag:s17] =	ssyncset.done $0x0  }
0x14c: {  	s18 =	sadd.s32 $0x10, s3;
	[sflag:s17] =	ssyncadd.s32 $0xFFFFFF80  }
0x14d: {  	[hbm4b:s18+s2] =	stream.linear.scatter [tilespmem:s19], [sflag:$0x11], $0x80, $0x38;
	[tilespmem:$0x1400] =	vst v63  }
0x14e: {  	s19 =	simm.s32 $0xB  }
0x14f: {  	_ =	swait.ge [sflag:s19], $0x80  }
0x150: {  	[sflag:s19] =	ssyncset.done $0x0  }
0x151: {  	s20 =	sadd.s32 $0x20, s3;
	[sflag:s19] =	ssyncadd.s32 $0xFFFFFF80  }
0x152: {  	[hbm4b:s20+s2] =	stream.linear.scatter [tilespmem:s21], [sflag:$0x11], $0x80, $0x38;
	[tilespmem:$0x1400] =	vst v63  }
0x153: {  	s21 =	simm.s32 $0xC  }
0x154: {  	_ =	swait.ge [sflag:s21], $0x80  }
0x155: {  	[sflag:s21] =	ssyncset.done $0x0  }
0x156: {  	s22 =	sadd.s32 $0x30, s3;
	[sflag:s21] =	ssyncadd.s32 $0xFFFFFF80  }
0x157: {  	[hbm4b:s22+s2] =	stream.linear.scatter [tilespmem:s23], [sflag:$0x11], $0x80, $0x38;
	[tilespmem:$0x1400] =	vst v63  }
0x158: {  	s23 =	simm.s32 $0xD  }
0x159: {  	_ =	swait.ge [sflag:s23], $0x80  }
0x15a: {  	[sflag:s23] =	ssyncset.done $0x0  }
0x15b: {  	s24 =	sadd.s32 $0x40, s3;
	[sflag:s23] =	ssyncadd.s32 $0xFFFFFF80  }
0x15c: {  	[hbm4b:s24+s2] =	stream.linear.scatter [tilespmem:s25], [sflag:$0x11], $0x80, $0x38;
	[tilespmem:$0x1400] =	vst v63  }
0x15d: {  	s25 =	simm.s32 $0xE  }
0x15e: {  	_ =	swait.ge [sflag:s25], $0x80  }
0x15f: {  	[sflag:s25] =	ssyncset.done $0x0  }
0x160: {  	s26 =	sadd.s32 $0x50, s3;
	[sflag:s25] =	ssyncadd.s32 $0xFFFFFF80  }
0x161: {  	[hbm4b:s26+s2] =	stream.linear.scatter [tilespmem:s28], [sflag:$0x11], $0x80, $0x38;
	[tilespmem:$0x1400] =	vst v63  }
0x162: {  	s28 =	simm.s32 $0xF  }
0x163: {  	_ =	swait.ge [sflag:s28], $0x80  }
0x164: {  	[sflag:s28] =	ssyncset.done $0x0  }
0x165: {  	s29 =	sadd.s32 $0x60, s3;
	s30 =	simm.s32 $0x10;
	[sflag:s28] =	ssyncadd.s32 $0xFFFFFF80  }
0x166: {  	[hbm4b:s29+s2] =	stream.linear.scatter [tilespmem:s12], [sflag:$0x11], $0x80, $0x38;
	[tilespmem:$0x1400] =	vst v63  }
0x167: {  	_ =	swait.ge [sflag:s30], $0x80  }
0x168: {  	[sflag:s30] =	ssyncset.done $0x0  }
0x169: {  	s31 =	simm.s32 $0x11;
	s3 =	sadd.s32 $0x70, s3;
	[sflag:s30] =	ssyncadd.s32 $0xFFFFFF80  }
0x16a: {  	[hbm4b:s3+s2] =	stream.linear.scatter [tilespmem:s14], [sflag:$0x11], $0x80, $0x38;
	[tilespmem:$0x1400] =	vst v63  }
0x16b: {  	_ =	swait.ge [sflag:s31], $0x80  }
0x16c: {  	[sflag:s31] =	ssyncset.done $0x0  }
0x16d: {  	[sflag:s31] =	ssyncadd.s32 $0xFFFFFF80  }
0x16e: {  	_ =	swait.ge [sflag:s31], $0x80  }
0x16f: {  	[sflag:s31] =	ssyncset.done $0x0  }
0x170: {  	[sflag:s31] =	ssyncadd.s32 $0xFFFFFF80  }
0x171: {  	_ =	swait.ge [sflag:s31], $0x80  }
0x172: {  	[sflag:s31] =	ssyncset.done $0x0  }
0x173: {  	[sflag:s31] =	ssyncadd.s32 $0xFFFFFF80  }
0x174: {  	_ =	swait.ge [sflag:s31], $0x80  }
0x175: {  	[sflag:s31] =	ssyncset.done $0x0  }
0x176: {  	[sflag:s31] =	ssyncadd.s32 $0xFFFFFF80  }
0x177: {  	_ =	swait.ge [sflag:s31], $0x80  }
0x178: {  	[sflag:s31] =	ssyncset.done $0x0  }
0x179: {  	[sflag:s31] =	ssyncadd.s32 $0xFFFFFF80  }
0x17a: {  	_ =	swait.ge [sflag:s31], $0x80  }
0x17b: {  	[sflag:s31] =	ssyncset.done $0x0  }
0x17c: {  	[sflag:s31] =	ssyncadd.s32 $0xFFFFFF80  }
0x17d: {  	_ =	swait.ge [sflag:s31], $0x80  }
0x17e: {  	[sflag:s31] =	ssyncset.done $0x0  }
0x17f: {  	[sflag:s31] =	ssyncadd.s32 $0xFFFFFF80  }
0x180: {  	_ =	swait.ge [sflag:s31], $0x80  }
0x181: {  	[sflag:s31] =	ssyncset.done $0x0  }
0x182: {  	[sflag:s31] =	ssyncadd.s32 $0xFFFFFF80  }
0x183: {  	_ =	sfence.sel $0x180000  }
0x184: {  	[bflag:$0x0] =	sbarrier.arrive $0xFFFF  }
0x185: {  	p0 =	sne.s32 s1, $0x0;
	_ =	strace $0x90000047  }
0x186: {  	s0 =	sadd.s32 @!p0 $0x100000, s0;
	[bflag:$0x2] =	sbarrier.arrive $0xFFFF  }
0x187: {  	[sflag:s0] =	ssyncadd.tile.s32 @!p0 $0x1;
	_ =	shalt  }
.Lfunc_end2:
_tile_overlayer_lowered:
.L_overlay_start_2:
0x188: {  	(tag) =	ssettag $0x2  }
0x189: {  	s0 =	rddreg [dreg:$0x0];
	s2 =	stileid.u32  }
0x18a: {  	s1 =	rddreg [dreg:$0x1];
	p0 =	sne.s32 s2, $0x0  }
0x18b: {  	s3 =	rddreg [dreg:$0x2];
	[bflag:$0x3] =	sbarrier.arrive $0xFFFF;
	s2 =	simm.s32 @!p0 $0x1C12  }
0x18c: {  	[timem:s3], [sflag:s2] =	dma.local @!p0 [hbm:s0], s1  }
0x18d: {  	s0 =	simm.s32 @!p0 $0x12  }
0x18e: {  	_ =	swait.ge @!p0 [sflag:s0], s1  }
0x18f: {  	s1 =	ssub.s32 @!p0 $0x0, s1;
	[sflag:s0] =	ssyncset.done @!p0 $0x0  }
0x190: {  	[sflag:s0] =	ssyncadd.s32 @!p0 s1  }
0x191: {  	[bflag:$0x3] =	sbarrier.arrive $0xFFFF  }
0x192: {  	_ =	shalt  }

</sc_bundles>
